<compile_context>
chip_gen: v7x
topology: tpu7x:2x2x1
jax: 0.10.2.dev20260603
libtpu: 0.0.44.dev20260713+nightly
codegen_flags: <defaults>
</compile_context>

<pallas_src>
import functools

import jax
import jax.numpy as jnp
from jax import lax
from jax.experimental import pallas as pl
from jax.experimental.pallas import tpu as pltpu
from jax.experimental.pallas import tpu_sc as plsc

N = 10000
FCH = 128
NTILES = 16
BATCH = 128
RPAD = 10240
RPT = RPAD // NTILES
DUMMY = RPAD - 1
RB = 1024
GRID = RPAD // RB

_mesh = plsc.VectorSubcoreMesh(core_axis_name="c", subcore_axis_name="s")


def _zero2d(ref):
    z = jnp.zeros((16,), jnp.float32)

    def body(i, carry):
        ref[i // 8, pl.ds((i % 8) * 16, 16)] = z
        return carry

    lax.fori_loop(0, 128 * 8, body, 0)


def _fill1d(ref, n16, value):
    v = jnp.full((16,), value, jnp.float32)

    def body(i, carry):
        ref[pl.ds(i * 16, 16)] = v
        return carry

    lax.fori_loop(0, n16, body, 0)


def _writeout(t, acc, out_hbm):
    pltpu.sync_copy(acc.at[pl.ds(t * RPT, RPT)], out_hbm.at[pl.ds(t * RPT, RPT)])


def _make_segsum(nchunks, with_deg, nb):
    cpc = nchunks // 2
    out_type = [jax.ShapeDtypeStruct((RPAD, FCH), jnp.float32) for _ in range(nchunks)]
    if with_deg:
        out_type.append(jax.ShapeDtypeStruct((RPAD,), jnp.float32))
    scratch = [
        pltpu.VMEM_SHARED((RPAD, FCH), jnp.float32),
        pltpu.VMEM((nb, BATCH), jnp.int32),
        pltpu.VMEM((nb, BATCH), jnp.int32),
        pltpu.VMEM((BATCH, FCH), jnp.float32),
        pltpu.SemaphoreType.DMA,
    ]
    if with_deg:
        scratch += [
            pltpu.VMEM_SHARED((RPAD,), jnp.float32),
            pltpu.VMEM((RPT,), jnp.float32),
            pltpu.VMEM((BATCH,), jnp.float32),
        ]

    @functools.partial(pl.kernel, out_type=out_type, mesh=_mesh,
                       scratch_types=scratch)
    def seg(*args):
        xs = args[:nchunks]
        srcw, dstw = args[nchunks], args[nchunks + 1]
        outs = args[nchunks + 2:2 * nchunks + 2]
        rest = args[2 * nchunks + 2:]
        if with_deg:
            deg_out = rest[0]
            acc, srcv, dstv, rows, sem, cnt, zcnt, ones = rest[1:]
        else:
            acc, srcv, dstv, rows, sem = rest

        c = lax.axis_index("c")
        t = lax.axis_index("s")

        pltpu.sync_copy(srcw.at[t], srcv)
        pltpu.sync_copy(dstw.at[t], dstv)
        if with_deg:
            _fill1d(zcnt, RPT // 16, 0.0)
            _fill1d(ones, BATCH // 16, 1.0)

        def run(x_hbm, do_deg):
            def body(b, carry):
                pltpu.async_copy(x_hbm.at[srcv.at[b]], rows, sem).wait()
                pltpu.sync_copy(rows, acc.at[dstv.at[b]], add=True)
                if do_deg:
                    pltpu.sync_copy(ones, cnt.at[dstv.at[b]], add=True)
                return carry
            lax.fori_loop(0, nb, body, 0)

        def phase(x_hbm, out_hbm, do_deg):
            _zero2d(rows)
            for j in range(RPT // 128):
                pltpu.sync_copy(rows, acc.at[pl.ds(t * RPT + j * 128, 128)])
            if do_deg:
                pltpu.sync_copy(zcnt, cnt.at[pl.ds(t * RPT, RPT)])
            plsc.subcore_barrier()
            run(x_hbm, do_deg)
            plsc.subcore_barrier()
            _writeout(t, acc, out_hbm)
            if do_deg:
                _writeout(t, cnt, deg_out)
            plsc.subcore_barrier()

        for p in range(cpc):
            @pl.when(c == 0)
            def _(p=p):
                phase(xs[p], outs[p], with_deg and p == 0)

            @pl.when(c == 1)
            def _(p=p):
                phase(xs[cpc + p], outs[cpc + p], False)

    return seg



_SELU_SCALE = 1.0507009873554805
_SELU_ALPHA = 1.6732632423543772


def _thresh(v):
    v = jnp.where(v > 1.0, v - 1.0, v)
    v = jnp.where(v <= -1.0, v + 1.0, v)
    return jnp.where((v >= -1.0) & (v <= 1.0), jnp.zeros_like(v), v)


def _t0_body(s0, s1, d, h0, h1):
    recip = 1.0 / jnp.maximum(d[...], 1.0)
    h0[...] = _thresh(s0[...] * recip)
    h1[...] = _thresh(s1[...] * recip)


def _t1_body(a0, a1, d, h0, h1, wl, wr, b1, o0, o1, o2, o3):
    recip = 1.0 / jnp.maximum(d[...], 1.0)
    wl_ = wl[...]
    wr_ = wr[...]
    acc = jnp.dot(a0[...] * recip, wl_[:FCH], preferred_element_type=jnp.float32)
    acc += jnp.dot(a1[...] * recip, wl_[FCH:], preferred_element_type=jnp.float32)
    acc += jnp.dot(h0[...], wr_[:FCH], preferred_element_type=jnp.float32)
    acc += jnp.dot(h1[...], wr_[FCH:], preferred_element_type=jnp.float32)
    acc += b1[...]
    act = _SELU_SCALE * jnp.where(acc > 0.0, acc,
                                  _SELU_ALPHA * (jnp.exp(acc) - 1.0))
    o0[...] = act[:, 0 * FCH:1 * FCH]
    o1[...] = act[:, 1 * FCH:2 * FCH]
    o2[...] = act[:, 2 * FCH:3 * FCH]
    o3[...] = act[:, 3 * FCH:4 * FCH]


def _t2_body(u0, u1, u2, u3, d, g0, g1, g2, g3, wl, wr, b2, out):
    recip = 1.0 / jnp.maximum(d[...], 1.0)
    wl_ = wl[...]
    wr_ = wr[...]
    acc = jnp.zeros((RB, 64), jnp.float32) + b2[...]
    for j, (u, g) in enumerate(((u0, g0), (u1, g1), (u2, g2), (u3, g3))):
        acc += jnp.dot(u[...] * recip, wl_[j * FCH:(j + 1) * FCH],
                       preferred_element_type=jnp.float32)
        acc += jnp.dot(g[...], wr_[j * FCH:(j + 1) * FCH],
                       preferred_element_type=jnp.float32)
    m = jnp.max(acc, axis=1, keepdims=True)
    e = jnp.exp(acc - m)
    out[...] = e / jnp.sum(e, axis=1, keepdims=True)


def _row_spec(w):
    return pl.BlockSpec((RB, w), lambda i: (i, 0))


def _full_spec(r, c):
    return pl.BlockSpec((r, c), lambda i: (0, 0))


def _tc_t0(s0, s1, deg2):
    return pl.pallas_call(
        _t0_body,
        grid=(GRID,),
        in_specs=[_row_spec(FCH), _row_spec(FCH), _row_spec(1)],
        out_specs=[_row_spec(FCH), _row_spec(FCH)],
        out_shape=[jax.ShapeDtypeStruct((RPAD, FCH), jnp.float32)] * 2,
    )(s0, s1, deg2)


def _tc_t1(a0, a1, deg2, h0, h1, wl, wr, b1):
    return pl.pallas_call(
        _t1_body,
        grid=(GRID,),
        in_specs=[_row_spec(FCH), _row_spec(FCH), _row_spec(1),
                  _row_spec(FCH), _row_spec(FCH),
                  _full_spec(256, 512), _full_spec(256, 512), _full_spec(1, 512)],
        out_specs=[_row_spec(FCH)] * 4,
        out_shape=[jax.ShapeDtypeStruct((RPAD, FCH), jnp.float32)] * 4,
    )(a0, a1, deg2, h0, h1, wl, wr, b1)


def _tc_t2(us, deg2, gs, wl, wr, b2):
    return pl.pallas_call(
        _t2_body,
        grid=(GRID,),
        in_specs=[_row_spec(FCH)] * 4 + [_row_spec(1)] + [_row_spec(FCH)] * 4
                 + [_full_spec(512, 64), _full_spec(512, 64), _full_spec(1, 64)],
        out_specs=_row_spec(64),
        out_shape=jax.ShapeDtypeStruct((RPAD, 64), jnp.float32),
    )(*us, deg2, *gs, wl, wr, b2)


def kernel(x, edge_index, W1l, b1, W1r, W2l, b2, W2r):
    src = edge_index[0].astype(jnp.int32)
    dst = edge_index[1].astype(jnp.int32)
    e = src.shape[0]
    grain = NTILES * BATCH * 2
    ep = -(-e // grain) * grain
    nb = ep // (NTILES * BATCH)
    srcw = jnp.concatenate(
        [src, jnp.zeros((ep - e,), jnp.int32)]).reshape(NTILES, nb, BATCH)
    dstw = jnp.concatenate(
        [dst, jnp.full((ep - e,), DUMMY, jnp.int32)]).reshape(NTILES, nb, BATCH)

    x0 = x[:, :FCH]
    x1 = x[:, FCH:]

    seg2d = _make_segsum(2, True, nb)
    seg2 = _make_segsum(2, False, nb)
    seg4 = _make_segsum(4, False, nb)

    s0, s1, deg = seg2d(x0, x1, srcw, dstw)
    deg2 = deg[:, None]

    h0, h1 = _tc_t0(s0, s1, deg2)

    a0, a1 = seg2(h0, h1, srcw, dstw)

    g0, g1, g2, g3 = _tc_t1(a0, a1, deg2, h0, h1,
                            W1l.T, W1r.T, b1[None, :])

    u0, u1, u2, u3 = seg4(g0, g1, g2, g3, srcw, dstw)

    out = _tc_t2((u0, u1, u2, u3), deg2, (g0, g1, g2, g3),
                 W2l.T, W2r.T, b2[None, :])
    return out[:N]

# --- scband reference (transcript-rebuilt; emitter-appended) ---
"""Pipeline reference for scband-node-classifier-2156073583046 (READ-ONLY COPY).

The authoritative reference and input builder live on the scoring server;
editing this copy changes nothing except your own understanding.
"""

import jax, jax.numpy as jnp
import numpy as np

N_NODES = 10000
D_IN = 256
D_HID = 512
N_CLASSES = 64
N_EDGES = 160000


def mean_agg(feat, src, dst, n):
    # torch_sparse matmul(adj_t, x, reduce='mean'):
    # out[i] = mean over in-neighbors j of feat[j]; empty rows -> 0
    s = jax.ops.segment_sum(feat[src], dst, num_segments=n)
    cnt = jax.ops.segment_sum(jnp.ones((src.shape[0],), feat.dtype), dst, num_segments=n)
    return s / jnp.maximum(cnt, 1.0)[:, None]


def setup_inputs(seed: int = 0) -> dict:
    key = jax.random.key(seed)
    ks = jax.random.split(key, 8)
    x = jax.random.normal(ks[0], (N_NODES, D_IN), dtype=jnp.float32)
    edge_index = jax.random.randint(ks[1], (2, N_EDGES), 0, N_NODES, dtype=jnp.int64)
    # SAGEConv params: lin_l (with bias) applied to aggregated neighbors,
    # lin_r (no bias) applied to root (root_weight=True, normalize=False)
    s1 = 1.0 / np.sqrt(D_IN)
    s2 = 1.0 / np.sqrt(D_HID)
    W1l = jax.random.uniform(ks[2], (D_HID, D_IN), jnp.float32, -s1, s1)
    b1 = jnp.zeros((D_HID,), jnp.float32)
    W1r = jax.random.uniform(ks[3], (D_HID, D_IN), jnp.float32, -s1, s1)
    W2l = jax.random.uniform(ks[4], (N_CLASSES, D_HID), jnp.float32, -s2, s2)
    b2 = jnp.zeros((N_CLASSES,), jnp.float32)
    W2r = jax.random.uniform(ks[5], (N_CLASSES, D_HID), jnp.float32, -s2, s2)
    return {"x": x, "edge_index": edge_index, "W1l": W1l, "b1": b1, "W1r": W1r,
            "W2l": W2l, "b2": b2, "W2r": W2r}


def reference(x, edge_index, W1l, b1, W1r, W2l, b2, W2r):
    src = edge_index[0]
    dst = edge_index[1]
    n = x.shape[0]
    # self.agg: KProp(steps=1, aggregator='mean', no self loops, no normalize)
    h = mean_agg(x, src, dst, n)
    # sequential in-place thresholding (C=1), masks evaluated sequentially
    h = jnp.where(h > 1.0, h - 1.0, h)
    h = jnp.where(h <= -1.0, h + 1.0, h)
    h = jnp.where((h >= -1.0) & (h <= 1.0), jnp.zeros_like(h), h)
    # x_hoa: HOA(steps=0) -> identity (K <= 0 returns x)
    # GraphSAGE conv1: SAGEConv(mean): lin_l(agg) + bias + lin_r(x)
    agg1 = mean_agg(h, src, dst, n)
    h1 = agg1 @ W1l.T + b1 + h @ W1r.T
    # SELU activation, dropout p=0.0 -> identity
    h1 = jax.nn.selu(h1)
    # conv2
    agg2 = mean_agg(h1, src, dst, n)
    h2 = agg2 @ W2l.T + b2 + h1 @ W2r.T
    # final softmax over classes
    return jax.nn.softmax(h2, axis=1)

if __name__ == "__main__":
    import jax
    _d = setup_inputs()
    print(jax.jit(kernel)(*tuple(_d.values())))

</pallas_src>

<mosaic_0001>
#map = affine_map<(d0, d1) -> (0, 0)>
#map1 = affine_map<(d0, d1) -> (0, 0, 0)>
module attributes {stable_mosaic.version = 14 : i64} {
  func.func @seg(%arg0: i32, %arg1: i32, %arg2: memref<10240x128xf32, #tpu.memory_space<hbm>>, %arg3: memref<10240x128xf32, #tpu.memory_space<hbm>>, %arg4: memref<16x80x128xi32, #tpu.memory_space<hbm>>, %arg5: memref<16x80x128xi32, #tpu.memory_space<hbm>>, %arg6: memref<10240x128xf32, #tpu.memory_space<hbm>>, %arg7: memref<10240x128xf32, #tpu.memory_space<hbm>>, %arg8: memref<10240x128xf32, #tpu.memory_space<vmem_shared>>, %arg9: memref<80x128xi32, #tpu.memory_space<vmem>>, %arg10: memref<80x128xi32, #tpu.memory_space<vmem>>, %arg11: memref<128x128xf32, #tpu.memory_space<vmem>>, %arg12: memref<!tpu.dma_semaphore, #tpu.memory_space<semaphore_mem>>) attributes {dimension_semantics = [#tpu.dimension_semantics<core_parallel>, #tpu.dimension_semantics<subcore_parallel>], iteration_bounds = array<i64: 2, 16>, scalar_prefetch = 0 : i64, scratch_operands = 5 : i64, tpu.core_type = #tpu.core_type<sc_vector_subcore>, window_params = [{transform_indices = #map}, {transform_indices = #map}, {transform_indices = #map1}, {transform_indices = #map1}, {transform_indices = #map}, {transform_indices = #map}]} {
    "tpu.region"() ({
      %run_scoped3A = tpu.sem_alloc : memref<!tpu.dma_semaphore, #tpu.memory_space<semaphore_mem>>
      %dma_start3A = arith.constant 0 : i32
      %dma_start3A_7 = arith.constant 0 : i32
      %dma_start3A_8 = tpu.memref_slice %arg4[%arg1, %dma_start3A, %dma_start3A_7] : memref<16x80x128xi32, #tpu.memory_space<hbm>> -> memref<1x80x128xi32, #tpu.memory_space<hbm>>
      %dma_start3A_9 = tpu.memref_squeeze %dma_start3A_8 : memref<1x80x128xi32, #tpu.memory_space<hbm>> -> memref<80x128xi32, #tpu.memory_space<hbm>>
      %dma_start3A_10 = arith.constant 0 : i32
      %dma_start3A_11 = arith.constant 0 : i32
      %dma_start3A_12 = tpu.memref_slice %arg4[%arg1, %dma_start3A_10, %dma_start3A_11] : memref<16x80x128xi32, #tpu.memory_space<hbm>> -> memref<1x80x128xi32, #tpu.memory_space<hbm>>
      %dma_start3A_13 = tpu.memref_squeeze %dma_start3A_12 : memref<1x80x128xi32, #tpu.memory_space<hbm>> -> memref<80x128xi32, #tpu.memory_space<hbm>>
      tpu.enqueue_dma source(%dma_start3A_13 : memref<80x128xi32, #tpu.memory_space<hbm>>) target(%arg9 : memref<80x128xi32, #tpu.memory_space<vmem>>) target_semaphore(%run_scoped3A : memref<!tpu.dma_semaphore, #tpu.memory_space<semaphore_mem>>)
      %dma_wait3A = arith.constant 0 : i32
      %dma_wait3A_14 = arith.constant 0 : i32
      %dma_wait3A_15 = tpu.memref_slice %arg4[%arg1, %dma_wait3A, %dma_wait3A_14] : memref<16x80x128xi32, #tpu.memory_space<hbm>> -> memref<1x80x128xi32, #tpu.memory_space<hbm>>
      %dma_wait3A_16 = tpu.memref_squeeze %dma_wait3A_15 : memref<1x80x128xi32, #tpu.memory_space<hbm>> -> memref<80x128xi32, #tpu.memory_space<hbm>>
      %dma_wait3A_17 = arith.constant 0 : i32
      %dma_wait3A_18 = arith.constant 0 : i32
      %dma_wait3A_19 = tpu.memref_slice %arg4[%arg1, %dma_wait3A_17, %dma_wait3A_18] : memref<16x80x128xi32, #tpu.memory_space<hbm>> -> memref<1x80x128xi32, #tpu.memory_space<hbm>>
      %dma_wait3A_20 = tpu.memref_squeeze %dma_wait3A_19 : memref<1x80x128xi32, #tpu.memory_space<hbm>> -> memref<80x128xi32, #tpu.memory_space<hbm>>
      tpu.wait_dma2 semaphore(%run_scoped3A : memref<!tpu.dma_semaphore, #tpu.memory_space<semaphore_mem>>) src(%dma_wait3A_20 : memref<80x128xi32, #tpu.memory_space<hbm>>) dst(%arg9 : memref<80x128xi32, #tpu.memory_space<vmem>>)
      tpu.yield
    }) : () -> ()
    "tpu.region"() ({
      %run_scoped3A = tpu.sem_alloc : memref<!tpu.dma_semaphore, #tpu.memory_space<semaphore_mem>>
      %dma_start3A = arith.constant 0 : i32
      %dma_start3A_7 = arith.constant 0 : i32
      %dma_start3A_8 = tpu.memref_slice %arg5[%arg1, %dma_start3A, %dma_start3A_7] : memref<16x80x128xi32, #tpu.memory_space<hbm>> -> memref<1x80x128xi32, #tpu.memory_space<hbm>>
      %dma_start3A_9 = tpu.memref_squeeze %dma_start3A_8 : memref<1x80x128xi32, #tpu.memory_space<hbm>> -> memref<80x128xi32, #tpu.memory_space<hbm>>
      %dma_start3A_10 = arith.constant 0 : i32
      %dma_start3A_11 = arith.constant 0 : i32
      %dma_start3A_12 = tpu.memref_slice %arg5[%arg1, %dma_start3A_10, %dma_start3A_11] : memref<16x80x128xi32, #tpu.memory_space<hbm>> -> memref<1x80x128xi32, #tpu.memory_space<hbm>>
      %dma_start3A_13 = tpu.memref_squeeze %dma_start3A_12 : memref<1x80x128xi32, #tpu.memory_space<hbm>> -> memref<80x128xi32, #tpu.memory_space<hbm>>
      tpu.enqueue_dma source(%dma_start3A_13 : memref<80x128xi32, #tpu.memory_space<hbm>>) target(%arg10 : memref<80x128xi32, #tpu.memory_space<vmem>>) target_semaphore(%run_scoped3A : memref<!tpu.dma_semaphore, #tpu.memory_space<semaphore_mem>>)
      %dma_wait3A = arith.constant 0 : i32
      %dma_wait3A_14 = arith.constant 0 : i32
      %dma_wait3A_15 = tpu.memref_slice %arg5[%arg1, %dma_wait3A, %dma_wait3A_14] : memref<16x80x128xi32, #tpu.memory_space<hbm>> -> memref<1x80x128xi32, #tpu.memory_space<hbm>>
      %dma_wait3A_16 = tpu.memref_squeeze %dma_wait3A_15 : memref<1x80x128xi32, #tpu.memory_space<hbm>> -> memref<80x128xi32, #tpu.memory_space<hbm>>
      %dma_wait3A_17 = arith.constant 0 : i32
      %dma_wait3A_18 = arith.constant 0 : i32
      %dma_wait3A_19 = tpu.memref_slice %arg5[%arg1, %dma_wait3A_17, %dma_wait3A_18] : memref<16x80x128xi32, #tpu.memory_space<hbm>> -> memref<1x80x128xi32, #tpu.memory_space<hbm>>
      %dma_wait3A_20 = tpu.memref_squeeze %dma_wait3A_19 : memref<1x80x128xi32, #tpu.memory_space<hbm>> -> memref<80x128xi32, #tpu.memory_space<hbm>>
      tpu.wait_dma2 semaphore(%run_scoped3A : memref<!tpu.dma_semaphore, #tpu.memory_space<semaphore_mem>>) src(%dma_wait3A_20 : memref<80x128xi32, #tpu.memory_space<hbm>>) dst(%arg10 : memref<80x128xi32, #tpu.memory_space<vmem>>)
      tpu.yield
    }) : () -> ()
    %eq3A = arith.constant 0 : i32
    %eq3A_0 = arith.cmpi eq, %arg0, %eq3A : i32
    %convert_element_type3A = arith.extui %eq3A_0 : i1 to i32
    %cond3A = arith.constant 0 : i32
    %cond3A_1 = arith.cmpi ne, %convert_element_type3A, %cond3A : i32
    scf.if %cond3A_1 {
      %broadcast_in_dim3A = arith.constant 0.000000e+00 : f32
      %broadcast_in_dim3A_7 = vector.broadcast %broadcast_in_dim3A : f32 to vector<16xf32>
      %scan3A = arith.constant 0 : i32
      %scan3A_8 = arith.constant 0 : i32
      %scan3A_9 = arith.constant 1024 : i32
      %scan3A_10 = arith.addi %scan3A_8, %scan3A_9 : i32
      %scan3A_11 = arith.constant 1 : i32
      scf.for %scan3A_43 = %scan3A_8 to %scan3A_10 step %scan3A_11  : i32 {
        %jit3A = arith.constant 8 : i32
        %div3A = arith.divsi %scan3A_43, %jit3A : i32
        %sign3A = arith.constant 0 : i32
        %sign3A_44 = arith.cmpi sgt, %scan3A_43, %sign3A : i32
        %sign3A_45 = arith.extui %sign3A_44 : i1 to i32
        %sign3A_46 = arith.constant 0 : i32
        %sign3A_47 = arith.cmpi slt, %scan3A_43, %sign3A_46 : i32
        %sign3A_48 = arith.extui %sign3A_47 : i1 to i32
        %sign3A_49 = arith.subi %sign3A_45, %sign3A_48 : i32
        %sign3A_50 = arith.constant 0 : i32
        %sign3A_51 = arith.cmpi sgt, %jit3A, %sign3A_50 : i32
        %sign3A_52 = arith.extui %sign3A_51 : i1 to i32
        %sign3A_53 = arith.constant 0 : i32
        %sign3A_54 = arith.cmpi slt, %jit3A, %sign3A_53 : i32
        %sign3A_55 = arith.extui %sign3A_54 : i1 to i32
        %sign3A_56 = arith.subi %sign3A_52, %sign3A_55 : i32
        %ne3A = arith.cmpi ne, %sign3A_49, %sign3A_56 : i32
        %rem3A = arith.remsi %scan3A_43, %jit3A : i32
        %ne3A_57 = arith.constant 0 : i32
        %ne3A_58 = arith.cmpi ne, %rem3A, %ne3A_57 : i32
        %and3A = arith.andi %ne3A, %ne3A_58 : i1
        %sub3A = arith.constant 1 : i32
        %sub3A_59 = arith.subi %div3A, %sub3A : i32
        %select_n3A = arith.select %and3A, %sub3A_59, %div3A : i32
        %jit3A_60 = arith.constant 8 : i32
        %eq3A_61 = arith.constant 0 : i32
        %eq3A_62 = arith.cmpi eq, %jit3A_60, %eq3A_61 : i32
        %jit3A_63 = arith.constant 1 : i32
        %select_n3A_64 = arith.select %eq3A_62, %jit3A_63, %jit3A_60 : i32
        %rem3A_65 = arith.remsi %scan3A_43, %select_n3A_64 : i32
        %ne3A_66 = arith.constant 0 : i32
        %ne3A_67 = arith.cmpi ne, %rem3A_65, %ne3A_66 : i32
        %lt3A = arith.constant 0 : i32
        %lt3A_68 = arith.cmpi slt, %rem3A_65, %lt3A : i32
        %lt3A_69 = arith.constant 0 : i32
        %lt3A_70 = arith.cmpi slt, %select_n3A_64, %lt3A_69 : i32
        %ne3A_71 = arith.xori %lt3A_68, %lt3A_70 : i1
        %and3A_72 = arith.andi %ne3A_71, %ne3A_67 : i1
        %add3A_73 = arith.addi %rem3A_65, %select_n3A_64 : i32
        %select_n3A_74 = arith.select %and3A_72, %add3A_73, %rem3A_65 : i32
        %mul3A_75 = arith.constant 16 : i32
        %mul3A_76 = arith.muli %select_n3A_74, %mul3A_75 : i32
        %swap3A = arith.index_cast %select_n3A : i32 to index
        %swap3A_77 = arith.index_cast %mul3A_76 : i32 to index
        %swap3A_78 = tpu.vector_load %arg11[%swap3A, %swap3A_77] {strides = array<i32>} : memref<128x128xf32, #tpu.memory_space<vmem>>, vector<1x16xf32>,
        %swap3A_79 = vector.shape_cast %swap3A_78 : vector<1x16xf32> to vector<16xf32>
        %swap3A_80 = vector.shape_cast %broadcast_in_dim3A_7 : vector<16xf32> to vector<1x16xf32>
        tpu.vector_store %arg11[%swap3A, %swap3A_77], %swap3A_80 {strides = array<i32>} : memref<128x128xf32, #tpu.memory_space<vmem>>, vector<1x16xf32>,
      }
      %scan3A_12 = arith.constant 1024 : i32
      %mul3A = arith.constant 640 : i32
      %mul3A_13 = arith.muli %arg1, %mul3A : i32
      %add3A = arith.constant 0 : i32
      %add3A_14 = arith.addi %mul3A_13, %add3A : i32
      "tpu.region"() ({
        %run_scoped3A = tpu.sem_alloc : memref<!tpu.dma_semaphore, #tpu.memory_space<semaphore_mem>>
        %dma_start3A = arith.constant 0 : i32
        %dma_start3A_43 = tpu.memref_slice %arg8[%add3A_14, %dma_start3A] : memref<10240x128xf32, #tpu.memory_space<vmem_shared>> -> memref<128x128xf32, #tpu.memory_space<vmem_shared>>
        %dma_start3A_44 = arith.constant 0 : i32
        %dma_start3A_45 = tpu.memref_slice %arg8[%add3A_14, %dma_start3A_44] : memref<10240x128xf32, #tpu.memory_space<vmem_shared>> -> memref<128x128xf32, #tpu.memory_space<vmem_shared>>
        tpu.enqueue_dma source(%arg11 : memref<128x128xf32, #tpu.memory_space<vmem>>) target(%dma_start3A_45 : memref<128x128xf32, #tpu.memory_space<vmem_shared>>) target_semaphore(%run_scoped3A : memref<!tpu.dma_semaphore, #tpu.memory_space<semaphore_mem>>)
        %dma_wait3A = arith.constant 0 : i32
        %dma_wait3A_46 = tpu.memref_slice %arg8[%add3A_14, %dma_wait3A] : memref<10240x128xf32, #tpu.memory_space<vmem_shared>> -> memref<128x128xf32, #tpu.memory_space<vmem_shared>>
        %dma_wait3A_47 = arith.constant 0 : i32
        %dma_wait3A_48 = tpu.memref_slice %arg8[%add3A_14, %dma_wait3A_47] : memref<10240x128xf32, #tpu.memory_space<vmem_shared>> -> memref<128x128xf32, #tpu.memory_space<vmem_shared>>
        tpu.wait_dma2 semaphore(%run_scoped3A : memref<!tpu.dma_semaphore, #tpu.memory_space<semaphore_mem>>) src(%arg11 : memref<128x128xf32, #tpu.memory_space<vmem>>) dst(%dma_wait3A_48 : memref<128x128xf32, #tpu.memory_space<vmem_shared>>)
        tpu.yield
      }) : () -> ()
      %mul3A_15 = arith.constant 640 : i32
      %mul3A_16 = arith.muli %arg1, %mul3A_15 : i32
      %add3A_17 = arith.constant 128 : i32
      %add3A_18 = arith.addi %mul3A_16, %add3A_17 : i32
      "tpu.region"() ({
        %run_scoped3A = tpu.sem_alloc : memref<!tpu.dma_semaphore, #tpu.memory_space<semaphore_mem>>
        %dma_start3A = arith.constant 0 : i32
        %dma_start3A_43 = tpu.memref_slice %arg8[%add3A_18, %dma_start3A] : memref<10240x128xf32, #tpu.memory_space<vmem_shared>> -> memref<128x128xf32, #tpu.memory_space<vmem_shared>>
        %dma_start3A_44 = arith.constant 0 : i32
        %dma_start3A_45 = tpu.memref_slice %arg8[%add3A_18, %dma_start3A_44] : memref<10240x128xf32, #tpu.memory_space<vmem_shared>> -> memref<128x128xf32, #tpu.memory_space<vmem_shared>>
        tpu.enqueue_dma source(%arg11 : memref<128x128xf32, #tpu.memory_space<vmem>>) target(%dma_start3A_45 : memref<128x128xf32, #tpu.memory_space<vmem_shared>>) target_semaphore(%run_scoped3A : memref<!tpu.dma_semaphore, #tpu.memory_space<semaphore_mem>>)
        %dma_wait3A = arith.constant 0 : i32
        %dma_wait3A_46 = tpu.memref_slice %arg8[%add3A_18, %dma_wait3A] : memref<10240x128xf32, #tpu.memory_space<vmem_shared>> -> memref<128x128xf32, #tpu.memory_space<vmem_shared>>
        %dma_wait3A_47 = arith.constant 0 : i32
        %dma_wait3A_48 = tpu.memref_slice %arg8[%add3A_18, %dma_wait3A_47] : memref<10240x128xf32, #tpu.memory_space<vmem_shared>> -> memref<128x128xf32, #tpu.memory_space<vmem_shared>>
        tpu.wait_dma2 semaphore(%run_scoped3A : memref<!tpu.dma_semaphore, #tpu.memory_space<semaphore_mem>>) src(%arg11 : memref<128x128xf32, #tpu.memory_space<vmem>>) dst(%dma_wait3A_48 : memref<128x128xf32, #tpu.memory_space<vmem_shared>>)
        tpu.yield
      }) : () -> ()
      %mul3A_19 = arith.constant 640 : i32
      %mul3A_20 = arith.muli %arg1, %mul3A_19 : i32
      %add3A_21 = arith.constant 256 : i32
      %add3A_22 = arith.addi %mul3A_20, %add3A_21 : i32
      "tpu.region"() ({
        %run_scoped3A = tpu.sem_alloc : memref<!tpu.dma_semaphore, #tpu.memory_space<semaphore_mem>>
        %dma_start3A = arith.constant 0 : i32
        %dma_start3A_43 = tpu.memref_slice %arg8[%add3A_22, %dma_start3A] : memref<10240x128xf32, #tpu.memory_space<vmem_shared>> -> memref<128x128xf32, #tpu.memory_space<vmem_shared>>
        %dma_start3A_44 = arith.constant 0 : i32
        %dma_start3A_45 = tpu.memref_slice %arg8[%add3A_22, %dma_start3A_44] : memref<10240x128xf32, #tpu.memory_space<vmem_shared>> -> memref<128x128xf32, #tpu.memory_space<vmem_shared>>
        tpu.enqueue_dma source(%arg11 : memref<128x128xf32, #tpu.memory_space<vmem>>) target(%dma_start3A_45 : memref<128x128xf32, #tpu.memory_space<vmem_shared>>) target_semaphore(%run_scoped3A : memref<!tpu.dma_semaphore, #tpu.memory_space<semaphore_mem>>)
        %dma_wait3A = arith.constant 0 : i32
        %dma_wait3A_46 = tpu.memref_slice %arg8[%add3A_22, %dma_wait3A] : memref<10240x128xf32, #tpu.memory_space<vmem_shared>> -> memref<128x128xf32, #tpu.memory_space<vmem_shared>>
        %dma_wait3A_47 = arith.constant 0 : i32
        %dma_wait3A_48 = tpu.memref_slice %arg8[%add3A_22, %dma_wait3A_47] : memref<10240x128xf32, #tpu.memory_space<vmem_shared>> -> memref<128x128xf32, #tpu.memory_space<vmem_shared>>
        tpu.wait_dma2 semaphore(%run_scoped3A : memref<!tpu.dma_semaphore, #tpu.memory_space<semaphore_mem>>) src(%arg11 : memref<128x128xf32, #tpu.memory_space<vmem>>) dst(%dma_wait3A_48 : memref<128x128xf32, #tpu.memory_space<vmem_shared>>)
        tpu.yield
      }) : () -> ()
      %mul3A_23 = arith.constant 640 : i32
      %mul3A_24 = arith.muli %arg1, %mul3A_23 : i32
      %add3A_25 = arith.constant 384 : i32
      %add3A_26 = arith.addi %mul3A_24, %add3A_25 : i32
      "tpu.region"() ({
        %run_scoped3A = tpu.sem_alloc : memref<!tpu.dma_semaphore, #tpu.memory_space<semaphore_mem>>
        %dma_start3A = arith.constant 0 : i32
        %dma_start3A_43 = tpu.memref_slice %arg8[%add3A_26, %dma_start3A] : memref<10240x128xf32, #tpu.memory_space<vmem_shared>> -> memref<128x128xf32, #tpu.memory_space<vmem_shared>>
        %dma_start3A_44 = arith.constant 0 : i32
        %dma_start3A_45 = tpu.memref_slice %arg8[%add3A_26, %dma_start3A_44] : memref<10240x128xf32, #tpu.memory_space<vmem_shared>> -> memref<128x128xf32, #tpu.memory_space<vmem_shared>>
        tpu.enqueue_dma source(%arg11 : memref<128x128xf32, #tpu.memory_space<vmem>>) target(%dma_start3A_45 : memref<128x128xf32, #tpu.memory_space<vmem_shared>>) target_semaphore(%run_scoped3A : memref<!tpu.dma_semaphore, #tpu.memory_space<semaphore_mem>>)
        %dma_wait3A = arith.constant 0 : i32
        %dma_wait3A_46 = tpu.memref_slice %arg8[%add3A_26, %dma_wait3A] : memref<10240x128xf32, #tpu.memory_space<vmem_shared>> -> memref<128x128xf32, #tpu.memory_space<vmem_shared>>
        %dma_wait3A_47 = arith.constant 0 : i32
        %dma_wait3A_48 = tpu.memref_slice %arg8[%add3A_26, %dma_wait3A_47] : memref<10240x128xf32, #tpu.memory_space<vmem_shared>> -> memref<128x128xf32, #tpu.memory_space<vmem_shared>>
        tpu.wait_dma2 semaphore(%run_scoped3A : memref<!tpu.dma_semaphore, #tpu.memory_space<semaphore_mem>>) src(%arg11 : memref<128x128xf32, #tpu.memory_space<vmem>>) dst(%dma_wait3A_48 : memref<128x128xf32, #tpu.memory_space<vmem_shared>>)
        tpu.yield
      }) : () -> ()
      %mul3A_27 = arith.constant 640 : i32
      %mul3A_28 = arith.muli %arg1, %mul3A_27 : i32
      %add3A_29 = arith.constant 512 : i32
      %add3A_30 = arith.addi %mul3A_28, %add3A_29 : i32
      "tpu.region"() ({
        %run_scoped3A = tpu.sem_alloc : memref<!tpu.dma_semaphore, #tpu.memory_space<semaphore_mem>>
        %dma_start3A = arith.constant 0 : i32
        %dma_start3A_43 = tpu.memref_slice %arg8[%add3A_30, %dma_start3A] : memref<10240x128xf32, #tpu.memory_space<vmem_shared>> -> memref<128x128xf32, #tpu.memory_space<vmem_shared>>
        %dma_start3A_44 = arith.constant 0 : i32
        %dma_start3A_45 = tpu.memref_slice %arg8[%add3A_30, %dma_start3A_44] : memref<10240x128xf32, #tpu.memory_space<vmem_shared>> -> memref<128x128xf32, #tpu.memory_space<vmem_shared>>
        tpu.enqueue_dma source(%arg11 : memref<128x128xf32, #tpu.memory_space<vmem>>) target(%dma_start3A_45 : memref<128x128xf32, #tpu.memory_space<vmem_shared>>) target_semaphore(%run_scoped3A : memref<!tpu.dma_semaphore, #tpu.memory_space<semaphore_mem>>)
        %dma_wait3A = arith.constant 0 : i32
        %dma_wait3A_46 = tpu.memref_slice %arg8[%add3A_30, %dma_wait3A] : memref<10240x128xf32, #tpu.memory_space<vmem_shared>> -> memref<128x128xf32, #tpu.memory_space<vmem_shared>>
        %dma_wait3A_47 = arith.constant 0 : i32
        %dma_wait3A_48 = tpu.memref_slice %arg8[%add3A_30, %dma_wait3A_47] : memref<10240x128xf32, #tpu.memory_space<vmem_shared>> -> memref<128x128xf32, #tpu.memory_space<vmem_shared>>
        tpu.wait_dma2 semaphore(%run_scoped3A : memref<!tpu.dma_semaphore, #tpu.memory_space<semaphore_mem>>) src(%arg11 : memref<128x128xf32, #tpu.memory_space<vmem>>) dst(%dma_wait3A_48 : memref<128x128xf32, #tpu.memory_space<vmem_shared>>)
        tpu.yield
      }) : () -> ()
      %barrier3A = arith.constant 0 : index
      tpu.barrier barrier_id(%barrier3A)
      %scan3A_31 = arith.constant 0 : i32
      %scan3A_32 = arith.constant 0 : i32
      %scan3A_33 = arith.constant 80 : i32
      %scan3A_34 = arith.addi %scan3A_32, %scan3A_33 : i32
      %scan3A_35 = arith.constant 1 : i32
      scf.for %scan3A_43 = %scan3A_32 to %scan3A_34 step %scan3A_35  : i32 {
        %dma_start3A = arith.constant 0 : i32
        %dma_start3A_44 = tpu.memref_slice %arg9[%scan3A_43, %dma_start3A] : memref<80x128xi32, #tpu.memory_space<vmem>> -> memref<1x128xi32, #tpu.memory_space<vmem>>
        %dma_start3A_45 = tpu.memref_squeeze %dma_start3A_44 : memref<1x128xi32, #tpu.memory_space<vmem>> -> memref<128xi32, #tpu.memory_space<vmem>>
        %dma_start3A_46 = arith.constant 0 : i32
        %dma_start3A_47 = arith.constant 0 : i32
        %dma_start3A_48 = tpu.memref_slice %arg2[%dma_start3A_46, %dma_start3A_47] : memref<10240x128xf32, #tpu.memory_space<hbm>> -> memref<10240x128xf32, #tpu.memory_space<hbm>>
        tpu.enqueue_indirect_dma source(%dma_start3A_48 : memref<10240x128xf32, #tpu.memory_space<hbm>>) target(%arg11 : memref<128x128xf32, #tpu.memory_space<vmem>>) offsets(%dma_start3A_45 : memref<128xi32, #tpu.memory_space<vmem>>) semaphore(%arg12 : memref<!tpu.dma_semaphore, #tpu.memory_space<semaphore_mem>>)
        %dma_wait3A = arith.constant 0 : i32
        %dma_wait3A_49 = tpu.memref_slice %arg9[%scan3A_43, %dma_wait3A] : memref<80x128xi32, #tpu.memory_space<vmem>> -> memref<1x128xi32, #tpu.memory_space<vmem>>
        %dma_wait3A_50 = tpu.memref_squeeze %dma_wait3A_49 : memref<1x128xi32, #tpu.memory_space<vmem>> -> memref<128xi32, #tpu.memory_space<vmem>>
        %dma_wait3A_51 = arith.constant 0 : i32
        %dma_wait3A_52 = arith.constant 0 : i32
        %dma_wait3A_53 = tpu.memref_slice %arg2[%dma_wait3A_51, %dma_wait3A_52] : memref<10240x128xf32, #tpu.memory_space<hbm>> -> memref<10240x128xf32, #tpu.memory_space<hbm>>
        tpu.wait_indirect_dma semaphore(%arg12 : memref<!tpu.dma_semaphore, #tpu.memory_space<semaphore_mem>>) src(%dma_wait3A_53 : memref<10240x128xf32, #tpu.memory_space<hbm>>) dst(%arg11 : memref<128x128xf32, #tpu.memory_space<vmem>>)
        "tpu.region"() ({
          %run_scoped3A = tpu.sem_alloc : memref<!tpu.dma_semaphore, #tpu.memory_space<semaphore_mem>>
          %dma_start3A_54 = arith.constant 0 : i32
          %dma_start3A_55 = tpu.memref_slice %arg10[%scan3A_43, %dma_start3A_54] : memref<80x128xi32, #tpu.memory_space<vmem>> -> memref<1x128xi32, #tpu.memory_space<vmem>>
          %dma_start3A_56 = tpu.memref_squeeze %dma_start3A_55 : memref<1x128xi32, #tpu.memory_space<vmem>> -> memref<128xi32, #tpu.memory_space<vmem>>
          %dma_start3A_57 = arith.constant 0 : i32
          %dma_start3A_58 = arith.constant 0 : i32
          %dma_start3A_59 = tpu.memref_slice %arg8[%dma_start3A_57, %dma_start3A_58] : memref<10240x128xf32, #tpu.memory_space<vmem_shared>> -> memref<10240x128xf32, #tpu.memory_space<vmem_shared>>
          tpu.enqueue_indirect_dma source(%arg11 : memref<128x128xf32, #tpu.memory_space<vmem>>) target(%dma_start3A_59 : memref<10240x128xf32, #tpu.memory_space<vmem_shared>>) offsets(%dma_start3A_56 : memref<128xi32, #tpu.memory_space<vmem>>) semaphore(%run_scoped3A : memref<!tpu.dma_semaphore, #tpu.memory_space<semaphore_mem>>) {add = true}
          %dma_wait3A_60 = arith.constant 0 : i32
          %dma_wait3A_61 = tpu.memref_slice %arg10[%scan3A_43, %dma_wait3A_60] : memref<80x128xi32, #tpu.memory_space<vmem>> -> memref<1x128xi32, #tpu.memory_space<vmem>>
          %dma_wait3A_62 = tpu.memref_squeeze %dma_wait3A_61 : memref<1x128xi32, #tpu.memory_space<vmem>> -> memref<128xi32, #tpu.memory_space<vmem>>
          %dma_wait3A_63 = arith.constant 0 : i32
          %dma_wait3A_64 = arith.constant 0 : i32
          %dma_wait3A_65 = tpu.memref_slice %arg8[%dma_wait3A_63, %dma_wait3A_64] : memref<10240x128xf32, #tpu.memory_space<vmem_shared>> -> memref<10240x128xf32, #tpu.memory_space<vmem_shared>>
          tpu.wait_indirect_dma semaphore(%run_scoped3A : memref<!tpu.dma_semaphore, #tpu.memory_space<semaphore_mem>>) src(%arg11 : memref<128x128xf32, #tpu.memory_space<vmem>>) dst(%dma_wait3A_65 : memref<10240x128xf32, #tpu.memory_space<vmem_shared>>)
          tpu.yield
        }) : () -> ()
      }
      %scan3A_36 = arith.constant 80 : i32
      %barrier3A_37 = arith.constant 0 : index
      tpu.barrier barrier_id(%barrier3A_37)
      %mul3A_38 = arith.constant 640 : i32
      %mul3A_39 = arith.muli %arg1, %mul3A_38 : i32
      %mul3A_40 = arith.constant 640 : i32
      %mul3A_41 = arith.muli %arg1, %mul3A_40 : i32
      "tpu.region"() ({
        %run_scoped3A = tpu.sem_alloc : memref<!tpu.dma_semaphore, #tpu.memory_space<semaphore_mem>>
        %dma_start3A = arith.constant 0 : i32
        %dma_start3A_43 = tpu.memref_slice %arg6[%mul3A_41, %dma_start3A] : memref<10240x128xf32, #tpu.memory_space<hbm>> -> memref<640x128xf32, #tpu.memory_space<hbm>>
        %dma_start3A_44 = arith.constant 0 : i32
        %dma_start3A_45 = tpu.memref_slice %arg8[%mul3A_39, %dma_start3A_44] : memref<10240x128xf32, #tpu.memory_space<vmem_shared>> -> memref<640x128xf32, #tpu.memory_space<vmem_shared>>
        tpu.enqueue_dma source(%dma_start3A_45 : memref<640x128xf32, #tpu.memory_space<vmem_shared>>) target(%dma_start3A_43 : memref<640x128xf32, #tpu.memory_space<hbm>>) target_semaphore(%run_scoped3A : memref<!tpu.dma_semaphore, #tpu.memory_space<semaphore_mem>>)
        %dma_wait3A = arith.constant 0 : i32
        %dma_wait3A_46 = tpu.memref_slice %arg6[%mul3A_41, %dma_wait3A] : memref<10240x128xf32, #tpu.memory_space<hbm>> -> memref<640x128xf32, #tpu.memory_space<hbm>>
        %dma_wait3A_47 = arith.constant 0 : i32
        %dma_wait3A_48 = tpu.memref_slice %arg8[%mul3A_39, %dma_wait3A_47] : memref<10240x128xf32, #tpu.memory_space<vmem_shared>> -> memref<640x128xf32, #tpu.memory_space<vmem_shared>>
        tpu.wait_dma2 semaphore(%run_scoped3A : memref<!tpu.dma_semaphore, #tpu.memory_space<semaphore_mem>>) src(%dma_wait3A_48 : memref<640x128xf32, #tpu.memory_space<vmem_shared>>) dst(%dma_wait3A_46 : memref<640x128xf32, #tpu.memory_space<hbm>>)
        tpu.yield
      }) : () -> ()
      %barrier3A_42 = arith.constant 0 : index
      tpu.barrier barrier_id(%barrier3A_42)
    } else {
    }
    %eq3A_2 = arith.constant 1 : i32
    %eq3A_3 = arith.cmpi eq, %arg0, %eq3A_2 : i32
    %convert_element_type3A_4 = arith.extui %eq3A_3 : i1 to i32
    %cond3A_5 = arith.constant 0 : i32
    %cond3A_6 = arith.cmpi ne, %convert_element_type3A_4, %cond3A_5 : i32
    scf.if %cond3A_6 {
      %broadcast_in_dim3A = arith.constant 0.000000e+00 : f32
      %broadcast_in_dim3A_7 = vector.broadcast %broadcast_in_dim3A : f32 to vector<16xf32>
      %scan3A = arith.constant 0 : i32
      %scan3A_8 = arith.constant 0 : i32
      %scan3A_9 = arith.constant 1024 : i32
      %scan3A_10 = arith.addi %scan3A_8, %scan3A_9 : i32
      %scan3A_11 = arith.constant 1 : i32
      scf.for %scan3A_43 = %scan3A_8 to %scan3A_10 step %scan3A_11  : i32 {
        %jit3A = arith.constant 8 : i32
        %div3A = arith.divsi %scan3A_43, %jit3A : i32
        %sign3A = arith.constant 0 : i32
        %sign3A_44 = arith.cmpi sgt, %scan3A_43, %sign3A : i32
        %sign3A_45 = arith.extui %sign3A_44 : i1 to i32
        %sign3A_46 = arith.constant 0 : i32
        %sign3A_47 = arith.cmpi slt, %scan3A_43, %sign3A_46 : i32
        %sign3A_48 = arith.extui %sign3A_47 : i1 to i32
        %sign3A_49 = arith.subi %sign3A_45, %sign3A_48 : i32
        %sign3A_50 = arith.constant 0 : i32
        %sign3A_51 = arith.cmpi sgt, %jit3A, %sign3A_50 : i32
        %sign3A_52 = arith.extui %sign3A_51 : i1 to i32
        %sign3A_53 = arith.constant 0 : i32
        %sign3A_54 = arith.cmpi slt, %jit3A, %sign3A_53 : i32
        %sign3A_55 = arith.extui %sign3A_54 : i1 to i32
        %sign3A_56 = arith.subi %sign3A_52, %sign3A_55 : i32
        %ne3A = arith.cmpi ne, %sign3A_49, %sign3A_56 : i32
        %rem3A = arith.remsi %scan3A_43, %jit3A : i32
        %ne3A_57 = arith.constant 0 : i32
        %ne3A_58 = arith.cmpi ne, %rem3A, %ne3A_57 : i32
        %and3A = arith.andi %ne3A, %ne3A_58 : i1
        %sub3A = arith.constant 1 : i32
        %sub3A_59 = arith.subi %div3A, %sub3A : i32
        %select_n3A = arith.select %and3A, %sub3A_59, %div3A : i32
        %jit3A_60 = arith.constant 8 : i32
        %eq3A_61 = arith.constant 0 : i32
        %eq3A_62 = arith.cmpi eq, %jit3A_60, %eq3A_61 : i32
        %jit3A_63 = arith.constant 1 : i32
        %select_n3A_64 = arith.select %eq3A_62, %jit3A_63, %jit3A_60 : i32
        %rem3A_65 = arith.remsi %scan3A_43, %select_n3A_64 : i32
        %ne3A_66 = arith.constant 0 : i32
        %ne3A_67 = arith.cmpi ne, %rem3A_65, %ne3A_66 : i32
        %lt3A = arith.constant 0 : i32
        %lt3A_68 = arith.cmpi slt, %rem3A_65, %lt3A : i32
        %lt3A_69 = arith.constant 0 : i32
        %lt3A_70 = arith.cmpi slt, %select_n3A_64, %lt3A_69 : i32
        %ne3A_71 = arith.xori %lt3A_68, %lt3A_70 : i1
        %and3A_72 = arith.andi %ne3A_71, %ne3A_67 : i1
        %add3A_73 = arith.addi %rem3A_65, %select_n3A_64 : i32
        %select_n3A_74 = arith.select %and3A_72, %add3A_73, %rem3A_65 : i32
        %mul3A_75 = arith.constant 16 : i32
        %mul3A_76 = arith.muli %select_n3A_74, %mul3A_75 : i32
        %swap3A = arith.index_cast %select_n3A : i32 to index
        %swap3A_77 = arith.index_cast %mul3A_76 : i32 to index
        %swap3A_78 = tpu.vector_load %arg11[%swap3A, %swap3A_77] {strides = array<i32>} : memref<128x128xf32, #tpu.memory_space<vmem>>, vector<1x16xf32>,
        %swap3A_79 = vector.shape_cast %swap3A_78 : vector<1x16xf32> to vector<16xf32>
        %swap3A_80 = vector.shape_cast %broadcast_in_dim3A_7 : vector<16xf32> to vector<1x16xf32>
        tpu.vector_store %arg11[%swap3A, %swap3A_77], %swap3A_80 {strides = array<i32>} : memref<128x128xf32, #tpu.memory_space<vmem>>, vector<1x16xf32>,
      }
      %scan3A_12 = arith.constant 1024 : i32
      %mul3A = arith.constant 640 : i32
      %mul3A_13 = arith.muli %arg1, %mul3A : i32
      %add3A = arith.constant 0 : i32
      %add3A_14 = arith.addi %mul3A_13, %add3A : i32
      "tpu.region"() ({
        %run_scoped3A = tpu.sem_alloc : memref<!tpu.dma_semaphore, #tpu.memory_space<semaphore_mem>>
        %dma_start3A = arith.constant 0 : i32
        %dma_start3A_43 = tpu.memref_slice %arg8[%add3A_14, %dma_start3A] : memref<10240x128xf32, #tpu.memory_space<vmem_shared>> -> memref<128x128xf32, #tpu.memory_space<vmem_shared>>
        %dma_start3A_44 = arith.constant 0 : i32
        %dma_start3A_45 = tpu.memref_slice %arg8[%add3A_14, %dma_start3A_44] : memref<10240x128xf32, #tpu.memory_space<vmem_shared>> -> memref<128x128xf32, #tpu.memory_space<vmem_shared>>
        tpu.enqueue_dma source(%arg11 : memref<128x128xf32, #tpu.memory_space<vmem>>) target(%dma_start3A_45 : memref<128x128xf32, #tpu.memory_space<vmem_shared>>) target_semaphore(%run_scoped3A : memref<!tpu.dma_semaphore, #tpu.memory_space<semaphore_mem>>)
        %dma_wait3A = arith.constant 0 : i32
        %dma_wait3A_46 = tpu.memref_slice %arg8[%add3A_14, %dma_wait3A] : memref<10240x128xf32, #tpu.memory_space<vmem_shared>> -> memref<128x128xf32, #tpu.memory_space<vmem_shared>>
        %dma_wait3A_47 = arith.constant 0 : i32
        %dma_wait3A_48 = tpu.memref_slice %arg8[%add3A_14, %dma_wait3A_47] : memref<10240x128xf32, #tpu.memory_space<vmem_shared>> -> memref<128x128xf32, #tpu.memory_space<vmem_shared>>
        tpu.wait_dma2 semaphore(%run_scoped3A : memref<!tpu.dma_semaphore, #tpu.memory_space<semaphore_mem>>) src(%arg11 : memref<128x128xf32, #tpu.memory_space<vmem>>) dst(%dma_wait3A_48 : memref<128x128xf32, #tpu.memory_space<vmem_shared>>)
        tpu.yield
      }) : () -> ()
      %mul3A_15 = arith.constant 640 : i32
      %mul3A_16 = arith.muli %arg1, %mul3A_15 : i32
      %add3A_17 = arith.constant 128 : i32
      %add3A_18 = arith.addi %mul3A_16, %add3A_17 : i32
      "tpu.region"() ({
        %run_scoped3A = tpu.sem_alloc : memref<!tpu.dma_semaphore, #tpu.memory_space<semaphore_mem>>
        %dma_start3A = arith.constant 0 : i32
        %dma_start3A_43 = tpu.memref_slice %arg8[%add3A_18, %dma_start3A] : memref<10240x128xf32, #tpu.memory_space<vmem_shared>> -> memref<128x128xf32, #tpu.memory_space<vmem_shared>>
        %dma_start3A_44 = arith.constant 0 : i32
        %dma_start3A_45 = tpu.memref_slice %arg8[%add3A_18, %dma_start3A_44] : memref<10240x128xf32, #tpu.memory_space<vmem_shared>> -> memref<128x128xf32, #tpu.memory_space<vmem_shared>>
        tpu.enqueue_dma source(%arg11 : memref<128x128xf32, #tpu.memory_space<vmem>>) target(%dma_start3A_45 : memref<128x128xf32, #tpu.memory_space<vmem_shared>>) target_semaphore(%run_scoped3A : memref<!tpu.dma_semaphore, #tpu.memory_space<semaphore_mem>>)
        %dma_wait3A = arith.constant 0 : i32
        %dma_wait3A_46 = tpu.memref_slice %arg8[%add3A_18, %dma_wait3A] : memref<10240x128xf32, #tpu.memory_space<vmem_shared>> -> memref<128x128xf32, #tpu.memory_space<vmem_shared>>
        %dma_wait3A_47 = arith.constant 0 : i32
        %dma_wait3A_48 = tpu.memref_slice %arg8[%add3A_18, %dma_wait3A_47] : memref<10240x128xf32, #tpu.memory_space<vmem_shared>> -> memref<128x128xf32, #tpu.memory_space<vmem_shared>>
        tpu.wait_dma2 semaphore(%run_scoped3A : memref<!tpu.dma_semaphore, #tpu.memory_space<semaphore_mem>>) src(%arg11 : memref<128x128xf32, #tpu.memory_space<vmem>>) dst(%dma_wait3A_48 : memref<128x128xf32, #tpu.memory_space<vmem_shared>>)
        tpu.yield
      }) : () -> ()
      %mul3A_19 = arith.constant 640 : i32
      %mul3A_20 = arith.muli %arg1, %mul3A_19 : i32
      %add3A_21 = arith.constant 256 : i32
      %add3A_22 = arith.addi %mul3A_20, %add3A_21 : i32
      "tpu.region"() ({
        %run_scoped3A = tpu.sem_alloc : memref<!tpu.dma_semaphore, #tpu.memory_space<semaphore_mem>>
        %dma_start3A = arith.constant 0 : i32
        %dma_start3A_43 = tpu.memref_slice %arg8[%add3A_22, %dma_start3A] : memref<10240x128xf32, #tpu.memory_space<vmem_shared>> -> memref<128x128xf32, #tpu.memory_space<vmem_shared>>
        %dma_start3A_44 = arith.constant 0 : i32
        %dma_start3A_45 = tpu.memref_slice %arg8[%add3A_22, %dma_start3A_44] : memref<10240x128xf32, #tpu.memory_space<vmem_shared>> -> memref<128x128xf32, #tpu.memory_space<vmem_shared>>
        tpu.enqueue_dma source(%arg11 : memref<128x128xf32, #tpu.memory_space<vmem>>) target(%dma_start3A_45 : memref<128x128xf32, #tpu.memory_space<vmem_shared>>) target_semaphore(%run_scoped3A : memref<!tpu.dma_semaphore, #tpu.memory_space<semaphore_mem>>)
        %dma_wait3A = arith.constant 0 : i32
        %dma_wait3A_46 = tpu.memref_slice %arg8[%add3A_22, %dma_wait3A] : memref<10240x128xf32, #tpu.memory_space<vmem_shared>> -> memref<128x128xf32, #tpu.memory_space<vmem_shared>>
        %dma_wait3A_47 = arith.constant 0 : i32
        %dma_wait3A_48 = tpu.memref_slice %arg8[%add3A_22, %dma_wait3A_47] : memref<10240x128xf32, #tpu.memory_space<vmem_shared>> -> memref<128x128xf32, #tpu.memory_space<vmem_shared>>
        tpu.wait_dma2 semaphore(%run_scoped3A : memref<!tpu.dma_semaphore, #tpu.memory_space<semaphore_mem>>) src(%arg11 : memref<128x128xf32, #tpu.memory_space<vmem>>) dst(%dma_wait3A_48 : memref<128x128xf32, #tpu.memory_space<vmem_shared>>)
        tpu.yield
      }) : () -> ()
      %mul3A_23 = arith.constant 640 : i32
      %mul3A_24 = arith.muli %arg1, %mul3A_23 : i32
      %add3A_25 = arith.constant 384 : i32
      %add3A_26 = arith.addi %mul3A_24, %add3A_25 : i32
      "tpu.region"() ({
        %run_scoped3A = tpu.sem_alloc : memref<!tpu.dma_semaphore, #tpu.memory_space<semaphore_mem>>
        %dma_start3A = arith.constant 0 : i32
        %dma_start3A_43 = tpu.memref_slice %arg8[%add3A_26, %dma_start3A] : memref<10240x128xf32, #tpu.memory_space<vmem_shared>> -> memref<128x128xf32, #tpu.memory_space<vmem_shared>>
        %dma_start3A_44 = arith.constant 0 : i32
        %dma_start3A_45 = tpu.memref_slice %arg8[%add3A_26, %dma_start3A_44] : memref<10240x128xf32, #tpu.memory_space<vmem_shared>> -> memref<128x128xf32, #tpu.memory_space<vmem_shared>>
        tpu.enqueue_dma source(%arg11 : memref<128x128xf32, #tpu.memory_space<vmem>>) target(%dma_start3A_45 : memref<128x128xf32, #tpu.memory_space<vmem_shared>>) target_semaphore(%run_scoped3A : memref<!tpu.dma_semaphore, #tpu.memory_space<semaphore_mem>>)
        %dma_wait3A = arith.constant 0 : i32
        %dma_wait3A_46 = tpu.memref_slice %arg8[%add3A_26, %dma_wait3A] : memref<10240x128xf32, #tpu.memory_space<vmem_shared>> -> memref<128x128xf32, #tpu.memory_space<vmem_shared>>
        %dma_wait3A_47 = arith.constant 0 : i32
        %dma_wait3A_48 = tpu.memref_slice %arg8[%add3A_26, %dma_wait3A_47] : memref<10240x128xf32, #tpu.memory_space<vmem_shared>> -> memref<128x128xf32, #tpu.memory_space<vmem_shared>>
        tpu.wait_dma2 semaphore(%run_scoped3A : memref<!tpu.dma_semaphore, #tpu.memory_space<semaphore_mem>>) src(%arg11 : memref<128x128xf32, #tpu.memory_space<vmem>>) dst(%dma_wait3A_48 : memref<128x128xf32, #tpu.memory_space<vmem_shared>>)
        tpu.yield
      }) : () -> ()
      %mul3A_27 = arith.constant 640 : i32
      %mul3A_28 = arith.muli %arg1, %mul3A_27 : i32
      %add3A_29 = arith.constant 512 : i32
      %add3A_30 = arith.addi %mul3A_28, %add3A_29 : i32
      "tpu.region"() ({
        %run_scoped3A = tpu.sem_alloc : memref<!tpu.dma_semaphore, #tpu.memory_space<semaphore_mem>>
        %dma_start3A = arith.constant 0 : i32
        %dma_start3A_43 = tpu.memref_slice %arg8[%add3A_30, %dma_start3A] : memref<10240x128xf32, #tpu.memory_space<vmem_shared>> -> memref<128x128xf32, #tpu.memory_space<vmem_shared>>
        %dma_start3A_44 = arith.constant 0 : i32
        %dma_start3A_45 = tpu.memref_slice %arg8[%add3A_30, %dma_start3A_44] : memref<10240x128xf32, #tpu.memory_space<vmem_shared>> -> memref<128x128xf32, #tpu.memory_space<vmem_shared>>
        tpu.enqueue_dma source(%arg11 : memref<128x128xf32, #tpu.memory_space<vmem>>) target(%dma_start3A_45 : memref<128x128xf32, #tpu.memory_space<vmem_shared>>) target_semaphore(%run_scoped3A : memref<!tpu.dma_semaphore, #tpu.memory_space<semaphore_mem>>)
        %dma_wait3A = arith.constant 0 : i32
        %dma_wait3A_46 = tpu.memref_slice %arg8[%add3A_30, %dma_wait3A] : memref<10240x128xf32, #tpu.memory_space<vmem_shared>> -> memref<128x128xf32, #tpu.memory_space<vmem_shared>>
        %dma_wait3A_47 = arith.constant 0 : i32
        %dma_wait3A_48 = tpu.memref_slice %arg8[%add3A_30, %dma_wait3A_47] : memref<10240x128xf32, #tpu.memory_space<vmem_shared>> -> memref<128x128xf32, #tpu.memory_space<vmem_shared>>
        tpu.wait_dma2 semaphore(%run_scoped3A : memref<!tpu.dma_semaphore, #tpu.memory_space<semaphore_mem>>) src(%arg11 : memref<128x128xf32, #tpu.memory_space<vmem>>) dst(%dma_wait3A_48 : memref<128x128xf32, #tpu.memory_space<vmem_shared>>)
        tpu.yield
      }) : () -> ()
      %barrier3A = arith.constant 0 : index
      tpu.barrier barrier_id(%barrier3A)
      %scan3A_31 = arith.constant 0 : i32
      %scan3A_32 = arith.constant 0 : i32
      %scan3A_33 = arith.constant 80 : i32
      %scan3A_34 = arith.addi %scan3A_32, %scan3A_33 : i32
      %scan3A_35 = arith.constant 1 : i32
      scf.for %scan3A_43 = %scan3A_32 to %scan3A_34 step %scan3A_35  : i32 {
        %dma_start3A = arith.constant 0 : i32
        %dma_start3A_44 = tpu.memref_slice %arg9[%scan3A_43, %dma_start3A] : memref<80x128xi32, #tpu.memory_space<vmem>> -> memref<1x128xi32, #tpu.memory_space<vmem>>
        %dma_start3A_45 = tpu.memref_squeeze %dma_start3A_44 : memref<1x128xi32, #tpu.memory_space<vmem>> -> memref<128xi32, #tpu.memory_space<vmem>>
        %dma_start3A_46 = arith.constant 0 : i32
        %dma_start3A_47 = arith.constant 0 : i32
        %dma_start3A_48 = tpu.memref_slice %arg3[%dma_start3A_46, %dma_start3A_47] : memref<10240x128xf32, #tpu.memory_space<hbm>> -> memref<10240x128xf32, #tpu.memory_space<hbm>>
        tpu.enqueue_indirect_dma source(%dma_start3A_48 : memref<10240x128xf32, #tpu.memory_space<hbm>>) target(%arg11 : memref<128x128xf32, #tpu.memory_space<vmem>>) offsets(%dma_start3A_45 : memref<128xi32, #tpu.memory_space<vmem>>) semaphore(%arg12 : memref<!tpu.dma_semaphore, #tpu.memory_space<semaphore_mem>>)
        %dma_wait3A = arith.constant 0 : i32
        %dma_wait3A_49 = tpu.memref_slice %arg9[%scan3A_43, %dma_wait3A] : memref<80x128xi32, #tpu.memory_space<vmem>> -> memref<1x128xi32, #tpu.memory_space<vmem>>
        %dma_wait3A_50 = tpu.memref_squeeze %dma_wait3A_49 : memref<1x128xi32, #tpu.memory_space<vmem>> -> memref<128xi32, #tpu.memory_space<vmem>>
        %dma_wait3A_51 = arith.constant 0 : i32
        %dma_wait3A_52 = arith.constant 0 : i32
        %dma_wait3A_53 = tpu.memref_slice %arg3[%dma_wait3A_51, %dma_wait3A_52] : memref<10240x128xf32, #tpu.memory_space<hbm>> -> memref<10240x128xf32, #tpu.memory_space<hbm>>
        tpu.wait_indirect_dma semaphore(%arg12 : memref<!tpu.dma_semaphore, #tpu.memory_space<semaphore_mem>>) src(%dma_wait3A_53 : memref<10240x128xf32, #tpu.memory_space<hbm>>) dst(%arg11 : memref<128x128xf32, #tpu.memory_space<vmem>>)
        "tpu.region"() ({
          %run_scoped3A = tpu.sem_alloc : memref<!tpu.dma_semaphore, #tpu.memory_space<semaphore_mem>>
          %dma_start3A_54 = arith.constant 0 : i32
          %dma_start3A_55 = tpu.memref_slice %arg10[%scan3A_43, %dma_start3A_54] : memref<80x128xi32, #tpu.memory_space<vmem>> -> memref<1x128xi32, #tpu.memory_space<vmem>>
          %dma_start3A_56 = tpu.memref_squeeze %dma_start3A_55 : memref<1x128xi32, #tpu.memory_space<vmem>> -> memref<128xi32, #tpu.memory_space<vmem>>
          %dma_start3A_57 = arith.constant 0 : i32
          %dma_start3A_58 = arith.constant 0 : i32
          %dma_start3A_59 = tpu.memref_slice %arg8[%dma_start3A_57, %dma_start3A_58] : memref<10240x128xf32, #tpu.memory_space<vmem_shared>> -> memref<10240x128xf32, #tpu.memory_space<vmem_shared>>
          tpu.enqueue_indirect_dma source(%arg11 : memref<128x128xf32, #tpu.memory_space<vmem>>) target(%dma_start3A_59 : memref<10240x128xf32, #tpu.memory_space<vmem_shared>>) offsets(%dma_start3A_56 : memref<128xi32, #tpu.memory_space<vmem>>) semaphore(%run_scoped3A : memref<!tpu.dma_semaphore, #tpu.memory_space<semaphore_mem>>) {add = true}
          %dma_wait3A_60 = arith.constant 0 : i32
          %dma_wait3A_61 = tpu.memref_slice %arg10[%scan3A_43, %dma_wait3A_60] : memref<80x128xi32, #tpu.memory_space<vmem>> -> memref<1x128xi32, #tpu.memory_space<vmem>>
          %dma_wait3A_62 = tpu.memref_squeeze %dma_wait3A_61 : memref<1x128xi32, #tpu.memory_space<vmem>> -> memref<128xi32, #tpu.memory_space<vmem>>
          %dma_wait3A_63 = arith.constant 0 : i32
          %dma_wait3A_64 = arith.constant 0 : i32
          %dma_wait3A_65 = tpu.memref_slice %arg8[%dma_wait3A_63, %dma_wait3A_64] : memref<10240x128xf32, #tpu.memory_space<vmem_shared>> -> memref<10240x128xf32, #tpu.memory_space<vmem_shared>>
          tpu.wait_indirect_dma semaphore(%run_scoped3A : memref<!tpu.dma_semaphore, #tpu.memory_space<semaphore_mem>>) src(%arg11 : memref<128x128xf32, #tpu.memory_space<vmem>>) dst(%dma_wait3A_65 : memref<10240x128xf32, #tpu.memory_space<vmem_shared>>)
          tpu.yield
        }) : () -> ()
      }
      %scan3A_36 = arith.constant 80 : i32
      %barrier3A_37 = arith.constant 0 : index
      tpu.barrier barrier_id(%barrier3A_37)
      %mul3A_38 = arith.constant 640 : i32
      %mul3A_39 = arith.muli %arg1, %mul3A_38 : i32
      %mul3A_40 = arith.constant 640 : i32
      %mul3A_41 = arith.muli %arg1, %mul3A_40 : i32
      "tpu.region"() ({
        %run_scoped3A = tpu.sem_alloc : memref<!tpu.dma_semaphore, #tpu.memory_space<semaphore_mem>>
        %dma_start3A = arith.constant 0 : i32
        %dma_start3A_43 = tpu.memref_slice %arg7[%mul3A_41, %dma_start3A] : memref<10240x128xf32, #tpu.memory_space<hbm>> -> memref<640x128xf32, #tpu.memory_space<hbm>>
        %dma_start3A_44 = arith.constant 0 : i32
        %dma_start3A_45 = tpu.memref_slice %arg8[%mul3A_39, %dma_start3A_44] : memref<10240x128xf32, #tpu.memory_space<vmem_shared>> -> memref<640x128xf32, #tpu.memory_space<vmem_shared>>
        tpu.enqueue_dma source(%dma_start3A_45 : memref<640x128xf32, #tpu.memory_space<vmem_shared>>) target(%dma_start3A_43 : memref<640x128xf32, #tpu.memory_space<hbm>>) target_semaphore(%run_scoped3A : memref<!tpu.dma_semaphore, #tpu.memory_space<semaphore_mem>>)
        %dma_wait3A = arith.constant 0 : i32
        %dma_wait3A_46 = tpu.memref_slice %arg7[%mul3A_41, %dma_wait3A] : memref<10240x128xf32, #tpu.memory_space<hbm>> -> memref<640x128xf32, #tpu.memory_space<hbm>>
        %dma_wait3A_47 = arith.constant 0 : i32
        %dma_wait3A_48 = tpu.memref_slice %arg8[%mul3A_39, %dma_wait3A_47] : memref<10240x128xf32, #tpu.memory_space<vmem_shared>> -> memref<640x128xf32, #tpu.memory_space<vmem_shared>>
        tpu.wait_dma2 semaphore(%run_scoped3A : memref<!tpu.dma_semaphore, #tpu.memory_space<semaphore_mem>>) src(%dma_wait3A_48 : memref<640x128xf32, #tpu.memory_space<vmem_shared>>) dst(%dma_wait3A_46 : memref<640x128xf32, #tpu.memory_space<hbm>>)
        tpu.yield
      }) : () -> ()
      %barrier3A_42 = arith.constant 0 : index
      tpu.barrier barrier_id(%barrier3A_42)
    } else {
    }
    return
  }
}

#map = affine_map<(d0, d1) -> (0, 0)>
#map1 = affine_map<(d0, d1) -> (0, 0, 0)>
#map2 = affine_map<(d0, d1) -> (0)>
module attributes {stable_mosaic.version = 14 : i64} {
  func.func @seg(%arg0: i32, %arg1: i32, %arg2: memref<10000x128xf32, #tpu.memory_space<hbm>>, %arg3: memref<10000x128xf32, #tpu.memory_space<hbm>>, %arg4: memref<16x80x128xi32, #tpu.memory_space<hbm>>, %arg5: memref<16x80x128xi32, #tpu.memory_space<hbm>>, %arg6: memref<10240x128xf32, #tpu.memory_space<hbm>>, %arg7: memref<10240x128xf32, #tpu.memory_space<hbm>>, %arg8: memref<10240xf32, #tpu.memory_space<hbm>>, %arg9: memref<10240x128xf32, #tpu.memory_space<vmem_shared>>, %arg10: memref<80x128xi32, #tpu.memory_space<vmem>>, %arg11: memref<80x128xi32, #tpu.memory_space<vmem>>, %arg12: memref<128x128xf32, #tpu.memory_space<vmem>>, %arg13: memref<!tpu.dma_semaphore, #tpu.memory_space<semaphore_mem>>, %arg14: memref<10240xf32, #tpu.memory_space<vmem_shared>>, %arg15: memref<640xf32, #tpu.memory_space<vmem>>, %arg16: memref<128xf32, #tpu.memory_space<vmem>>) attributes {dimension_semantics = [#tpu.dimension_semantics<core_parallel>, #tpu.dimension_semantics<subcore_parallel>], iteration_bounds = array<i64: 2, 16>, scalar_prefetch = 0 : i64, scratch_operands = 8 : i64, tpu.core_type = #tpu.core_type<sc_vector_subcore>, window_params = [{transform_indices = #map}, {transform_indices = #map}, {transform_indices = #map1}, {transform_indices = #map1}, {transform_indices = #map}, {transform_indices = #map}, {transform_indices = #map2}]} {
    "tpu.region"() ({
      %run_scoped3A = tpu.sem_alloc : memref<!tpu.dma_semaphore, #tpu.memory_space<semaphore_mem>>
      %dma_start3A = arith.constant 0 : i32
      %dma_start3A_21 = arith.constant 0 : i32
      %dma_start3A_22 = tpu.memref_slice %arg4[%arg1, %dma_start3A, %dma_start3A_21] : memref<16x80x128xi32, #tpu.memory_space<hbm>> -> memref<1x80x128xi32, #tpu.memory_space<hbm>>
      %dma_start3A_23 = tpu.memref_squeeze %dma_start3A_22 : memref<1x80x128xi32, #tpu.memory_space<hbm>> -> memref<80x128xi32, #tpu.memory_space<hbm>>
      %dma_start3A_24 = arith.constant 0 : i32
      %dma_start3A_25 = arith.constant 0 : i32
      %dma_start3A_26 = tpu.memref_slice %arg4[%arg1, %dma_start3A_24, %dma_start3A_25] : memref<16x80x128xi32, #tpu.memory_space<hbm>> -> memref<1x80x128xi32, #tpu.memory_space<hbm>>
      %dma_start3A_27 = tpu.memref_squeeze %dma_start3A_26 : memref<1x80x128xi32, #tpu.memory_space<hbm>> -> memref<80x128xi32, #tpu.memory_space<hbm>>
      tpu.enqueue_dma source(%dma_start3A_27 : memref<80x128xi32, #tpu.memory_space<hbm>>) target(%arg10 : memref<80x128xi32, #tpu.memory_space<vmem>>) target_semaphore(%run_scoped3A : memref<!tpu.dma_semaphore, #tpu.memory_space<semaphore_mem>>)
      %dma_wait3A = arith.constant 0 : i32
      %dma_wait3A_28 = arith.constant 0 : i32
      %dma_wait3A_29 = tpu.memref_slice %arg4[%arg1, %dma_wait3A, %dma_wait3A_28] : memref<16x80x128xi32, #tpu.memory_space<hbm>> -> memref<1x80x128xi32, #tpu.memory_space<hbm>>
      %dma_wait3A_30 = tpu.memref_squeeze %dma_wait3A_29 : memref<1x80x128xi32, #tpu.memory_space<hbm>> -> memref<80x128xi32, #tpu.memory_space<hbm>>
      %dma_wait3A_31 = arith.constant 0 : i32
      %dma_wait3A_32 = arith.constant 0 : i32
      %dma_wait3A_33 = tpu.memref_slice %arg4[%arg1, %dma_wait3A_31, %dma_wait3A_32] : memref<16x80x128xi32, #tpu.memory_space<hbm>> -> memref<1x80x128xi32, #tpu.memory_space<hbm>>
      %dma_wait3A_34 = tpu.memref_squeeze %dma_wait3A_33 : memref<1x80x128xi32, #tpu.memory_space<hbm>> -> memref<80x128xi32, #tpu.memory_space<hbm>>
      tpu.wait_dma2 semaphore(%run_scoped3A : memref<!tpu.dma_semaphore, #tpu.memory_space<semaphore_mem>>) src(%dma_wait3A_34 : memref<80x128xi32, #tpu.memory_space<hbm>>) dst(%arg10 : memref<80x128xi32, #tpu.memory_space<vmem>>)
      tpu.yield
    }) : () -> ()
    "tpu.region"() ({
      %run_scoped3A = tpu.sem_alloc : memref<!tpu.dma_semaphore, #tpu.memory_space<semaphore_mem>>
      %dma_start3A = arith.constant 0 : i32
      %dma_start3A_21 = arith.constant 0 : i32
      %dma_start3A_22 = tpu.memref_slice %arg5[%arg1, %dma_start3A, %dma_start3A_21] : memref<16x80x128xi32, #tpu.memory_space<hbm>> -> memref<1x80x128xi32, #tpu.memory_space<hbm>>
      %dma_start3A_23 = tpu.memref_squeeze %dma_start3A_22 : memref<1x80x128xi32, #tpu.memory_space<hbm>> -> memref<80x128xi32, #tpu.memory_space<hbm>>
      %dma_start3A_24 = arith.constant 0 : i32
      %dma_start3A_25 = arith.constant 0 : i32
      %dma_start3A_26 = tpu.memref_slice %arg5[%arg1, %dma_start3A_24, %dma_start3A_25] : memref<16x80x128xi32, #tpu.memory_space<hbm>> -> memref<1x80x128xi32, #tpu.memory_space<hbm>>
      %dma_start3A_27 = tpu.memref_squeeze %dma_start3A_26 : memref<1x80x128xi32, #tpu.memory_space<hbm>> -> memref<80x128xi32, #tpu.memory_space<hbm>>
      tpu.enqueue_dma source(%dma_start3A_27 : memref<80x128xi32, #tpu.memory_space<hbm>>) target(%arg11 : memref<80x128xi32, #tpu.memory_space<vmem>>) target_semaphore(%run_scoped3A : memref<!tpu.dma_semaphore, #tpu.memory_space<semaphore_mem>>)
      %dma_wait3A = arith.constant 0 : i32
      %dma_wait3A_28 = arith.constant 0 : i32
      %dma_wait3A_29 = tpu.memref_slice %arg5[%arg1, %dma_wait3A, %dma_wait3A_28] : memref<16x80x128xi32, #tpu.memory_space<hbm>> -> memref<1x80x128xi32, #tpu.memory_space<hbm>>
      %dma_wait3A_30 = tpu.memref_squeeze %dma_wait3A_29 : memref<1x80x128xi32, #tpu.memory_space<hbm>> -> memref<80x128xi32, #tpu.memory_space<hbm>>
      %dma_wait3A_31 = arith.constant 0 : i32
      %dma_wait3A_32 = arith.constant 0 : i32
      %dma_wait3A_33 = tpu.memref_slice %arg5[%arg1, %dma_wait3A_31, %dma_wait3A_32] : memref<16x80x128xi32, #tpu.memory_space<hbm>> -> memref<1x80x128xi32, #tpu.memory_space<hbm>>
      %dma_wait3A_34 = tpu.memref_squeeze %dma_wait3A_33 : memref<1x80x128xi32, #tpu.memory_space<hbm>> -> memref<80x128xi32, #tpu.memory_space<hbm>>
      tpu.wait_dma2 semaphore(%run_scoped3A : memref<!tpu.dma_semaphore, #tpu.memory_space<semaphore_mem>>) src(%dma_wait3A_34 : memref<80x128xi32, #tpu.memory_space<hbm>>) dst(%arg11 : memref<80x128xi32, #tpu.memory_space<vmem>>)
      tpu.yield
    }) : () -> ()
    %broadcast_in_dim3A = arith.constant 0.000000e+00 : f32
    %broadcast_in_dim3A_0 = vector.broadcast %broadcast_in_dim3A : f32 to vector<16xf32>
    %scan3A = arith.constant 0 : i32
    %scan3A_1 = arith.constant 0 : i32
    %scan3A_2 = arith.constant 40 : i32
    %scan3A_3 = arith.addi %scan3A_1, %scan3A_2 : i32
    %scan3A_4 = arith.constant 1 : i32
    scf.for %scan3A_21 = %scan3A_1 to %scan3A_3 step %scan3A_4  : i32 {
      %mul3A = arith.constant 16 : i32
      %mul3A_22 = arith.muli %scan3A_21, %mul3A : i32
      %swap3A = arith.index_cast %mul3A_22 : i32 to index
      %swap3A_23 = tpu.vector_load %arg15[%swap3A] {strides = array<i32>} : memref<640xf32, #tpu.memory_space<vmem>>, vector<16xf32>,
      %swap3A_24 = vector.shape_cast %swap3A_23 : vector<16xf32> to vector<16xf32>
      %swap3A_25 = vector.shape_cast %broadcast_in_dim3A_0 : vector<16xf32> to vector<16xf32>
      tpu.vector_store %arg15[%swap3A], %swap3A_25 {strides = array<i32>} : memref<640xf32, #tpu.memory_space<vmem>>, vector<16xf32>,
    }
    %scan3A_5 = arith.constant 40 : i32
    %broadcast_in_dim3A_6 = arith.constant 1.000000e+00 : f32
    %broadcast_in_dim3A_7 = vector.broadcast %broadcast_in_dim3A_6 : f32 to vector<16xf32>
    %scan3A_8 = arith.constant 0 : i32
    %scan3A_9 = arith.constant 0 : i32
    %scan3A_10 = arith.constant 8 : i32
    %scan3A_11 = arith.addi %scan3A_9, %scan3A_10 : i32
    %scan3A_12 = arith.constant 1 : i32
    scf.for %scan3A_21 = %scan3A_9 to %scan3A_11 step %scan3A_12  : i32 {
      %mul3A = arith.constant 16 : i32
      %mul3A_22 = arith.muli %scan3A_21, %mul3A : i32
      %swap3A = arith.index_cast %mul3A_22 : i32 to index
      %swap3A_23 = tpu.vector_load %arg16[%swap3A] {strides = array<i32>} : memref<128xf32, #tpu.memory_space<vmem>>, vector<16xf32>,
      %swap3A_24 = vector.shape_cast %swap3A_23 : vector<16xf32> to vector<16xf32>
      %swap3A_25 = vector.shape_cast %broadcast_in_dim3A_7 : vector<16xf32> to vector<16xf32>
      tpu.vector_store %arg16[%swap3A], %swap3A_25 {strides = array<i32>} : memref<128xf32, #tpu.memory_space<vmem>>, vector<16xf32>,
    }
    %scan3A_13 = arith.constant 8 : i32
    %eq3A = arith.constant 0 : i32
    %eq3A_14 = arith.cmpi eq, %arg0, %eq3A : i32
    %convert_element_type3A = arith.extui %eq3A_14 : i1 to i32
    %cond3A = arith.constant 0 : i32
    %cond3A_15 = arith.cmpi ne, %convert_element_type3A, %cond3A : i32
    scf.if %cond3A_15 {
      %broadcast_in_dim3A_21 = arith.constant 0.000000e+00 : f32
      %broadcast_in_dim3A_22 = vector.broadcast %broadcast_in_dim3A_21 : f32 to vector<16xf32>
      %scan3A_23 = arith.constant 0 : i32
      %scan3A_24 = arith.constant 0 : i32
      %scan3A_25 = arith.constant 1024 : i32
      %scan3A_26 = arith.addi %scan3A_24, %scan3A_25 : i32
      %scan3A_27 = arith.constant 1 : i32
      scf.for %scan3A_65 = %scan3A_24 to %scan3A_26 step %scan3A_27  : i32 {
        %jit3A = arith.constant 8 : i32
        %div3A = arith.divsi %scan3A_65, %jit3A : i32
        %sign3A = arith.constant 0 : i32
        %sign3A_66 = arith.cmpi sgt, %scan3A_65, %sign3A : i32
        %sign3A_67 = arith.extui %sign3A_66 : i1 to i32
        %sign3A_68 = arith.constant 0 : i32
        %sign3A_69 = arith.cmpi slt, %scan3A_65, %sign3A_68 : i32
        %sign3A_70 = arith.extui %sign3A_69 : i1 to i32
        %sign3A_71 = arith.subi %sign3A_67, %sign3A_70 : i32
        %sign3A_72 = arith.constant 0 : i32
        %sign3A_73 = arith.cmpi sgt, %jit3A, %sign3A_72 : i32
        %sign3A_74 = arith.extui %sign3A_73 : i1 to i32
        %sign3A_75 = arith.constant 0 : i32
        %sign3A_76 = arith.cmpi slt, %jit3A, %sign3A_75 : i32
        %sign3A_77 = arith.extui %sign3A_76 : i1 to i32
        %sign3A_78 = arith.subi %sign3A_74, %sign3A_77 : i32
        %ne3A = arith.cmpi ne, %sign3A_71, %sign3A_78 : i32
        %rem3A = arith.remsi %scan3A_65, %jit3A : i32
        %ne3A_79 = arith.constant 0 : i32
        %ne3A_80 = arith.cmpi ne, %rem3A, %ne3A_79 : i32
        %and3A = arith.andi %ne3A, %ne3A_80 : i1
        %sub3A = arith.constant 1 : i32
        %sub3A_81 = arith.subi %div3A, %sub3A : i32
        %select_n3A = arith.select %and3A, %sub3A_81, %div3A : i32
        %jit3A_82 = arith.constant 8 : i32
        %eq3A_83 = arith.constant 0 : i32
        %eq3A_84 = arith.cmpi eq, %jit3A_82, %eq3A_83 : i32
        %jit3A_85 = arith.constant 1 : i32
        %select_n3A_86 = arith.select %eq3A_84, %jit3A_85, %jit3A_82 : i32
        %rem3A_87 = arith.remsi %scan3A_65, %select_n3A_86 : i32
        %ne3A_88 = arith.constant 0 : i32
        %ne3A_89 = arith.cmpi ne, %rem3A_87, %ne3A_88 : i32
        %lt3A = arith.constant 0 : i32
        %lt3A_90 = arith.cmpi slt, %rem3A_87, %lt3A : i32
        %lt3A_91 = arith.constant 0 : i32
        %lt3A_92 = arith.cmpi slt, %select_n3A_86, %lt3A_91 : i32
        %ne3A_93 = arith.xori %lt3A_90, %lt3A_92 : i1
        %and3A_94 = arith.andi %ne3A_93, %ne3A_89 : i1
        %add3A_95 = arith.addi %rem3A_87, %select_n3A_86 : i32
        %select_n3A_96 = arith.select %and3A_94, %add3A_95, %rem3A_87 : i32
        %mul3A_97 = arith.constant 16 : i32
        %mul3A_98 = arith.muli %select_n3A_96, %mul3A_97 : i32
        %swap3A = arith.index_cast %select_n3A : i32 to index
        %swap3A_99 = arith.index_cast %mul3A_98 : i32 to index
        %swap3A_100 = tpu.vector_load %arg12[%swap3A, %swap3A_99] {strides = array<i32>} : memref<128x128xf32, #tpu.memory_space<vmem>>, vector<1x16xf32>,
        %swap3A_101 = vector.shape_cast %swap3A_100 : vector<1x16xf32> to vector<16xf32>
        %swap3A_102 = vector.shape_cast %broadcast_in_dim3A_22 : vector<16xf32> to vector<1x16xf32>
        tpu.vector_store %arg12[%swap3A, %swap3A_99], %swap3A_102 {strides = array<i32>} : memref<128x128xf32, #tpu.memory_space<vmem>>, vector<1x16xf32>,
      }
      %scan3A_28 = arith.constant 1024 : i32
      %mul3A = arith.constant 640 : i32
      %mul3A_29 = arith.muli %arg1, %mul3A : i32
      %add3A = arith.constant 0 : i32
      %add3A_30 = arith.addi %mul3A_29, %add3A : i32
      "tpu.region"() ({
        %run_scoped3A = tpu.sem_alloc : memref<!tpu.dma_semaphore, #tpu.memory_space<semaphore_mem>>
        %dma_start3A = arith.constant 0 : i32
        %dma_start3A_65 = tpu.memref_slice %arg9[%add3A_30, %dma_start3A] : memref<10240x128xf32, #tpu.memory_space<vmem_shared>> -> memref<128x128xf32, #tpu.memory_space<vmem_shared>>
        %dma_start3A_66 = arith.constant 0 : i32
        %dma_start3A_67 = tpu.memref_slice %arg9[%add3A_30, %dma_start3A_66] : memref<10240x128xf32, #tpu.memory_space<vmem_shared>> -> memref<128x128xf32, #tpu.memory_space<vmem_shared>>
        tpu.enqueue_dma source(%arg12 : memref<128x128xf32, #tpu.memory_space<vmem>>) target(%dma_start3A_67 : memref<128x128xf32, #tpu.memory_space<vmem_shared>>) target_semaphore(%run_scoped3A : memref<!tpu.dma_semaphore, #tpu.memory_space<semaphore_mem>>)
        %dma_wait3A = arith.constant 0 : i32
        %dma_wait3A_68 = tpu.memref_slice %arg9[%add3A_30, %dma_wait3A] : memref<10240x128xf32, #tpu.memory_space<vmem_shared>> -> memref<128x128xf32, #tpu.memory_space<vmem_shared>>
        %dma_wait3A_69 = arith.constant 0 : i32
        %dma_wait3A_70 = tpu.memref_slice %arg9[%add3A_30, %dma_wait3A_69] : memref<10240x128xf32, #tpu.memory_space<vmem_shared>> -> memref<128x128xf32, #tpu.memory_space<vmem_shared>>
        tpu.wait_dma2 semaphore(%run_scoped3A : memref<!tpu.dma_semaphore, #tpu.memory_space<semaphore_mem>>) src(%arg12 : memref<128x128xf32, #tpu.memory_space<vmem>>) dst(%dma_wait3A_70 : memref<128x128xf32, #tpu.memory_space<vmem_shared>>)
        tpu.yield
      }) : () -> ()
      %mul3A_31 = arith.constant 640 : i32
      %mul3A_32 = arith.muli %arg1, %mul3A_31 : i32
      %add3A_33 = arith.constant 128 : i32
      %add3A_34 = arith.addi %mul3A_32, %add3A_33 : i32
      "tpu.region"() ({
        %run_scoped3A = tpu.sem_alloc : memref<!tpu.dma_semaphore, #tpu.memory_space<semaphore_mem>>
        %dma_start3A = arith.constant 0 : i32
        %dma_start3A_65 = tpu.memref_slice %arg9[%add3A_34, %dma_start3A] : memref<10240x128xf32, #tpu.memory_space<vmem_shared>> -> memref<128x128xf32, #tpu.memory_space<vmem_shared>>
        %dma_start3A_66 = arith.constant 0 : i32
        %dma_start3A_67 = tpu.memref_slice %arg9[%add3A_34, %dma_start3A_66] : memref<10240x128xf32, #tpu.memory_space<vmem_shared>> -> memref<128x128xf32, #tpu.memory_space<vmem_shared>>
        tpu.enqueue_dma source(%arg12 : memref<128x128xf32, #tpu.memory_space<vmem>>) target(%dma_start3A_67 : memref<128x128xf32, #tpu.memory_space<vmem_shared>>) target_semaphore(%run_scoped3A : memref<!tpu.dma_semaphore, #tpu.memory_space<semaphore_mem>>)
        %dma_wait3A = arith.constant 0 : i32
        %dma_wait3A_68 = tpu.memref_slice %arg9[%add3A_34, %dma_wait3A] : memref<10240x128xf32, #tpu.memory_space<vmem_shared>> -> memref<128x128xf32, #tpu.memory_space<vmem_shared>>
        %dma_wait3A_69 = arith.constant 0 : i32
        %dma_wait3A_70 = tpu.memref_slice %arg9[%add3A_34, %dma_wait3A_69] : memref<10240x128xf32, #tpu.memory_space<vmem_shared>> -> memref<128x128xf32, #tpu.memory_space<vmem_shared>>
        tpu.wait_dma2 semaphore(%run_scoped3A : memref<!tpu.dma_semaphore, #tpu.memory_space<semaphore_mem>>) src(%arg12 : memref<128x128xf32, #tpu.memory_space<vmem>>) dst(%dma_wait3A_70 : memref<128x128xf32, #tpu.memory_space<vmem_shared>>)
        tpu.yield
      }) : () -> ()
      %mul3A_35 = arith.constant 640 : i32
      %mul3A_36 = arith.muli %arg1, %mul3A_35 : i32
      %add3A_37 = arith.constant 256 : i32
      %add3A_38 = arith.addi %mul3A_36, %add3A_37 : i32
      "tpu.region"() ({
        %run_scoped3A = tpu.sem_alloc : memref<!tpu.dma_semaphore, #tpu.memory_space<semaphore_mem>>
        %dma_start3A = arith.constant 0 : i32
        %dma_start3A_65 = tpu.memref_slice %arg9[%add3A_38, %dma_start3A] : memref<10240x128xf32, #tpu.memory_space<vmem_shared>> -> memref<128x128xf32, #tpu.memory_space<vmem_shared>>
        %dma_start3A_66 = arith.constant 0 : i32
        %dma_start3A_67 = tpu.memref_slice %arg9[%add3A_38, %dma_start3A_66] : memref<10240x128xf32, #tpu.memory_space<vmem_shared>> -> memref<128x128xf32, #tpu.memory_space<vmem_shared>>
        tpu.enqueue_dma source(%arg12 : memref<128x128xf32, #tpu.memory_space<vmem>>) target(%dma_start3A_67 : memref<128x128xf32, #tpu.memory_space<vmem_shared>>) target_semaphore(%run_scoped3A : memref<!tpu.dma_semaphore, #tpu.memory_space<semaphore_mem>>)
        %dma_wait3A = arith.constant 0 : i32
        %dma_wait3A_68 = tpu.memref_slice %arg9[%add3A_38, %dma_wait3A] : memref<10240x128xf32, #tpu.memory_space<vmem_shared>> -> memref<128x128xf32, #tpu.memory_space<vmem_shared>>
        %dma_wait3A_69 = arith.constant 0 : i32
        %dma_wait3A_70 = tpu.memref_slice %arg9[%add3A_38, %dma_wait3A_69] : memref<10240x128xf32, #tpu.memory_space<vmem_shared>> -> memref<128x128xf32, #tpu.memory_space<vmem_shared>>
        tpu.wait_dma2 semaphore(%run_scoped3A : memref<!tpu.dma_semaphore, #tpu.memory_space<semaphore_mem>>) src(%arg12 : memref<128x128xf32, #tpu.memory_space<vmem>>) dst(%dma_wait3A_70 : memref<128x128xf32, #tpu.memory_space<vmem_shared>>)
        tpu.yield
      }) : () -> ()
      %mul3A_39 = arith.constant 640 : i32
      %mul3A_40 = arith.muli %arg1, %mul3A_39 : i32
      %add3A_41 = arith.constant 384 : i32
      %add3A_42 = arith.addi %mul3A_40, %add3A_41 : i32
      "tpu.region"() ({
        %run_scoped3A = tpu.sem_alloc : memref<!tpu.dma_semaphore, #tpu.memory_space<semaphore_mem>>
        %dma_start3A = arith.constant 0 : i32
        %dma_start3A_65 = tpu.memref_slice %arg9[%add3A_42, %dma_start3A] : memref<10240x128xf32, #tpu.memory_space<vmem_shared>> -> memref<128x128xf32, #tpu.memory_space<vmem_shared>>
        %dma_start3A_66 = arith.constant 0 : i32
        %dma_start3A_67 = tpu.memref_slice %arg9[%add3A_42, %dma_start3A_66] : memref<10240x128xf32, #tpu.memory_space<vmem_shared>> -> memref<128x128xf32, #tpu.memory_space<vmem_shared>>
        tpu.enqueue_dma source(%arg12 : memref<128x128xf32, #tpu.memory_space<vmem>>) target(%dma_start3A_67 : memref<128x128xf32, #tpu.memory_space<vmem_shared>>) target_semaphore(%run_scoped3A : memref<!tpu.dma_semaphore, #tpu.memory_space<semaphore_mem>>)
        %dma_wait3A = arith.constant 0 : i32
        %dma_wait3A_68 = tpu.memref_slice %arg9[%add3A_42, %dma_wait3A] : memref<10240x128xf32, #tpu.memory_space<vmem_shared>> -> memref<128x128xf32, #tpu.memory_space<vmem_shared>>
        %dma_wait3A_69 = arith.constant 0 : i32
        %dma_wait3A_70 = tpu.memref_slice %arg9[%add3A_42, %dma_wait3A_69] : memref<10240x128xf32, #tpu.memory_space<vmem_shared>> -> memref<128x128xf32, #tpu.memory_space<vmem_shared>>
        tpu.wait_dma2 semaphore(%run_scoped3A : memref<!tpu.dma_semaphore, #tpu.memory_space<semaphore_mem>>) src(%arg12 : memref<128x128xf32, #tpu.memory_space<vmem>>) dst(%dma_wait3A_70 : memref<128x128xf32, #tpu.memory_space<vmem_shared>>)
        tpu.yield
      }) : () -> ()
      %mul3A_43 = arith.constant 640 : i32
      %mul3A_44 = arith.muli %arg1, %mul3A_43 : i32
      %add3A_45 = arith.constant 512 : i32
      %add3A_46 = arith.addi %mul3A_44, %add3A_45 : i32
      "tpu.region"() ({
        %run_scoped3A = tpu.sem_alloc : memref<!tpu.dma_semaphore, #tpu.memory_space<semaphore_mem>>
        %dma_start3A = arith.constant 0 : i32
        %dma_start3A_65 = tpu.memref_slice %arg9[%add3A_46, %dma_start3A] : memref<10240x128xf32, #tpu.memory_space<vmem_shared>> -> memref<128x128xf32, #tpu.memory_space<vmem_shared>>
        %dma_start3A_66 = arith.constant 0 : i32
        %dma_start3A_67 = tpu.memref_slice %arg9[%add3A_46, %dma_start3A_66] : memref<10240x128xf32, #tpu.memory_space<vmem_shared>> -> memref<128x128xf32, #tpu.memory_space<vmem_shared>>
        tpu.enqueue_dma source(%arg12 : memref<128x128xf32, #tpu.memory_space<vmem>>) target(%dma_start3A_67 : memref<128x128xf32, #tpu.memory_space<vmem_shared>>) target_semaphore(%run_scoped3A : memref<!tpu.dma_semaphore, #tpu.memory_space<semaphore_mem>>)
        %dma_wait3A = arith.constant 0 : i32
        %dma_wait3A_68 = tpu.memref_slice %arg9[%add3A_46, %dma_wait3A] : memref<10240x128xf32, #tpu.memory_space<vmem_shared>> -> memref<128x128xf32, #tpu.memory_space<vmem_shared>>
        %dma_wait3A_69 = arith.constant 0 : i32
        %dma_wait3A_70 = tpu.memref_slice %arg9[%add3A_46, %dma_wait3A_69] : memref<10240x128xf32, #tpu.memory_space<vmem_shared>> -> memref<128x128xf32, #tpu.memory_space<vmem_shared>>
        tpu.wait_dma2 semaphore(%run_scoped3A : memref<!tpu.dma_semaphore, #tpu.memory_space<semaphore_mem>>) src(%arg12 : memref<128x128xf32, #tpu.memory_space<vmem>>) dst(%dma_wait3A_70 : memref<128x128xf32, #tpu.memory_space<vmem_shared>>)
        tpu.yield
      }) : () -> ()
      %mul3A_47 = arith.constant 640 : i32
      %mul3A_48 = arith.muli %arg1, %mul3A_47 : i32
      "tpu.region"() ({
        %run_scoped3A = tpu.sem_alloc : memref<!tpu.dma_semaphore, #tpu.memory_space<semaphore_mem>>
        %dma_start3A = tpu.memref_slice %arg14[%mul3A_48] : memref<10240xf32, #tpu.memory_space<vmem_shared>> -> memref<640xf32, #tpu.memory_space<vmem_shared>>
        %dma_start3A_65 = tpu.memref_slice %arg14[%mul3A_48] : memref<10240xf32, #tpu.memory_space<vmem_shared>> -> memref<640xf32, #tpu.memory_space<vmem_shared>>
        tpu.enqueue_dma source(%arg15 : memref<640xf32, #tpu.memory_space<vmem>>) target(%dma_start3A_65 : memref<640xf32, #tpu.memory_space<vmem_shared>>) target_semaphore(%run_scoped3A : memref<!tpu.dma_semaphore, #tpu.memory_space<semaphore_mem>>)
        %dma_wait3A = tpu.memref_slice %arg14[%mul3A_48] : memref<10240xf32, #tpu.memory_space<vmem_shared>> -> memref<640xf32, #tpu.memory_space<vmem_shared>>
        %dma_wait3A_66 = tpu.memref_slice %arg14[%mul3A_48] : memref<10240xf32, #tpu.memory_space<vmem_shared>> -> memref<640xf32, #tpu.memory_space<vmem_shared>>
        tpu.wait_dma2 semaphore(%run_scoped3A : memref<!tpu.dma_semaphore, #tpu.memory_space<semaphore_mem>>) src(%arg15 : memref<640xf32, #tpu.memory_space<vmem>>) dst(%dma_wait3A_66 : memref<640xf32, #tpu.memory_space<vmem_shared>>)
        tpu.yield
      }) : () -> ()
      %barrier3A = arith.constant 0 : index
      tpu.barrier barrier_id(%barrier3A)
      %scan3A_49 = arith.constant 0 : i32
      %scan3A_50 = arith.constant 0 : i32
      %scan3A_51 = arith.constant 80 : i32
      %scan3A_52 = arith.addi %scan3A_50, %scan3A_51 : i32
      %scan3A_53 = arith.constant 1 : i32
      scf.for %scan3A_65 = %scan3A_50 to %scan3A_52 step %scan3A_53  : i32 {
        %dma_start3A = arith.constant 0 : i32
        %dma_start3A_66 = tpu.memref_slice %arg10[%scan3A_65, %dma_start3A] : memref<80x128xi32, #tpu.memory_space<vmem>> -> memref<1x128xi32, #tpu.memory_space<vmem>>
        %dma_start3A_67 = tpu.memref_squeeze %dma_start3A_66 : memref<1x128xi32, #tpu.memory_space<vmem>> -> memref<128xi32, #tpu.memory_space<vmem>>
        %dma_start3A_68 = arith.constant 0 : i32
        %dma_start3A_69 = arith.constant 0 : i32
        %dma_start3A_70 = tpu.memref_slice %arg2[%dma_start3A_68, %dma_start3A_69] : memref<10000x128xf32, #tpu.memory_space<hbm>> -> memref<10000x128xf32, #tpu.memory_space<hbm>>
        tpu.enqueue_indirect_dma source(%dma_start3A_70 : memref<10000x128xf32, #tpu.memory_space<hbm>>) target(%arg12 : memref<128x128xf32, #tpu.memory_space<vmem>>) offsets(%dma_start3A_67 : memref<128xi32, #tpu.memory_space<vmem>>) semaphore(%arg13 : memref<!tpu.dma_semaphore, #tpu.memory_space<semaphore_mem>>)
        %dma_wait3A = arith.constant 0 : i32
        %dma_wait3A_71 = tpu.memref_slice %arg10[%scan3A_65, %dma_wait3A] : memref<80x128xi32, #tpu.memory_space<vmem>> -> memref<1x128xi32, #tpu.memory_space<vmem>>
        %dma_wait3A_72 = tpu.memref_squeeze %dma_wait3A_71 : memref<1x128xi32, #tpu.memory_space<vmem>> -> memref<128xi32, #tpu.memory_space<vmem>>
        %dma_wait3A_73 = arith.constant 0 : i32
        %dma_wait3A_74 = arith.constant 0 : i32
        %dma_wait3A_75 = tpu.memref_slice %arg2[%dma_wait3A_73, %dma_wait3A_74] : memref<10000x128xf32, #tpu.memory_space<hbm>> -> memref<10000x128xf32, #tpu.memory_space<hbm>>
        tpu.wait_indirect_dma semaphore(%arg13 : memref<!tpu.dma_semaphore, #tpu.memory_space<semaphore_mem>>) src(%dma_wait3A_75 : memref<10000x128xf32, #tpu.memory_space<hbm>>) dst(%arg12 : memref<128x128xf32, #tpu.memory_space<vmem>>)
        "tpu.region"() ({
          %run_scoped3A = tpu.sem_alloc : memref<!tpu.dma_semaphore, #tpu.memory_space<semaphore_mem>>
          %dma_start3A_76 = arith.constant 0 : i32
          %dma_start3A_77 = tpu.memref_slice %arg11[%scan3A_65, %dma_start3A_76] : memref<80x128xi32, #tpu.memory_space<vmem>> -> memref<1x128xi32, #tpu.memory_space<vmem>>
          %dma_start3A_78 = tpu.memref_squeeze %dma_start3A_77 : memref<1x128xi32, #tpu.memory_space<vmem>> -> memref<128xi32, #tpu.memory_space<vmem>>
          %dma_start3A_79 = arith.constant 0 : i32
          %dma_start3A_80 = arith.constant 0 : i32
          %dma_start3A_81 = tpu.memref_slice %arg9[%dma_start3A_79, %dma_start3A_80] : memref<10240x128xf32, #tpu.memory_space<vmem_shared>> -> memref<10240x128xf32, #tpu.memory_space<vmem_shared>>
          tpu.enqueue_indirect_dma source(%arg12 : memref<128x128xf32, #tpu.memory_space<vmem>>) target(%dma_start3A_81 : memref<10240x128xf32, #tpu.memory_space<vmem_shared>>) offsets(%dma_start3A_78 : memref<128xi32, #tpu.memory_space<vmem>>) semaphore(%run_scoped3A : memref<!tpu.dma_semaphore, #tpu.memory_space<semaphore_mem>>) {add = true}
          %dma_wait3A_82 = arith.constant 0 : i32
          %dma_wait3A_83 = tpu.memref_slice %arg11[%scan3A_65, %dma_wait3A_82] : memref<80x128xi32, #tpu.memory_space<vmem>> -> memref<1x128xi32, #tpu.memory_space<vmem>>
          %dma_wait3A_84 = tpu.memref_squeeze %dma_wait3A_83 : memref<1x128xi32, #tpu.memory_space<vmem>> -> memref<128xi32, #tpu.memory_space<vmem>>
          %dma_wait3A_85 = arith.constant 0 : i32
          %dma_wait3A_86 = arith.constant 0 : i32
          %dma_wait3A_87 = tpu.memref_slice %arg9[%dma_wait3A_85, %dma_wait3A_86] : memref<10240x128xf32, #tpu.memory_space<vmem_shared>> -> memref<10240x128xf32, #tpu.memory_space<vmem_shared>>
          tpu.wait_indirect_dma semaphore(%run_scoped3A : memref<!tpu.dma_semaphore, #tpu.memory_space<semaphore_mem>>) src(%arg12 : memref<128x128xf32, #tpu.memory_space<vmem>>) dst(%dma_wait3A_87 : memref<10240x128xf32, #tpu.memory_space<vmem_shared>>)
          tpu.yield
        }) : () -> ()
        "tpu.region"() ({
          %run_scoped3A = tpu.sem_alloc : memref<!tpu.dma_semaphore, #tpu.memory_space<semaphore_mem>>
          %dma_start3A_76 = arith.constant 0 : i32
          %dma_start3A_77 = tpu.memref_slice %arg11[%scan3A_65, %dma_start3A_76] : memref<80x128xi32, #tpu.memory_space<vmem>> -> memref<1x128xi32, #tpu.memory_space<vmem>>
          %dma_start3A_78 = tpu.memref_squeeze %dma_start3A_77 : memref<1x128xi32, #tpu.memory_space<vmem>> -> memref<128xi32, #tpu.memory_space<vmem>>
          %dma_start3A_79 = arith.constant 0 : i32
          %dma_start3A_80 = tpu.memref_slice %arg14[%dma_start3A_79] : memref<10240xf32, #tpu.memory_space<vmem_shared>> -> memref<10240xf32, #tpu.memory_space<vmem_shared>>
          tpu.enqueue_indirect_dma source(%arg16 : memref<128xf32, #tpu.memory_space<vmem>>) target(%dma_start3A_80 : memref<10240xf32, #tpu.memory_space<vmem_shared>>) offsets(%dma_start3A_78 : memref<128xi32, #tpu.memory_space<vmem>>) semaphore(%run_scoped3A : memref<!tpu.dma_semaphore, #tpu.memory_space<semaphore_mem>>) {add = true}
          %dma_wait3A_81 = arith.constant 0 : i32
          %dma_wait3A_82 = tpu.memref_slice %arg11[%scan3A_65, %dma_wait3A_81] : memref<80x128xi32, #tpu.memory_space<vmem>> -> memref<1x128xi32, #tpu.memory_space<vmem>>
          %dma_wait3A_83 = tpu.memref_squeeze %dma_wait3A_82 : memref<1x128xi32, #tpu.memory_space<vmem>> -> memref<128xi32, #tpu.memory_space<vmem>>
          %dma_wait3A_84 = arith.constant 0 : i32
          %dma_wait3A_85 = tpu.memref_slice %arg14[%dma_wait3A_84] : memref<10240xf32, #tpu.memory_space<vmem_shared>> -> memref<10240xf32, #tpu.memory_space<vmem_shared>>
          tpu.wait_indirect_dma semaphore(%run_scoped3A : memref<!tpu.dma_semaphore, #tpu.memory_space<semaphore_mem>>) src(%arg16 : memref<128xf32, #tpu.memory_space<vmem>>) dst(%dma_wait3A_85 : memref<10240xf32, #tpu.memory_space<vmem_shared>>)
          tpu.yield
        }) : () -> ()
      }
      %scan3A_54 = arith.constant 80 : i32
      %barrier3A_55 = arith.constant 0 : index
      tpu.barrier barrier_id(%barrier3A_55)
      %mul3A_56 = arith.constant 640 : i32
      %mul3A_57 = arith.muli %arg1, %mul3A_56 : i32
      %mul3A_58 = arith.constant 640 : i32
      %mul3A_59 = arith.muli %arg1, %mul3A_58 : i32
      "tpu.region"() ({
        %run_scoped3A = tpu.sem_alloc : memref<!tpu.dma_semaphore, #tpu.memory_space<semaphore_mem>>
        %dma_start3A = arith.constant 0 : i32
        %dma_start3A_65 = tpu.memref_slice %arg6[%mul3A_59, %dma_start3A] : memref<10240x128xf32, #tpu.memory_space<hbm>> -> memref<640x128xf32, #tpu.memory_space<hbm>>
        %dma_start3A_66 = arith.constant 0 : i32
        %dma_start3A_67 = tpu.memref_slice %arg9[%mul3A_57, %dma_start3A_66] : memref<10240x128xf32, #tpu.memory_space<vmem_shared>> -> memref<640x128xf32, #tpu.memory_space<vmem_shared>>
        tpu.enqueue_dma source(%dma_start3A_67 : memref<640x128xf32, #tpu.memory_space<vmem_shared>>) target(%dma_start3A_65 : memref<640x128xf32, #tpu.memory_space<hbm>>) target_semaphore(%run_scoped3A : memref<!tpu.dma_semaphore, #tpu.memory_space<semaphore_mem>>)
        %dma_wait3A = arith.constant 0 : i32
        %dma_wait3A_68 = tpu.memref_slice %arg6[%mul3A_59, %dma_wait3A] : memref<10240x128xf32, #tpu.memory_space<hbm>> -> memref<640x128xf32, #tpu.memory_space<hbm>>
        %dma_wait3A_69 = arith.constant 0 : i32
        %dma_wait3A_70 = tpu.memref_slice %arg9[%mul3A_57, %dma_wait3A_69] : memref<10240x128xf32, #tpu.memory_space<vmem_shared>> -> memref<640x128xf32, #tpu.memory_space<vmem_shared>>
        tpu.wait_dma2 semaphore(%run_scoped3A : memref<!tpu.dma_semaphore, #tpu.memory_space<semaphore_mem>>) src(%dma_wait3A_70 : memref<640x128xf32, #tpu.memory_space<vmem_shared>>) dst(%dma_wait3A_68 : memref<640x128xf32, #tpu.memory_space<hbm>>)
        tpu.yield
      }) : () -> ()
      %mul3A_60 = arith.constant 640 : i32
      %mul3A_61 = arith.muli %arg1, %mul3A_60 : i32
      %mul3A_62 = arith.constant 640 : i32
      %mul3A_63 = arith.muli %arg1, %mul3A_62 : i32
      "tpu.region"() ({
        %run_scoped3A = tpu.sem_alloc : memref<!tpu.dma_semaphore, #tpu.memory_space<semaphore_mem>>
        %dma_start3A = tpu.memref_slice %arg8[%mul3A_63] : memref<10240xf32, #tpu.memory_space<hbm>> -> memref<640xf32, #tpu.memory_space<hbm>>
        %dma_start3A_65 = tpu.memref_slice %arg14[%mul3A_61] : memref<10240xf32, #tpu.memory_space<vmem_shared>> -> memref<640xf32, #tpu.memory_space<vmem_shared>>
        tpu.enqueue_dma source(%dma_start3A_65 : memref<640xf32, #tpu.memory_space<vmem_shared>>) target(%dma_start3A : memref<640xf32, #tpu.memory_space<hbm>>) target_semaphore(%run_scoped3A : memref<!tpu.dma_semaphore, #tpu.memory_space<semaphore_mem>>)
        %dma_wait3A = tpu.memref_slice %arg8[%mul3A_63] : memref<10240xf32, #tpu.memory_space<hbm>> -> memref<640xf32, #tpu.memory_space<hbm>>
        %dma_wait3A_66 = tpu.memref_slice %arg14[%mul3A_61] : memref<10240xf32, #tpu.memory_space<vmem_shared>> -> memref<640xf32, #tpu.memory_space<vmem_shared>>
        tpu.wait_dma2 semaphore(%run_scoped3A : memref<!tpu.dma_semaphore, #tpu.memory_space<semaphore_mem>>) src(%dma_wait3A_66 : memref<640xf32, #tpu.memory_space<vmem_shared>>) dst(%dma_wait3A : memref<640xf32, #tpu.memory_space<hbm>>)
        tpu.yield
      }) : () -> ()
      %barrier3A_64 = arith.constant 0 : index
      tpu.barrier barrier_id(%barrier3A_64)
    } else {
    }
    %eq3A_16 = arith.constant 1 : i32
    %eq3A_17 = arith.cmpi eq, %arg0, %eq3A_16 : i32
    %convert_element_type3A_18 = arith.extui %eq3A_17 : i1 to i32
    %cond3A_19 = arith.constant 0 : i32
    %cond3A_20 = arith.cmpi ne, %convert_element_type3A_18, %cond3A_19 : i32
    scf.if %cond3A_20 {
      %broadcast_in_dim3A_21 = arith.constant 0.000000e+00 : f32
      %broadcast_in_dim3A_22 = vector.broadcast %broadcast_in_dim3A_21 : f32 to vector<16xf32>
      %scan3A_23 = arith.constant 0 : i32
      %scan3A_24 = arith.constant 0 : i32
      %scan3A_25 = arith.constant 1024 : i32
      %scan3A_26 = arith.addi %scan3A_24, %scan3A_25 : i32
      %scan3A_27 = arith.constant 1 : i32
      scf.for %scan3A_59 = %scan3A_24 to %scan3A_26 step %scan3A_27  : i32 {
        %jit3A = arith.constant 8 : i32
        %div3A = arith.divsi %scan3A_59, %jit3A : i32
        %sign3A = arith.constant 0 : i32
        %sign3A_60 = arith.cmpi sgt, %scan3A_59, %sign3A : i32
        %sign3A_61 = arith.extui %sign3A_60 : i1 to i32
        %sign3A_62 = arith.constant 0 : i32
        %sign3A_63 = arith.cmpi slt, %scan3A_59, %sign3A_62 : i32
        %sign3A_64 = arith.extui %sign3A_63 : i1 to i32
        %sign3A_65 = arith.subi %sign3A_61, %sign3A_64 : i32
        %sign3A_66 = arith.constant 0 : i32
        %sign3A_67 = arith.cmpi sgt, %jit3A, %sign3A_66 : i32
        %sign3A_68 = arith.extui %sign3A_67 : i1 to i32
        %sign3A_69 = arith.constant 0 : i32
        %sign3A_70 = arith.cmpi slt, %jit3A, %sign3A_69 : i32
        %sign3A_71 = arith.extui %sign3A_70 : i1 to i32
        %sign3A_72 = arith.subi %sign3A_68, %sign3A_71 : i32
        %ne3A = arith.cmpi ne, %sign3A_65, %sign3A_72 : i32
        %rem3A = arith.remsi %scan3A_59, %jit3A : i32
        %ne3A_73 = arith.constant 0 : i32
        %ne3A_74 = arith.cmpi ne, %rem3A, %ne3A_73 : i32
        %and3A = arith.andi %ne3A, %ne3A_74 : i1
        %sub3A = arith.constant 1 : i32
        %sub3A_75 = arith.subi %div3A, %sub3A : i32
        %select_n3A = arith.select %and3A, %sub3A_75, %div3A : i32
        %jit3A_76 = arith.constant 8 : i32
        %eq3A_77 = arith.constant 0 : i32
        %eq3A_78 = arith.cmpi eq, %jit3A_76, %eq3A_77 : i32
        %jit3A_79 = arith.constant 1 : i32
        %select_n3A_80 = arith.select %eq3A_78, %jit3A_79, %jit3A_76 : i32
        %rem3A_81 = arith.remsi %scan3A_59, %select_n3A_80 : i32
        %ne3A_82 = arith.constant 0 : i32
        %ne3A_83 = arith.cmpi ne, %rem3A_81, %ne3A_82 : i32
        %lt3A = arith.constant 0 : i32
        %lt3A_84 = arith.cmpi slt, %rem3A_81, %lt3A : i32
        %lt3A_85 = arith.constant 0 : i32
        %lt3A_86 = arith.cmpi slt, %select_n3A_80, %lt3A_85 : i32
        %ne3A_87 = arith.xori %lt3A_84, %lt3A_86 : i1
        %and3A_88 = arith.andi %ne3A_87, %ne3A_83 : i1
        %add3A_89 = arith.addi %rem3A_81, %select_n3A_80 : i32
        %select_n3A_90 = arith.select %and3A_88, %add3A_89, %rem3A_81 : i32
        %mul3A_91 = arith.constant 16 : i32
        %mul3A_92 = arith.muli %select_n3A_90, %mul3A_91 : i32
        %swap3A = arith.index_cast %select_n3A : i32 to index
        %swap3A_93 = arith.index_cast %mul3A_92 : i32 to index
        %swap3A_94 = tpu.vector_load %arg12[%swap3A, %swap3A_93] {strides = array<i32>} : memref<128x128xf32, #tpu.memory_space<vmem>>, vector<1x16xf32>,
        %swap3A_95 = vector.shape_cast %swap3A_94 : vector<1x16xf32> to vector<16xf32>
        %swap3A_96 = vector.shape_cast %broadcast_in_dim3A_22 : vector<16xf32> to vector<1x16xf32>
        tpu.vector_store %arg12[%swap3A, %swap3A_93], %swap3A_96 {strides = array<i32>} : memref<128x128xf32, #tpu.memory_space<vmem>>, vector<1x16xf32>,
      }
      %scan3A_28 = arith.constant 1024 : i32
      %mul3A = arith.constant 640 : i32
      %mul3A_29 = arith.muli %arg1, %mul3A : i32
      %add3A = arith.constant 0 : i32
      %add3A_30 = arith.addi %mul3A_29, %add3A : i32
      "tpu.region"() ({
        %run_scoped3A = tpu.sem_alloc : memref<!tpu.dma_semaphore, #tpu.memory_space<semaphore_mem>>
        %dma_start3A = arith.constant 0 : i32
        %dma_start3A_59 = tpu.memref_slice %arg9[%add3A_30, %dma_start3A] : memref<10240x128xf32, #tpu.memory_space<vmem_shared>> -> memref<128x128xf32, #tpu.memory_space<vmem_shared>>
        %dma_start3A_60 = arith.constant 0 : i32
        %dma_start3A_61 = tpu.memref_slice %arg9[%add3A_30, %dma_start3A_60] : memref<10240x128xf32, #tpu.memory_space<vmem_shared>> -> memref<128x128xf32, #tpu.memory_space<vmem_shared>>
        tpu.enqueue_dma source(%arg12 : memref<128x128xf32, #tpu.memory_space<vmem>>) target(%dma_start3A_61 : memref<128x128xf32, #tpu.memory_space<vmem_shared>>) target_semaphore(%run_scoped3A : memref<!tpu.dma_semaphore, #tpu.memory_space<semaphore_mem>>)
        %dma_wait3A = arith.constant 0 : i32
        %dma_wait3A_62 = tpu.memref_slice %arg9[%add3A_30, %dma_wait3A] : memref<10240x128xf32, #tpu.memory_space<vmem_shared>> -> memref<128x128xf32, #tpu.memory_space<vmem_shared>>
        %dma_wait3A_63 = arith.constant 0 : i32
        %dma_wait3A_64 = tpu.memref_slice %arg9[%add3A_30, %dma_wait3A_63] : memref<10240x128xf32, #tpu.memory_space<vmem_shared>> -> memref<128x128xf32, #tpu.memory_space<vmem_shared>>
        tpu.wait_dma2 semaphore(%run_scoped3A : memref<!tpu.dma_semaphore, #tpu.memory_space<semaphore_mem>>) src(%arg12 : memref<128x128xf32, #tpu.memory_space<vmem>>) dst(%dma_wait3A_64 : memref<128x128xf32, #tpu.memory_space<vmem_shared>>)
        tpu.yield
      }) : () -> ()
      %mul3A_31 = arith.constant 640 : i32
      %mul3A_32 = arith.muli %arg1, %mul3A_31 : i32
      %add3A_33 = arith.constant 128 : i32
      %add3A_34 = arith.addi %mul3A_32, %add3A_33 : i32
      "tpu.region"() ({
        %run_scoped3A = tpu.sem_alloc : memref<!tpu.dma_semaphore, #tpu.memory_space<semaphore_mem>>
        %dma_start3A = arith.constant 0 : i32
        %dma_start3A_59 = tpu.memref_slice %arg9[%add3A_34, %dma_start3A] : memref<10240x128xf32, #tpu.memory_space<vmem_shared>> -> memref<128x128xf32, #tpu.memory_space<vmem_shared>>
        %dma_start3A_60 = arith.constant 0 : i32
        %dma_start3A_61 = tpu.memref_slice %arg9[%add3A_34, %dma_start3A_60] : memref<10240x128xf32, #tpu.memory_space<vmem_shared>> -> memref<128x128xf32, #tpu.memory_space<vmem_shared>>
        tpu.enqueue_dma source(%arg12 : memref<128x128xf32, #tpu.memory_space<vmem>>) target(%dma_start3A_61 : memref<128x128xf32, #tpu.memory_space<vmem_shared>>) target_semaphore(%run_scoped3A : memref<!tpu.dma_semaphore, #tpu.memory_space<semaphore_mem>>)
        %dma_wait3A = arith.constant 0 : i32
        %dma_wait3A_62 = tpu.memref_slice %arg9[%add3A_34, %dma_wait3A] : memref<10240x128xf32, #tpu.memory_space<vmem_shared>> -> memref<128x128xf32, #tpu.memory_space<vmem_shared>>
        %dma_wait3A_63 = arith.constant 0 : i32
        %dma_wait3A_64 = tpu.memref_slice %arg9[%add3A_34, %dma_wait3A_63] : memref<10240x128xf32, #tpu.memory_space<vmem_shared>> -> memref<128x128xf32, #tpu.memory_space<vmem_shared>>
        tpu.wait_dma2 semaphore(%run_scoped3A : memref<!tpu.dma_semaphore, #tpu.memory_space<semaphore_mem>>) src(%arg12 : memref<128x128xf32, #tpu.memory_space<vmem>>) dst(%dma_wait3A_64 : memref<128x128xf32, #tpu.memory_space<vmem_shared>>)
        tpu.yield
      }) : () -> ()
      %mul3A_35 = arith.constant 640 : i32
      %mul3A_36 = arith.muli %arg1, %mul3A_35 : i32
      %add3A_37 = arith.constant 256 : i32
      %add3A_38 = arith.addi %mul3A_36, %add3A_37 : i32
      "tpu.region"() ({
        %run_scoped3A = tpu.sem_alloc : memref<!tpu.dma_semaphore, #tpu.memory_space<semaphore_mem>>
        %dma_start3A = arith.constant 0 : i32
        %dma_start3A_59 = tpu.memref_slice %arg9[%add3A_38, %dma_start3A] : memref<10240x128xf32, #tpu.memory_space<vmem_shared>> -> memref<128x128xf32, #tpu.memory_space<vmem_shared>>
        %dma_start3A_60 = arith.constant 0 : i32
        %dma_start3A_61 = tpu.memref_slice %arg9[%add3A_38, %dma_start3A_60] : memref<10240x128xf32, #tpu.memory_space<vmem_shared>> -> memref<128x128xf32, #tpu.memory_space<vmem_shared>>
        tpu.enqueue_dma source(%arg12 : memref<128x128xf32, #tpu.memory_space<vmem>>) target(%dma_start3A_61 : memref<128x128xf32, #tpu.memory_space<vmem_shared>>) target_semaphore(%run_scoped3A : memref<!tpu.dma_semaphore, #tpu.memory_space<semaphore_mem>>)
        %dma_wait3A = arith.constant 0 : i32
        %dma_wait3A_62 = tpu.memref_slice %arg9[%add3A_38, %dma_wait3A] : memref<10240x128xf32, #tpu.memory_space<vmem_shared>> -> memref<128x128xf32, #tpu.memory_space<vmem_shared>>
        %dma_wait3A_63 = arith.constant 0 : i32
        %dma_wait3A_64 = tpu.memref_slice %arg9[%add3A_38, %dma_wait3A_63] : memref<10240x128xf32, #tpu.memory_space<vmem_shared>> -> memref<128x128xf32, #tpu.memory_space<vmem_shared>>
        tpu.wait_dma2 semaphore(%run_scoped3A : memref<!tpu.dma_semaphore, #tpu.memory_space<semaphore_mem>>) src(%arg12 : memref<128x128xf32, #tpu.memory_space<vmem>>) dst(%dma_wait3A_64 : memref<128x128xf32, #tpu.memory_space<vmem_shared>>)
        tpu.yield
      }) : () -> ()
      %mul3A_39 = arith.constant 640 : i32
      %mul3A_40 = arith.muli %arg1, %mul3A_39 : i32
      %add3A_41 = arith.constant 384 : i32
      %add3A_42 = arith.addi %mul3A_40, %add3A_41 : i32
      "tpu.region"() ({
        %run_scoped3A = tpu.sem_alloc : memref<!tpu.dma_semaphore, #tpu.memory_space<semaphore_mem>>
        %dma_start3A = arith.constant 0 : i32
        %dma_start3A_59 = tpu.memref_slice %arg9[%add3A_42, %dma_start3A] : memref<10240x128xf32, #tpu.memory_space<vmem_shared>> -> memref<128x128xf32, #tpu.memory_space<vmem_shared>>
        %dma_start3A_60 = arith.constant 0 : i32
        %dma_start3A_61 = tpu.memref_slice %arg9[%add3A_42, %dma_start3A_60] : memref<10240x128xf32, #tpu.memory_space<vmem_shared>> -> memref<128x128xf32, #tpu.memory_space<vmem_shared>>
        tpu.enqueue_dma source(%arg12 : memref<128x128xf32, #tpu.memory_space<vmem>>) target(%dma_start3A_61 : memref<128x128xf32, #tpu.memory_space<vmem_shared>>) target_semaphore(%run_scoped3A : memref<!tpu.dma_semaphore, #tpu.memory_space<semaphore_mem>>)
        %dma_wait3A = arith.constant 0 : i32
        %dma_wait3A_62 = tpu.memref_slice %arg9[%add3A_42, %dma_wait3A] : memref<10240x128xf32, #tpu.memory_space<vmem_shared>> -> memref<128x128xf32, #tpu.memory_space<vmem_shared>>
        %dma_wait3A_63 = arith.constant 0 : i32
        %dma_wait3A_64 = tpu.memref_slice %arg9[%add3A_42, %dma_wait3A_63] : memref<10240x128xf32, #tpu.memory_space<vmem_shared>> -> memref<128x128xf32, #tpu.memory_space<vmem_shared>>
        tpu.wait_dma2 semaphore(%run_scoped3A : memref<!tpu.dma_semaphore, #tpu.memory_space<semaphore_mem>>) src(%arg12 : memref<128x128xf32, #tpu.memory_space<vmem>>) dst(%dma_wait3A_64 : memref<128x128xf32, #tpu.memory_space<vmem_shared>>)
        tpu.yield
      }) : () -> ()
      %mul3A_43 = arith.constant 640 : i32
      %mul3A_44 = arith.muli %arg1, %mul3A_43 : i32
      %add3A_45 = arith.constant 512 : i32
      %add3A_46 = arith.addi %mul3A_44, %add3A_45 : i32
      "tpu.region"() ({
        %run_scoped3A = tpu.sem_alloc : memref<!tpu.dma_semaphore, #tpu.memory_space<semaphore_mem>>
        %dma_start3A = arith.constant 0 : i32
        %dma_start3A_59 = tpu.memref_slice %arg9[%add3A_46, %dma_start3A] : memref<10240x128xf32, #tpu.memory_space<vmem_shared>> -> memref<128x128xf32, #tpu.memory_space<vmem_shared>>
        %dma_start3A_60 = arith.constant 0 : i32
        %dma_start3A_61 = tpu.memref_slice %arg9[%add3A_46, %dma_start3A_60] : memref<10240x128xf32, #tpu.memory_space<vmem_shared>> -> memref<128x128xf32, #tpu.memory_space<vmem_shared>>
        tpu.enqueue_dma source(%arg12 : memref<128x128xf32, #tpu.memory_space<vmem>>) target(%dma_start3A_61 : memref<128x128xf32, #tpu.memory_space<vmem_shared>>) target_semaphore(%run_scoped3A : memref<!tpu.dma_semaphore, #tpu.memory_space<semaphore_mem>>)
        %dma_wait3A = arith.constant 0 : i32
        %dma_wait3A_62 = tpu.memref_slice %arg9[%add3A_46, %dma_wait3A] : memref<10240x128xf32, #tpu.memory_space<vmem_shared>> -> memref<128x128xf32, #tpu.memory_space<vmem_shared>>
        %dma_wait3A_63 = arith.constant 0 : i32
        %dma_wait3A_64 = tpu.memref_slice %arg9[%add3A_46, %dma_wait3A_63] : memref<10240x128xf32, #tpu.memory_space<vmem_shared>> -> memref<128x128xf32, #tpu.memory_space<vmem_shared>>
        tpu.wait_dma2 semaphore(%run_scoped3A : memref<!tpu.dma_semaphore, #tpu.memory_space<semaphore_mem>>) src(%arg12 : memref<128x128xf32, #tpu.memory_space<vmem>>) dst(%dma_wait3A_64 : memref<128x128xf32, #tpu.memory_space<vmem_shared>>)
        tpu.yield
      }) : () -> ()
      %barrier3A = arith.constant 0 : index
      tpu.barrier barrier_id(%barrier3A)
      %scan3A_47 = arith.constant 0 : i32
      %scan3A_48 = arith.constant 0 : i32
      %scan3A_49 = arith.constant 80 : i32
      %scan3A_50 = arith.addi %scan3A_48, %scan3A_49 : i32
      %scan3A_51 = arith.constant 1 : i32
      scf.for %scan3A_59 = %scan3A_48 to %scan3A_50 step %scan3A_51  : i32 {
        %dma_start3A = arith.constant 0 : i32
        %dma_start3A_60 = tpu.memref_slice %arg10[%scan3A_59, %dma_start3A] : memref<80x128xi32, #tpu.memory_space<vmem>> -> memref<1x128xi32, #tpu.memory_space<vmem>>
        %dma_start3A_61 = tpu.memref_squeeze %dma_start3A_60 : memref<1x128xi32, #tpu.memory_space<vmem>> -> memref<128xi32, #tpu.memory_space<vmem>>
        %dma_start3A_62 = arith.constant 0 : i32
        %dma_start3A_63 = arith.constant 0 : i32
        %dma_start3A_64 = tpu.memref_slice %arg3[%dma_start3A_62, %dma_start3A_63] : memref<10000x128xf32, #tpu.memory_space<hbm>> -> memref<10000x128xf32, #tpu.memory_space<hbm>>
        tpu.enqueue_indirect_dma source(%dma_start3A_64 : memref<10000x128xf32, #tpu.memory_space<hbm>>) target(%arg12 : memref<128x128xf32, #tpu.memory_space<vmem>>) offsets(%dma_start3A_61 : memref<128xi32, #tpu.memory_space<vmem>>) semaphore(%arg13 : memref<!tpu.dma_semaphore, #tpu.memory_space<semaphore_mem>>)
        %dma_wait3A = arith.constant 0 : i32
        %dma_wait3A_65 = tpu.memref_slice %arg10[%scan3A_59, %dma_wait3A] : memref<80x128xi32, #tpu.memory_space<vmem>> -> memref<1x128xi32, #tpu.memory_space<vmem>>
        %dma_wait3A_66 = tpu.memref_squeeze %dma_wait3A_65 : memref<1x128xi32, #tpu.memory_space<vmem>> -> memref<128xi32, #tpu.memory_space<vmem>>
        %dma_wait3A_67 = arith.constant 0 : i32
        %dma_wait3A_68 = arith.constant 0 : i32
        %dma_wait3A_69 = tpu.memref_slice %arg3[%dma_wait3A_67, %dma_wait3A_68] : memref<10000x128xf32, #tpu.memory_space<hbm>> -> memref<10000x128xf32, #tpu.memory_space<hbm>>
        tpu.wait_indirect_dma semaphore(%arg13 : memref<!tpu.dma_semaphore, #tpu.memory_space<semaphore_mem>>) src(%dma_wait3A_69 : memref<10000x128xf32, #tpu.memory_space<hbm>>) dst(%arg12 : memref<128x128xf32, #tpu.memory_space<vmem>>)
        "tpu.region"() ({
          %run_scoped3A = tpu.sem_alloc : memref<!tpu.dma_semaphore, #tpu.memory_space<semaphore_mem>>
          %dma_start3A_70 = arith.constant 0 : i32
          %dma_start3A_71 = tpu.memref_slice %arg11[%scan3A_59, %dma_start3A_70] : memref<80x128xi32, #tpu.memory_space<vmem>> -> memref<1x128xi32, #tpu.memory_space<vmem>>
          %dma_start3A_72 = tpu.memref_squeeze %dma_start3A_71 : memref<1x128xi32, #tpu.memory_space<vmem>> -> memref<128xi32, #tpu.memory_space<vmem>>
          %dma_start3A_73 = arith.constant 0 : i32
          %dma_start3A_74 = arith.constant 0 : i32
          %dma_start3A_75 = tpu.memref_slice %arg9[%dma_start3A_73, %dma_start3A_74] : memref<10240x128xf32, #tpu.memory_space<vmem_shared>> -> memref<10240x128xf32, #tpu.memory_space<vmem_shared>>
          tpu.enqueue_indirect_dma source(%arg12 : memref<128x128xf32, #tpu.memory_space<vmem>>) target(%dma_start3A_75 : memref<10240x128xf32, #tpu.memory_space<vmem_shared>>) offsets(%dma_start3A_72 : memref<128xi32, #tpu.memory_space<vmem>>) semaphore(%run_scoped3A : memref<!tpu.dma_semaphore, #tpu.memory_space<semaphore_mem>>) {add = true}
          %dma_wait3A_76 = arith.constant 0 : i32
          %dma_wait3A_77 = tpu.memref_slice %arg11[%scan3A_59, %dma_wait3A_76] : memref<80x128xi32, #tpu.memory_space<vmem>> -> memref<1x128xi32, #tpu.memory_space<vmem>>
          %dma_wait3A_78 = tpu.memref_squeeze %dma_wait3A_77 : memref<1x128xi32, #tpu.memory_space<vmem>> -> memref<128xi32, #tpu.memory_space<vmem>>
          %dma_wait3A_79 = arith.constant 0 : i32
          %dma_wait3A_80 = arith.constant 0 : i32
          %dma_wait3A_81 = tpu.memref_slice %arg9[%dma_wait3A_79, %dma_wait3A_80] : memref<10240x128xf32, #tpu.memory_space<vmem_shared>> -> memref<10240x128xf32, #tpu.memory_space<vmem_shared>>
          tpu.wait_indirect_dma semaphore(%run_scoped3A : memref<!tpu.dma_semaphore, #tpu.memory_space<semaphore_mem>>) src(%arg12 : memref<128x128xf32, #tpu.memory_space<vmem>>) dst(%dma_wait3A_81 : memref<10240x128xf32, #tpu.memory_space<vmem_shared>>)
          tpu.yield
        }) : () -> ()
      }
      %scan3A_52 = arith.constant 80 : i32
      %barrier3A_53 = arith.constant 0 : index
      tpu.barrier barrier_id(%barrier3A_53)
      %mul3A_54 = arith.constant 640 : i32
      %mul3A_55 = arith.muli %arg1, %mul3A_54 : i32
      %mul3A_56 = arith.constant 640 : i32
      %mul3A_57 = arith.muli %arg1, %mul3A_56 : i32
      "tpu.region"() ({
        %run_scoped3A = tpu.sem_alloc : memref<!tpu.dma_semaphore, #tpu.memory_space<semaphore_mem>>
        %dma_start3A = arith.constant 0 : i32
        %dma_start3A_59 = tpu.memref_slice %arg7[%mul3A_57, %dma_start3A] : memref<10240x128xf32, #tpu.memory_space<hbm>> -> memref<640x128xf32, #tpu.memory_space<hbm>>
        %dma_start3A_60 = arith.constant 0 : i32
        %dma_start3A_61 = tpu.memref_slice %arg9[%mul3A_55, %dma_start3A_60] : memref<10240x128xf32, #tpu.memory_space<vmem_shared>> -> memref<640x128xf32, #tpu.memory_space<vmem_shared>>
        tpu.enqueue_dma source(%dma_start3A_61 : memref<640x128xf32, #tpu.memory_space<vmem_shared>>) target(%dma_start3A_59 : memref<640x128xf32, #tpu.memory_space<hbm>>) target_semaphore(%run_scoped3A : memref<!tpu.dma_semaphore, #tpu.memory_space<semaphore_mem>>)
        %dma_wait3A = arith.constant 0 : i32
        %dma_wait3A_62 = tpu.memref_slice %arg7[%mul3A_57, %dma_wait3A] : memref<10240x128xf32, #tpu.memory_space<hbm>> -> memref<640x128xf32, #tpu.memory_space<hbm>>
        %dma_wait3A_63 = arith.constant 0 : i32
        %dma_wait3A_64 = tpu.memref_slice %arg9[%mul3A_55, %dma_wait3A_63] : memref<10240x128xf32, #tpu.memory_space<vmem_shared>> -> memref<640x128xf32, #tpu.memory_space<vmem_shared>>
        tpu.wait_dma2 semaphore(%run_scoped3A : memref<!tpu.dma_semaphore, #tpu.memory_space<semaphore_mem>>) src(%dma_wait3A_64 : memref<640x128xf32, #tpu.memory_space<vmem_shared>>) dst(%dma_wait3A_62 : memref<640x128xf32, #tpu.memory_space<hbm>>)
        tpu.yield
      }) : () -> ()
      %barrier3A_58 = arith.constant 0 : index
      tpu.barrier barrier_id(%barrier3A_58)
    } else {
    }
    return
  }
}

#map = affine_map<(d0, d1) -> (0, 0)>
#map1 = affine_map<(d0, d1) -> (0, 0, 0)>
module attributes {stable_mosaic.version = 14 : i64} {
  func.func @seg(%arg0: i32, %arg1: i32, %arg2: memref<10240x128xf32, #tpu.memory_space<hbm>>, %arg3: memref<10240x128xf32, #tpu.memory_space<hbm>>, %arg4: memref<10240x128xf32, #tpu.memory_space<hbm>>, %arg5: memref<10240x128xf32, #tpu.memory_space<hbm>>, %arg6: memref<16x80x128xi32, #tpu.memory_space<hbm>>, %arg7: memref<16x80x128xi32, #tpu.memory_space<hbm>>, %arg8: memref<10240x128xf32, #tpu.memory_space<hbm>>, %arg9: memref<10240x128xf32, #tpu.memory_space<hbm>>, %arg10: memref<10240x128xf32, #tpu.memory_space<hbm>>, %arg11: memref<10240x128xf32, #tpu.memory_space<hbm>>, %arg12: memref<10240x128xf32, #tpu.memory_space<vmem_shared>>, %arg13: memref<80x128xi32, #tpu.memory_space<vmem>>, %arg14: memref<80x128xi32, #tpu.memory_space<vmem>>, %arg15: memref<128x128xf32, #tpu.memory_space<vmem>>, %arg16: memref<!tpu.dma_semaphore, #tpu.memory_space<semaphore_mem>>) attributes {dimension_semantics = [#tpu.dimension_semantics<core_parallel>, #tpu.dimension_semantics<subcore_parallel>], iteration_bounds = array<i64: 2, 16>, scalar_prefetch = 0 : i64, scratch_operands = 5 : i64, tpu.core_type = #tpu.core_type<sc_vector_subcore>, window_params = [{transform_indices = #map}, {transform_indices = #map}, {transform_indices = #map}, {transform_indices = #map}, {transform_indices = #map1}, {transform_indices = #map1}, {transform_indices = #map}, {transform_indices = #map}, {transform_indices = #map}, {transform_indices = #map}]} {
    "tpu.region"() ({
      %run_scoped3A = tpu.sem_alloc : memref<!tpu.dma_semaphore, #tpu.memory_space<semaphore_mem>>
      %dma_start3A = arith.constant 0 : i32
      %dma_start3A_17 = arith.constant 0 : i32
      %dma_start3A_18 = tpu.memref_slice %arg6[%arg1, %dma_start3A, %dma_start3A_17] : memref<16x80x128xi32, #tpu.memory_space<hbm>> -> memref<1x80x128xi32, #tpu.memory_space<hbm>>
      %dma_start3A_19 = tpu.memref_squeeze %dma_start3A_18 : memref<1x80x128xi32, #tpu.memory_space<hbm>> -> memref<80x128xi32, #tpu.memory_space<hbm>>
      %dma_start3A_20 = arith.constant 0 : i32
      %dma_start3A_21 = arith.constant 0 : i32
      %dma_start3A_22 = tpu.memref_slice %arg6[%arg1, %dma_start3A_20, %dma_start3A_21] : memref<16x80x128xi32, #tpu.memory_space<hbm>> -> memref<1x80x128xi32, #tpu.memory_space<hbm>>
      %dma_start3A_23 = tpu.memref_squeeze %dma_start3A_22 : memref<1x80x128xi32, #tpu.memory_space<hbm>> -> memref<80x128xi32, #tpu.memory_space<hbm>>
      tpu.enqueue_dma source(%dma_start3A_23 : memref<80x128xi32, #tpu.memory_space<hbm>>) target(%arg13 : memref<80x128xi32, #tpu.memory_space<vmem>>) target_semaphore(%run_scoped3A : memref<!tpu.dma_semaphore, #tpu.memory_space<semaphore_mem>>)
      %dma_wait3A = arith.constant 0 : i32
      %dma_wait3A_24 = arith.constant 0 : i32
      %dma_wait3A_25 = tpu.memref_slice %arg6[%arg1, %dma_wait3A, %dma_wait3A_24] : memref<16x80x128xi32, #tpu.memory_space<hbm>> -> memref<1x80x128xi32, #tpu.memory_space<hbm>>
      %dma_wait3A_26 = tpu.memref_squeeze %dma_wait3A_25 : memref<1x80x128xi32, #tpu.memory_space<hbm>> -> memref<80x128xi32, #tpu.memory_space<hbm>>
      %dma_wait3A_27 = arith.constant 0 : i32
      %dma_wait3A_28 = arith.constant 0 : i32
      %dma_wait3A_29 = tpu.memref_slice %arg6[%arg1, %dma_wait3A_27, %dma_wait3A_28] : memref<16x80x128xi32, #tpu.memory_space<hbm>> -> memref<1x80x128xi32, #tpu.memory_space<hbm>>
      %dma_wait3A_30 = tpu.memref_squeeze %dma_wait3A_29 : memref<1x80x128xi32, #tpu.memory_space<hbm>> -> memref<80x128xi32, #tpu.memory_space<hbm>>
      tpu.wait_dma2 semaphore(%run_scoped3A : memref<!tpu.dma_semaphore, #tpu.memory_space<semaphore_mem>>) src(%dma_wait3A_30 : memref<80x128xi32, #tpu.memory_space<hbm>>) dst(%arg13 : memref<80x128xi32, #tpu.memory_space<vmem>>)
      tpu.yield
    }) : () -> ()
    "tpu.region"() ({
      %run_scoped3A = tpu.sem_alloc : memref<!tpu.dma_semaphore, #tpu.memory_space<semaphore_mem>>
      %dma_start3A = arith.constant 0 : i32
      %dma_start3A_17 = arith.constant 0 : i32
      %dma_start3A_18 = tpu.memref_slice %arg7[%arg1, %dma_start3A, %dma_start3A_17] : memref<16x80x128xi32, #tpu.memory_space<hbm>> -> memref<1x80x128xi32, #tpu.memory_space<hbm>>
      %dma_start3A_19 = tpu.memref_squeeze %dma_start3A_18 : memref<1x80x128xi32, #tpu.memory_space<hbm>> -> memref<80x128xi32, #tpu.memory_space<hbm>>
      %dma_start3A_20 = arith.constant 0 : i32
      %dma_start3A_21 = arith.constant 0 : i32
      %dma_start3A_22 = tpu.memref_slice %arg7[%arg1, %dma_start3A_20, %dma_start3A_21] : memref<16x80x128xi32, #tpu.memory_space<hbm>> -> memref<1x80x128xi32, #tpu.memory_space<hbm>>
      %dma_start3A_23 = tpu.memref_squeeze %dma_start3A_22 : memref<1x80x128xi32, #tpu.memory_space<hbm>> -> memref<80x128xi32, #tpu.memory_space<hbm>>
      tpu.enqueue_dma source(%dma_start3A_23 : memref<80x128xi32, #tpu.memory_space<hbm>>) target(%arg14 : memref<80x128xi32, #tpu.memory_space<vmem>>) target_semaphore(%run_scoped3A : memref<!tpu.dma_semaphore, #tpu.memory_space<semaphore_mem>>)
      %dma_wait3A = arith.constant 0 : i32
      %dma_wait3A_24 = arith.constant 0 : i32
      %dma_wait3A_25 = tpu.memref_slice %arg7[%arg1, %dma_wait3A, %dma_wait3A_24] : memref<16x80x128xi32, #tpu.memory_space<hbm>> -> memref<1x80x128xi32, #tpu.memory_space<hbm>>
      %dma_wait3A_26 = tpu.memref_squeeze %dma_wait3A_25 : memref<1x80x128xi32, #tpu.memory_space<hbm>> -> memref<80x128xi32, #tpu.memory_space<hbm>>
      %dma_wait3A_27 = arith.constant 0 : i32
      %dma_wait3A_28 = arith.constant 0 : i32
      %dma_wait3A_29 = tpu.memref_slice %arg7[%arg1, %dma_wait3A_27, %dma_wait3A_28] : memref<16x80x128xi32, #tpu.memory_space<hbm>> -> memref<1x80x128xi32, #tpu.memory_space<hbm>>
      %dma_wait3A_30 = tpu.memref_squeeze %dma_wait3A_29 : memref<1x80x128xi32, #tpu.memory_space<hbm>> -> memref<80x128xi32, #tpu.memory_space<hbm>>
      tpu.wait_dma2 semaphore(%run_scoped3A : memref<!tpu.dma_semaphore, #tpu.memory_space<semaphore_mem>>) src(%dma_wait3A_30 : memref<80x128xi32, #tpu.memory_space<hbm>>) dst(%arg14 : memref<80x128xi32, #tpu.memory_space<vmem>>)
      tpu.yield
    }) : () -> ()
    %eq3A = arith.constant 0 : i32
    %eq3A_0 = arith.cmpi eq, %arg0, %eq3A : i32
    %convert_element_type3A = arith.extui %eq3A_0 : i1 to i32
    %cond3A = arith.constant 0 : i32
    %cond3A_1 = arith.cmpi ne, %convert_element_type3A, %cond3A : i32
    scf.if %cond3A_1 {
      %broadcast_in_dim3A = arith.constant 0.000000e+00 : f32
      %broadcast_in_dim3A_17 = vector.broadcast %broadcast_in_dim3A : f32 to vector<16xf32>
      %scan3A = arith.constant 0 : i32
      %scan3A_18 = arith.constant 0 : i32
      %scan3A_19 = arith.constant 1024 : i32
      %scan3A_20 = arith.addi %scan3A_18, %scan3A_19 : i32
      %scan3A_21 = arith.constant 1 : i32
      scf.for %scan3A_53 = %scan3A_18 to %scan3A_20 step %scan3A_21  : i32 {
        %jit3A = arith.constant 8 : i32
        %div3A = arith.divsi %scan3A_53, %jit3A : i32
        %sign3A = arith.constant 0 : i32
        %sign3A_54 = arith.cmpi sgt, %scan3A_53, %sign3A : i32
        %sign3A_55 = arith.extui %sign3A_54 : i1 to i32
        %sign3A_56 = arith.constant 0 : i32
        %sign3A_57 = arith.cmpi slt, %scan3A_53, %sign3A_56 : i32
        %sign3A_58 = arith.extui %sign3A_57 : i1 to i32
        %sign3A_59 = arith.subi %sign3A_55, %sign3A_58 : i32
        %sign3A_60 = arith.constant 0 : i32
        %sign3A_61 = arith.cmpi sgt, %jit3A, %sign3A_60 : i32
        %sign3A_62 = arith.extui %sign3A_61 : i1 to i32
        %sign3A_63 = arith.constant 0 : i32
        %sign3A_64 = arith.cmpi slt, %jit3A, %sign3A_63 : i32
        %sign3A_65 = arith.extui %sign3A_64 : i1 to i32
        %sign3A_66 = arith.subi %sign3A_62, %sign3A_65 : i32
        %ne3A = arith.cmpi ne, %sign3A_59, %sign3A_66 : i32
        %rem3A = arith.remsi %scan3A_53, %jit3A : i32
        %ne3A_67 = arith.constant 0 : i32
        %ne3A_68 = arith.cmpi ne, %rem3A, %ne3A_67 : i32
        %and3A = arith.andi %ne3A, %ne3A_68 : i1
        %sub3A = arith.constant 1 : i32
        %sub3A_69 = arith.subi %div3A, %sub3A : i32
        %select_n3A = arith.select %and3A, %sub3A_69, %div3A : i32
        %jit3A_70 = arith.constant 8 : i32
        %eq3A_71 = arith.constant 0 : i32
        %eq3A_72 = arith.cmpi eq, %jit3A_70, %eq3A_71 : i32
        %jit3A_73 = arith.constant 1 : i32
        %select_n3A_74 = arith.select %eq3A_72, %jit3A_73, %jit3A_70 : i32
        %rem3A_75 = arith.remsi %scan3A_53, %select_n3A_74 : i32
        %ne3A_76 = arith.constant 0 : i32
        %ne3A_77 = arith.cmpi ne, %rem3A_75, %ne3A_76 : i32
        %lt3A = arith.constant 0 : i32
        %lt3A_78 = arith.cmpi slt, %rem3A_75, %lt3A : i32
        %lt3A_79 = arith.constant 0 : i32
        %lt3A_80 = arith.cmpi slt, %select_n3A_74, %lt3A_79 : i32
        %ne3A_81 = arith.xori %lt3A_78, %lt3A_80 : i1
        %and3A_82 = arith.andi %ne3A_81, %ne3A_77 : i1
        %add3A_83 = arith.addi %rem3A_75, %select_n3A_74 : i32
        %select_n3A_84 = arith.select %and3A_82, %add3A_83, %rem3A_75 : i32
        %mul3A_85 = arith.constant 16 : i32
        %mul3A_86 = arith.muli %select_n3A_84, %mul3A_85 : i32
        %swap3A = arith.index_cast %select_n3A : i32 to index
        %swap3A_87 = arith.index_cast %mul3A_86 : i32 to index
        %swap3A_88 = tpu.vector_load %arg15[%swap3A, %swap3A_87] {strides = array<i32>} : memref<128x128xf32, #tpu.memory_space<vmem>>, vector<1x16xf32>,
        %swap3A_89 = vector.shape_cast %swap3A_88 : vector<1x16xf32> to vector<16xf32>
        %swap3A_90 = vector.shape_cast %broadcast_in_dim3A_17 : vector<16xf32> to vector<1x16xf32>
        tpu.vector_store %arg15[%swap3A, %swap3A_87], %swap3A_90 {strides = array<i32>} : memref<128x128xf32, #tpu.memory_space<vmem>>, vector<1x16xf32>,
      }
      %scan3A_22 = arith.constant 1024 : i32
      %mul3A = arith.constant 640 : i32
      %mul3A_23 = arith.muli %arg1, %mul3A : i32
      %add3A = arith.constant 0 : i32
      %add3A_24 = arith.addi %mul3A_23, %add3A : i32
      "tpu.region"() ({
        %run_scoped3A = tpu.sem_alloc : memref<!tpu.dma_semaphore, #tpu.memory_space<semaphore_mem>>
        %dma_start3A = arith.constant 0 : i32
        %dma_start3A_53 = tpu.memref_slice %arg12[%add3A_24, %dma_start3A] : memref<10240x128xf32, #tpu.memory_space<vmem_shared>> -> memref<128x128xf32, #tpu.memory_space<vmem_shared>>
        %dma_start3A_54 = arith.constant 0 : i32
        %dma_start3A_55 = tpu.memref_slice %arg12[%add3A_24, %dma_start3A_54] : memref<10240x128xf32, #tpu.memory_space<vmem_shared>> -> memref<128x128xf32, #tpu.memory_space<vmem_shared>>
        tpu.enqueue_dma source(%arg15 : memref<128x128xf32, #tpu.memory_space<vmem>>) target(%dma_start3A_55 : memref<128x128xf32, #tpu.memory_space<vmem_shared>>) target_semaphore(%run_scoped3A : memref<!tpu.dma_semaphore, #tpu.memory_space<semaphore_mem>>)
        %dma_wait3A = arith.constant 0 : i32
        %dma_wait3A_56 = tpu.memref_slice %arg12[%add3A_24, %dma_wait3A] : memref<10240x128xf32, #tpu.memory_space<vmem_shared>> -> memref<128x128xf32, #tpu.memory_space<vmem_shared>>
        %dma_wait3A_57 = arith.constant 0 : i32
        %dma_wait3A_58 = tpu.memref_slice %arg12[%add3A_24, %dma_wait3A_57] : memref<10240x128xf32, #tpu.memory_space<vmem_shared>> -> memref<128x128xf32, #tpu.memory_space<vmem_shared>>
        tpu.wait_dma2 semaphore(%run_scoped3A : memref<!tpu.dma_semaphore, #tpu.memory_space<semaphore_mem>>) src(%arg15 : memref<128x128xf32, #tpu.memory_space<vmem>>) dst(%dma_wait3A_58 : memref<128x128xf32, #tpu.memory_space<vmem_shared>>)
        tpu.yield
      }) : () -> ()
      %mul3A_25 = arith.constant 640 : i32
      %mul3A_26 = arith.muli %arg1, %mul3A_25 : i32
      %add3A_27 = arith.constant 128 : i32
      %add3A_28 = arith.addi %mul3A_26, %add3A_27 : i32
      "tpu.region"() ({
        %run_scoped3A = tpu.sem_alloc : memref<!tpu.dma_semaphore, #tpu.memory_space<semaphore_mem>>
        %dma_start3A = arith.constant 0 : i32
        %dma_start3A_53 = tpu.memref_slice %arg12[%add3A_28, %dma_start3A] : memref<10240x128xf32, #tpu.memory_space<vmem_shared>> -> memref<128x128xf32, #tpu.memory_space<vmem_shared>>
        %dma_start3A_54 = arith.constant 0 : i32
        %dma_start3A_55 = tpu.memref_slice %arg12[%add3A_28, %dma_start3A_54] : memref<10240x128xf32, #tpu.memory_space<vmem_shared>> -> memref<128x128xf32, #tpu.memory_space<vmem_shared>>
        tpu.enqueue_dma source(%arg15 : memref<128x128xf32, #tpu.memory_space<vmem>>) target(%dma_start3A_55 : memref<128x128xf32, #tpu.memory_space<vmem_shared>>) target_semaphore(%run_scoped3A : memref<!tpu.dma_semaphore, #tpu.memory_space<semaphore_mem>>)
        %dma_wait3A = arith.constant 0 : i32
        %dma_wait3A_56 = tpu.memref_slice %arg12[%add3A_28, %dma_wait3A] : memref<10240x128xf32, #tpu.memory_space<vmem_shared>> -> memref<128x128xf32, #tpu.memory_space<vmem_shared>>
        %dma_wait3A_57 = arith.constant 0 : i32
        %dma_wait3A_58 = tpu.memref_slice %arg12[%add3A_28, %dma_wait3A_57] : memref<10240x128xf32, #tpu.memory_space<vmem_shared>> -> memref<128x128xf32, #tpu.memory_space<vmem_shared>>
        tpu.wait_dma2 semaphore(%run_scoped3A : memref<!tpu.dma_semaphore, #tpu.memory_space<semaphore_mem>>) src(%arg15 : memref<128x128xf32, #tpu.memory_space<vmem>>) dst(%dma_wait3A_58 : memref<128x128xf32, #tpu.memory_space<vmem_shared>>)
        tpu.yield
      }) : () -> ()
      %mul3A_29 = arith.constant 640 : i32
      %mul3A_30 = arith.muli %arg1, %mul3A_29 : i32
      %add3A_31 = arith.constant 256 : i32
      %add3A_32 = arith.addi %mul3A_30, %add3A_31 : i32
      "tpu.region"() ({
        %run_scoped3A = tpu.sem_alloc : memref<!tpu.dma_semaphore, #tpu.memory_space<semaphore_mem>>
        %dma_start3A = arith.constant 0 : i32
        %dma_start3A_53 = tpu.memref_slice %arg12[%add3A_32, %dma_start3A] : memref<10240x128xf32, #tpu.memory_space<vmem_shared>> -> memref<128x128xf32, #tpu.memory_space<vmem_shared>>
        %dma_start3A_54 = arith.constant 0 : i32
        %dma_start3A_55 = tpu.memref_slice %arg12[%add3A_32, %dma_start3A_54] : memref<10240x128xf32, #tpu.memory_space<vmem_shared>> -> memref<128x128xf32, #tpu.memory_space<vmem_shared>>
        tpu.enqueue_dma source(%arg15 : memref<128x128xf32, #tpu.memory_space<vmem>>) target(%dma_start3A_55 : memref<128x128xf32, #tpu.memory_space<vmem_shared>>) target_semaphore(%run_scoped3A : memref<!tpu.dma_semaphore, #tpu.memory_space<semaphore_mem>>)
        %dma_wait3A = arith.constant 0 : i32
        %dma_wait3A_56 = tpu.memref_slice %arg12[%add3A_32, %dma_wait3A] : memref<10240x128xf32, #tpu.memory_space<vmem_shared>> -> memref<128x128xf32, #tpu.memory_space<vmem_shared>>
        %dma_wait3A_57 = arith.constant 0 : i32
        %dma_wait3A_58 = tpu.memref_slice %arg12[%add3A_32, %dma_wait3A_57] : memref<10240x128xf32, #tpu.memory_space<vmem_shared>> -> memref<128x128xf32, #tpu.memory_space<vmem_shared>>
        tpu.wait_dma2 semaphore(%run_scoped3A : memref<!tpu.dma_semaphore, #tpu.memory_space<semaphore_mem>>) src(%arg15 : memref<128x128xf32, #tpu.memory_space<vmem>>) dst(%dma_wait3A_58 : memref<128x128xf32, #tpu.memory_space<vmem_shared>>)
        tpu.yield
      }) : () -> ()
      %mul3A_33 = arith.constant 640 : i32
      %mul3A_34 = arith.muli %arg1, %mul3A_33 : i32
      %add3A_35 = arith.constant 384 : i32
      %add3A_36 = arith.addi %mul3A_34, %add3A_35 : i32
      "tpu.region"() ({
        %run_scoped3A = tpu.sem_alloc : memref<!tpu.dma_semaphore, #tpu.memory_space<semaphore_mem>>
        %dma_start3A = arith.constant 0 : i32
        %dma_start3A_53 = tpu.memref_slice %arg12[%add3A_36, %dma_start3A] : memref<10240x128xf32, #tpu.memory_space<vmem_shared>> -> memref<128x128xf32, #tpu.memory_space<vmem_shared>>
        %dma_start3A_54 = arith.constant 0 : i32
        %dma_start3A_55 = tpu.memref_slice %arg12[%add3A_36, %dma_start3A_54] : memref<10240x128xf32, #tpu.memory_space<vmem_shared>> -> memref<128x128xf32, #tpu.memory_space<vmem_shared>>
        tpu.enqueue_dma source(%arg15 : memref<128x128xf32, #tpu.memory_space<vmem>>) target(%dma_start3A_55 : memref<128x128xf32, #tpu.memory_space<vmem_shared>>) target_semaphore(%run_scoped3A : memref<!tpu.dma_semaphore, #tpu.memory_space<semaphore_mem>>)
        %dma_wait3A = arith.constant 0 : i32
        %dma_wait3A_56 = tpu.memref_slice %arg12[%add3A_36, %dma_wait3A] : memref<10240x128xf32, #tpu.memory_space<vmem_shared>> -> memref<128x128xf32, #tpu.memory_space<vmem_shared>>
        %dma_wait3A_57 = arith.constant 0 : i32
        %dma_wait3A_58 = tpu.memref_slice %arg12[%add3A_36, %dma_wait3A_57] : memref<10240x128xf32, #tpu.memory_space<vmem_shared>> -> memref<128x128xf32, #tpu.memory_space<vmem_shared>>
        tpu.wait_dma2 semaphore(%run_scoped3A : memref<!tpu.dma_semaphore, #tpu.memory_space<semaphore_mem>>) src(%arg15 : memref<128x128xf32, #tpu.memory_space<vmem>>) dst(%dma_wait3A_58 : memref<128x128xf32, #tpu.memory_space<vmem_shared>>)
        tpu.yield
      }) : () -> ()
      %mul3A_37 = arith.constant 640 : i32
      %mul3A_38 = arith.muli %arg1, %mul3A_37 : i32
      %add3A_39 = arith.constant 512 : i32
      %add3A_40 = arith.addi %mul3A_38, %add3A_39 : i32
      "tpu.region"() ({
        %run_scoped3A = tpu.sem_alloc : memref<!tpu.dma_semaphore, #tpu.memory_space<semaphore_mem>>
        %dma_start3A = arith.constant 0 : i32
        %dma_start3A_53 = tpu.memref_slice %arg12[%add3A_40, %dma_start3A] : memref<10240x128xf32, #tpu.memory_space<vmem_shared>> -> memref<128x128xf32, #tpu.memory_space<vmem_shared>>
        %dma_start3A_54 = arith.constant 0 : i32
        %dma_start3A_55 = tpu.memref_slice %arg12[%add3A_40, %dma_start3A_54] : memref<10240x128xf32, #tpu.memory_space<vmem_shared>> -> memref<128x128xf32, #tpu.memory_space<vmem_shared>>
        tpu.enqueue_dma source(%arg15 : memref<128x128xf32, #tpu.memory_space<vmem>>) target(%dma_start3A_55 : memref<128x128xf32, #tpu.memory_space<vmem_shared>>) target_semaphore(%run_scoped3A : memref<!tpu.dma_semaphore, #tpu.memory_space<semaphore_mem>>)
        %dma_wait3A = arith.constant 0 : i32
        %dma_wait3A_56 = tpu.memref_slice %arg12[%add3A_40, %dma_wait3A] : memref<10240x128xf32, #tpu.memory_space<vmem_shared>> -> memref<128x128xf32, #tpu.memory_space<vmem_shared>>
        %dma_wait3A_57 = arith.constant 0 : i32
        %dma_wait3A_58 = tpu.memref_slice %arg12[%add3A_40, %dma_wait3A_57] : memref<10240x128xf32, #tpu.memory_space<vmem_shared>> -> memref<128x128xf32, #tpu.memory_space<vmem_shared>>
        tpu.wait_dma2 semaphore(%run_scoped3A : memref<!tpu.dma_semaphore, #tpu.memory_space<semaphore_mem>>) src(%arg15 : memref<128x128xf32, #tpu.memory_space<vmem>>) dst(%dma_wait3A_58 : memref<128x128xf32, #tpu.memory_space<vmem_shared>>)
        tpu.yield
      }) : () -> ()
      %barrier3A = arith.constant 0 : index
      tpu.barrier barrier_id(%barrier3A)
      %scan3A_41 = arith.constant 0 : i32
      %scan3A_42 = arith.constant 0 : i32
      %scan3A_43 = arith.constant 80 : i32
      %scan3A_44 = arith.addi %scan3A_42, %scan3A_43 : i32
      %scan3A_45 = arith.constant 1 : i32
      scf.for %scan3A_53 = %scan3A_42 to %scan3A_44 step %scan3A_45  : i32 {
        %dma_start3A = arith.constant 0 : i32
        %dma_start3A_54 = tpu.memref_slice %arg13[%scan3A_53, %dma_start3A] : memref<80x128xi32, #tpu.memory_space<vmem>> -> memref<1x128xi32, #tpu.memory_space<vmem>>
        %dma_start3A_55 = tpu.memref_squeeze %dma_start3A_54 : memref<1x128xi32, #tpu.memory_space<vmem>> -> memref<128xi32, #tpu.memory_space<vmem>>
        %dma_start3A_56 = arith.constant 0 : i32
        %dma_start3A_57 = arith.constant 0 : i32
        %dma_start3A_58 = tpu.memref_slice %arg2[%dma_start3A_56, %dma_start3A_57] : memref<10240x128xf32, #tpu.memory_space<hbm>> -> memref<10240x128xf32, #tpu.memory_space<hbm>>
        tpu.enqueue_indirect_dma source(%dma_start3A_58 : memref<10240x128xf32, #tpu.memory_space<hbm>>) target(%arg15 : memref<128x128xf32, #tpu.memory_space<vmem>>) offsets(%dma_start3A_55 : memref<128xi32, #tpu.memory_space<vmem>>) semaphore(%arg16 : memref<!tpu.dma_semaphore, #tpu.memory_space<semaphore_mem>>)
        %dma_wait3A = arith.constant 0 : i32
        %dma_wait3A_59 = tpu.memref_slice %arg13[%scan3A_53, %dma_wait3A] : memref<80x128xi32, #tpu.memory_space<vmem>> -> memref<1x128xi32, #tpu.memory_space<vmem>>
        %dma_wait3A_60 = tpu.memref_squeeze %dma_wait3A_59 : memref<1x128xi32, #tpu.memory_space<vmem>> -> memref<128xi32, #tpu.memory_space<vmem>>
        %dma_wait3A_61 = arith.constant 0 : i32
        %dma_wait3A_62 = arith.constant 0 : i32
        %dma_wait3A_63 = tpu.memref_slice %arg2[%dma_wait3A_61, %dma_wait3A_62] : memref<10240x128xf32, #tpu.memory_space<hbm>> -> memref<10240x128xf32, #tpu.memory_space<hbm>>
        tpu.wait_indirect_dma semaphore(%arg16 : memref<!tpu.dma_semaphore, #tpu.memory_space<semaphore_mem>>) src(%dma_wait3A_63 : memref<10240x128xf32, #tpu.memory_space<hbm>>) dst(%arg15 : memref<128x128xf32, #tpu.memory_space<vmem>>)
        "tpu.region"() ({
          %run_scoped3A = tpu.sem_alloc : memref<!tpu.dma_semaphore, #tpu.memory_space<semaphore_mem>>
          %dma_start3A_64 = arith.constant 0 : i32
          %dma_start3A_65 = tpu.memref_slice %arg14[%scan3A_53, %dma_start3A_64] : memref<80x128xi32, #tpu.memory_space<vmem>> -> memref<1x128xi32, #tpu.memory_space<vmem>>
          %dma_start3A_66 = tpu.memref_squeeze %dma_start3A_65 : memref<1x128xi32, #tpu.memory_space<vmem>> -> memref<128xi32, #tpu.memory_space<vmem>>
          %dma_start3A_67 = arith.constant 0 : i32
          %dma_start3A_68 = arith.constant 0 : i32
          %dma_start3A_69 = tpu.memref_slice %arg12[%dma_start3A_67, %dma_start3A_68] : memref<10240x128xf32, #tpu.memory_space<vmem_shared>> -> memref<10240x128xf32, #tpu.memory_space<vmem_shared>>
          tpu.enqueue_indirect_dma source(%arg15 : memref<128x128xf32, #tpu.memory_space<vmem>>) target(%dma_start3A_69 : memref<10240x128xf32, #tpu.memory_space<vmem_shared>>) offsets(%dma_start3A_66 : memref<128xi32, #tpu.memory_space<vmem>>) semaphore(%run_scoped3A : memref<!tpu.dma_semaphore, #tpu.memory_space<semaphore_mem>>) {add = true}
          %dma_wait3A_70 = arith.constant 0 : i32
          %dma_wait3A_71 = tpu.memref_slice %arg14[%scan3A_53, %dma_wait3A_70] : memref<80x128xi32, #tpu.memory_space<vmem>> -> memref<1x128xi32, #tpu.memory_space<vmem>>
          %dma_wait3A_72 = tpu.memref_squeeze %dma_wait3A_71 : memref<1x128xi32, #tpu.memory_space<vmem>> -> memref<128xi32, #tpu.memory_space<vmem>>
          %dma_wait3A_73 = arith.constant 0 : i32
          %dma_wait3A_74 = arith.constant 0 : i32
          %dma_wait3A_75 = tpu.memref_slice %arg12[%dma_wait3A_73, %dma_wait3A_74] : memref<10240x128xf32, #tpu.memory_space<vmem_shared>> -> memref<10240x128xf32, #tpu.memory_space<vmem_shared>>
          tpu.wait_indirect_dma semaphore(%run_scoped3A : memref<!tpu.dma_semaphore, #tpu.memory_space<semaphore_mem>>) src(%arg15 : memref<128x128xf32, #tpu.memory_space<vmem>>) dst(%dma_wait3A_75 : memref<10240x128xf32, #tpu.memory_space<vmem_shared>>)
          tpu.yield
        }) : () -> ()
      }
      %scan3A_46 = arith.constant 80 : i32
      %barrier3A_47 = arith.constant 0 : index
      tpu.barrier barrier_id(%barrier3A_47)
      %mul3A_48 = arith.constant 640 : i32
      %mul3A_49 = arith.muli %arg1, %mul3A_48 : i32
      %mul3A_50 = arith.constant 640 : i32
      %mul3A_51 = arith.muli %arg1, %mul3A_50 : i32
      "tpu.region"() ({
        %run_scoped3A = tpu.sem_alloc : memref<!tpu.dma_semaphore, #tpu.memory_space<semaphore_mem>>
        %dma_start3A = arith.constant 0 : i32
        %dma_start3A_53 = tpu.memref_slice %arg8[%mul3A_51, %dma_start3A] : memref<10240x128xf32, #tpu.memory_space<hbm>> -> memref<640x128xf32, #tpu.memory_space<hbm>>
        %dma_start3A_54 = arith.constant 0 : i32
        %dma_start3A_55 = tpu.memref_slice %arg12[%mul3A_49, %dma_start3A_54] : memref<10240x128xf32, #tpu.memory_space<vmem_shared>> -> memref<640x128xf32, #tpu.memory_space<vmem_shared>>
        tpu.enqueue_dma source(%dma_start3A_55 : memref<640x128xf32, #tpu.memory_space<vmem_shared>>) target(%dma_start3A_53 : memref<640x128xf32, #tpu.memory_space<hbm>>) target_semaphore(%run_scoped3A : memref<!tpu.dma_semaphore, #tpu.memory_space<semaphore_mem>>)
        %dma_wait3A = arith.constant 0 : i32
        %dma_wait3A_56 = tpu.memref_slice %arg8[%mul3A_51, %dma_wait3A] : memref<10240x128xf32, #tpu.memory_space<hbm>> -> memref<640x128xf32, #tpu.memory_space<hbm>>
        %dma_wait3A_57 = arith.constant 0 : i32
        %dma_wait3A_58 = tpu.memref_slice %arg12[%mul3A_49, %dma_wait3A_57] : memref<10240x128xf32, #tpu.memory_space<vmem_shared>> -> memref<640x128xf32, #tpu.memory_space<vmem_shared>>
        tpu.wait_dma2 semaphore(%run_scoped3A : memref<!tpu.dma_semaphore, #tpu.memory_space<semaphore_mem>>) src(%dma_wait3A_58 : memref<640x128xf32, #tpu.memory_space<vmem_shared>>) dst(%dma_wait3A_56 : memref<640x128xf32, #tpu.memory_space<hbm>>)
        tpu.yield
      }) : () -> ()
      %barrier3A_52 = arith.constant 0 : index
      tpu.barrier barrier_id(%barrier3A_52)
    } else {
    }
    %eq3A_2 = arith.constant 1 : i32
    %eq3A_3 = arith.cmpi eq, %arg0, %eq3A_2 : i32
    %convert_element_type3A_4 = arith.extui %eq3A_3 : i1 to i32
    %cond3A_5 = arith.constant 0 : i32
    %cond3A_6 = arith.cmpi ne, %convert_element_type3A_4, %cond3A_5 : i32
    scf.if %cond3A_6 {
      %broadcast_in_dim3A = arith.constant 0.000000e+00 : f32
      %broadcast_in_dim3A_17 = vector.broadcast %broadcast_in_dim3A : f32 to vector<16xf32>
      %scan3A = arith.constant 0 : i32
      %scan3A_18 = arith.constant 0 : i32
      %scan3A_19 = arith.constant 1024 : i32
      %scan3A_20 = arith.addi %scan3A_18, %scan3A_19 : i32
      %scan3A_21 = arith.constant 1 : i32
      scf.for %scan3A_53 = %scan3A_18 to %scan3A_20 step %scan3A_21  : i32 {
        %jit3A = arith.constant 8 : i32
        %div3A = arith.divsi %scan3A_53, %jit3A : i32
        %sign3A = arith.constant 0 : i32
        %sign3A_54 = arith.cmpi sgt, %scan3A_53, %sign3A : i32
        %sign3A_55 = arith.extui %sign3A_54 : i1 to i32
        %sign3A_56 = arith.constant 0 : i32
        %sign3A_57 = arith.cmpi slt, %scan3A_53, %sign3A_56 : i32
        %sign3A_58 = arith.extui %sign3A_57 : i1 to i32
        %sign3A_59 = arith.subi %sign3A_55, %sign3A_58 : i32
        %sign3A_60 = arith.constant 0 : i32
        %sign3A_61 = arith.cmpi sgt, %jit3A, %sign3A_60 : i32
        %sign3A_62 = arith.extui %sign3A_61 : i1 to i32
        %sign3A_63 = arith.constant 0 : i32
        %sign3A_64 = arith.cmpi slt, %jit3A, %sign3A_63 : i32
        %sign3A_65 = arith.extui %sign3A_64 : i1 to i32
        %sign3A_66 = arith.subi %sign3A_62, %sign3A_65 : i32
        %ne3A = arith.cmpi ne, %sign3A_59, %sign3A_66 : i32
        %rem3A = arith.remsi %scan3A_53, %jit3A : i32
        %ne3A_67 = arith.constant 0 : i32
        %ne3A_68 = arith.cmpi ne, %rem3A, %ne3A_67 : i32
        %and3A = arith.andi %ne3A, %ne3A_68 : i1
        %sub3A = arith.constant 1 : i32
        %sub3A_69 = arith.subi %div3A, %sub3A : i32
        %select_n3A = arith.select %and3A, %sub3A_69, %div3A : i32
        %jit3A_70 = arith.constant 8 : i32
        %eq3A_71 = arith.constant 0 : i32
        %eq3A_72 = arith.cmpi eq, %jit3A_70, %eq3A_71 : i32
        %jit3A_73 = arith.constant 1 : i32
        %select_n3A_74 = arith.select %eq3A_72, %jit3A_73, %jit3A_70 : i32
        %rem3A_75 = arith.remsi %scan3A_53, %select_n3A_74 : i32
        %ne3A_76 = arith.constant 0 : i32
        %ne3A_77 = arith.cmpi ne, %rem3A_75, %ne3A_76 : i32
        %lt3A = arith.constant 0 : i32
        %lt3A_78 = arith.cmpi slt, %rem3A_75, %lt3A : i32
        %lt3A_79 = arith.constant 0 : i32
        %lt3A_80 = arith.cmpi slt, %select_n3A_74, %lt3A_79 : i32
        %ne3A_81 = arith.xori %lt3A_78, %lt3A_80 : i1
        %and3A_82 = arith.andi %ne3A_81, %ne3A_77 : i1
        %add3A_83 = arith.addi %rem3A_75, %select_n3A_74 : i32
        %select_n3A_84 = arith.select %and3A_82, %add3A_83, %rem3A_75 : i32
        %mul3A_85 = arith.constant 16 : i32
        %mul3A_86 = arith.muli %select_n3A_84, %mul3A_85 : i32
        %swap3A = arith.index_cast %select_n3A : i32 to index
        %swap3A_87 = arith.index_cast %mul3A_86 : i32 to index
        %swap3A_88 = tpu.vector_load %arg15[%swap3A, %swap3A_87] {strides = array<i32>} : memref<128x128xf32, #tpu.memory_space<vmem>>, vector<1x16xf32>,
        %swap3A_89 = vector.shape_cast %swap3A_88 : vector<1x16xf32> to vector<16xf32>
        %swap3A_90 = vector.shape_cast %broadcast_in_dim3A_17 : vector<16xf32> to vector<1x16xf32>
        tpu.vector_store %arg15[%swap3A, %swap3A_87], %swap3A_90 {strides = array<i32>} : memref<128x128xf32, #tpu.memory_space<vmem>>, vector<1x16xf32>,
      }
      %scan3A_22 = arith.constant 1024 : i32
      %mul3A = arith.constant 640 : i32
      %mul3A_23 = arith.muli %arg1, %mul3A : i32
      %add3A = arith.constant 0 : i32
      %add3A_24 = arith.addi %mul3A_23, %add3A : i32
      "tpu.region"() ({
        %run_scoped3A = tpu.sem_alloc : memref<!tpu.dma_semaphore, #tpu.memory_space<semaphore_mem>>
        %dma_start3A = arith.constant 0 : i32
        %dma_start3A_53 = tpu.memref_slice %arg12[%add3A_24, %dma_start3A] : memref<10240x128xf32, #tpu.memory_space<vmem_shared>> -> memref<128x128xf32, #tpu.memory_space<vmem_shared>>
        %dma_start3A_54 = arith.constant 0 : i32
        %dma_start3A_55 = tpu.memref_slice %arg12[%add3A_24, %dma_start3A_54] : memref<10240x128xf32, #tpu.memory_space<vmem_shared>> -> memref<128x128xf32, #tpu.memory_space<vmem_shared>>
        tpu.enqueue_dma source(%arg15 : memref<128x128xf32, #tpu.memory_space<vmem>>) target(%dma_start3A_55 : memref<128x128xf32, #tpu.memory_space<vmem_shared>>) target_semaphore(%run_scoped3A : memref<!tpu.dma_semaphore, #tpu.memory_space<semaphore_mem>>)
        %dma_wait3A = arith.constant 0 : i32
        %dma_wait3A_56 = tpu.memref_slice %arg12[%add3A_24, %dma_wait3A] : memref<10240x128xf32, #tpu.memory_space<vmem_shared>> -> memref<128x128xf32, #tpu.memory_space<vmem_shared>>
        %dma_wait3A_57 = arith.constant 0 : i32
        %dma_wait3A_58 = tpu.memref_slice %arg12[%add3A_24, %dma_wait3A_57] : memref<10240x128xf32, #tpu.memory_space<vmem_shared>> -> memref<128x128xf32, #tpu.memory_space<vmem_shared>>
        tpu.wait_dma2 semaphore(%run_scoped3A : memref<!tpu.dma_semaphore, #tpu.memory_space<semaphore_mem>>) src(%arg15 : memref<128x128xf32, #tpu.memory_space<vmem>>) dst(%dma_wait3A_58 : memref<128x128xf32, #tpu.memory_space<vmem_shared>>)
        tpu.yield
      }) : () -> ()
      %mul3A_25 = arith.constant 640 : i32
      %mul3A_26 = arith.muli %arg1, %mul3A_25 : i32
      %add3A_27 = arith.constant 128 : i32
      %add3A_28 = arith.addi %mul3A_26, %add3A_27 : i32
      "tpu.region"() ({
        %run_scoped3A = tpu.sem_alloc : memref<!tpu.dma_semaphore, #tpu.memory_space<semaphore_mem>>
        %dma_start3A = arith.constant 0 : i32
        %dma_start3A_53 = tpu.memref_slice %arg12[%add3A_28, %dma_start3A] : memref<10240x128xf32, #tpu.memory_space<vmem_shared>> -> memref<128x128xf32, #tpu.memory_space<vmem_shared>>
        %dma_start3A_54 = arith.constant 0 : i32
        %dma_start3A_55 = tpu.memref_slice %arg12[%add3A_28, %dma_start3A_54] : memref<10240x128xf32, #tpu.memory_space<vmem_shared>> -> memref<128x128xf32, #tpu.memory_space<vmem_shared>>
        tpu.enqueue_dma source(%arg15 : memref<128x128xf32, #tpu.memory_space<vmem>>) target(%dma_start3A_55 : memref<128x128xf32, #tpu.memory_space<vmem_shared>>) target_semaphore(%run_scoped3A : memref<!tpu.dma_semaphore, #tpu.memory_space<semaphore_mem>>)
        %dma_wait3A = arith.constant 0 : i32
        %dma_wait3A_56 = tpu.memref_slice %arg12[%add3A_28, %dma_wait3A] : memref<10240x128xf32, #tpu.memory_space<vmem_shared>> -> memref<128x128xf32, #tpu.memory_space<vmem_shared>>
        %dma_wait3A_57 = arith.constant 0 : i32
        %dma_wait3A_58 = tpu.memref_slice %arg12[%add3A_28, %dma_wait3A_57] : memref<10240x128xf32, #tpu.memory_space<vmem_shared>> -> memref<128x128xf32, #tpu.memory_space<vmem_shared>>
        tpu.wait_dma2 semaphore(%run_scoped3A : memref<!tpu.dma_semaphore, #tpu.memory_space<semaphore_mem>>) src(%arg15 : memref<128x128xf32, #tpu.memory_space<vmem>>) dst(%dma_wait3A_58 : memref<128x128xf32, #tpu.memory_space<vmem_shared>>)
        tpu.yield
      }) : () -> ()
      %mul3A_29 = arith.constant 640 : i32
      %mul3A_30 = arith.muli %arg1, %mul3A_29 : i32
      %add3A_31 = arith.constant 256 : i32
      %add3A_32 = arith.addi %mul3A_30, %add3A_31 : i32
      "tpu.region"() ({
        %run_scoped3A = tpu.sem_alloc : memref<!tpu.dma_semaphore, #tpu.memory_space<semaphore_mem>>
        %dma_start3A = arith.constant 0 : i32
        %dma_start3A_53 = tpu.memref_slice %arg12[%add3A_32, %dma_start3A] : memref<10240x128xf32, #tpu.memory_space<vmem_shared>> -> memref<128x128xf32, #tpu.memory_space<vmem_shared>>
        %dma_start3A_54 = arith.constant 0 : i32
        %dma_start3A_55 = tpu.memref_slice %arg12[%add3A_32, %dma_start3A_54] : memref<10240x128xf32, #tpu.memory_space<vmem_shared>> -> memref<128x128xf32, #tpu.memory_space<vmem_shared>>
        tpu.enqueue_dma source(%arg15 : memref<128x128xf32, #tpu.memory_space<vmem>>) target(%dma_start3A_55 : memref<128x128xf32, #tpu.memory_space<vmem_shared>>) target_semaphore(%run_scoped3A : memref<!tpu.dma_semaphore, #tpu.memory_space<semaphore_mem>>)
        %dma_wait3A = arith.constant 0 : i32
        %dma_wait3A_56 = tpu.memref_slice %arg12[%add3A_32, %dma_wait3A] : memref<10240x128xf32, #tpu.memory_space<vmem_shared>> -> memref<128x128xf32, #tpu.memory_space<vmem_shared>>
        %dma_wait3A_57 = arith.constant 0 : i32
        %dma_wait3A_58 = tpu.memref_slice %arg12[%add3A_32, %dma_wait3A_57] : memref<10240x128xf32, #tpu.memory_space<vmem_shared>> -> memref<128x128xf32, #tpu.memory_space<vmem_shared>>
        tpu.wait_dma2 semaphore(%run_scoped3A : memref<!tpu.dma_semaphore, #tpu.memory_space<semaphore_mem>>) src(%arg15 : memref<128x128xf32, #tpu.memory_space<vmem>>) dst(%dma_wait3A_58 : memref<128x128xf32, #tpu.memory_space<vmem_shared>>)
        tpu.yield
      }) : () -> ()
      %mul3A_33 = arith.constant 640 : i32
      %mul3A_34 = arith.muli %arg1, %mul3A_33 : i32
      %add3A_35 = arith.constant 384 : i32
      %add3A_36 = arith.addi %mul3A_34, %add3A_35 : i32
      "tpu.region"() ({
        %run_scoped3A = tpu.sem_alloc : memref<!tpu.dma_semaphore, #tpu.memory_space<semaphore_mem>>
        %dma_start3A = arith.constant 0 : i32
        %dma_start3A_53 = tpu.memref_slice %arg12[%add3A_36, %dma_start3A] : memref<10240x128xf32, #tpu.memory_space<vmem_shared>> -> memref<128x128xf32, #tpu.memory_space<vmem_shared>>
        %dma_start3A_54 = arith.constant 0 : i32
        %dma_start3A_55 = tpu.memref_slice %arg12[%add3A_36, %dma_start3A_54] : memref<10240x128xf32, #tpu.memory_space<vmem_shared>> -> memref<128x128xf32, #tpu.memory_space<vmem_shared>>
        tpu.enqueue_dma source(%arg15 : memref<128x128xf32, #tpu.memory_space<vmem>>) target(%dma_start3A_55 : memref<128x128xf32, #tpu.memory_space<vmem_shared>>) target_semaphore(%run_scoped3A : memref<!tpu.dma_semaphore, #tpu.memory_space<semaphore_mem>>)
        %dma_wait3A = arith.constant 0 : i32
        %dma_wait3A_56 = tpu.memref_slice %arg12[%add3A_36, %dma_wait3A] : memref<10240x128xf32, #tpu.memory_space<vmem_shared>> -> memref<128x128xf32, #tpu.memory_space<vmem_shared>>
        %dma_wait3A_57 = arith.constant 0 : i32
        %dma_wait3A_58 = tpu.memref_slice %arg12[%add3A_36, %dma_wait3A_57] : memref<10240x128xf32, #tpu.memory_space<vmem_shared>> -> memref<128x128xf32, #tpu.memory_space<vmem_shared>>
        tpu.wait_dma2 semaphore(%run_scoped3A : memref<!tpu.dma_semaphore, #tpu.memory_space<semaphore_mem>>) src(%arg15 : memref<128x128xf32, #tpu.memory_space<vmem>>) dst(%dma_wait3A_58 : memref<128x128xf32, #tpu.memory_space<vmem_shared>>)
        tpu.yield
      }) : () -> ()
      %mul3A_37 = arith.constant 640 : i32
      %mul3A_38 = arith.muli %arg1, %mul3A_37 : i32
      %add3A_39 = arith.constant 512 : i32
      %add3A_40 = arith.addi %mul3A_38, %add3A_39 : i32
      "tpu.region"() ({
        %run_scoped3A = tpu.sem_alloc : memref<!tpu.dma_semaphore, #tpu.memory_space<semaphore_mem>>
        %dma_start3A = arith.constant 0 : i32
        %dma_start3A_53 = tpu.memref_slice %arg12[%add3A_40, %dma_start3A] : memref<10240x128xf32, #tpu.memory_space<vmem_shared>> -> memref<128x128xf32, #tpu.memory_space<vmem_shared>>
        %dma_start3A_54 = arith.constant 0 : i32
        %dma_start3A_55 = tpu.memref_slice %arg12[%add3A_40, %dma_start3A_54] : memref<10240x128xf32, #tpu.memory_space<vmem_shared>> -> memref<128x128xf32, #tpu.memory_space<vmem_shared>>
        tpu.enqueue_dma source(%arg15 : memref<128x128xf32, #tpu.memory_space<vmem>>) target(%dma_start3A_55 : memref<128x128xf32, #tpu.memory_space<vmem_shared>>) target_semaphore(%run_scoped3A : memref<!tpu.dma_semaphore, #tpu.memory_space<semaphore_mem>>)
        %dma_wait3A = arith.constant 0 : i32
        %dma_wait3A_56 = tpu.memref_slice %arg12[%add3A_40, %dma_wait3A] : memref<10240x128xf32, #tpu.memory_space<vmem_shared>> -> memref<128x128xf32, #tpu.memory_space<vmem_shared>>
        %dma_wait3A_57 = arith.constant 0 : i32
        %dma_wait3A_58 = tpu.memref_slice %arg12[%add3A_40, %dma_wait3A_57] : memref<10240x128xf32, #tpu.memory_space<vmem_shared>> -> memref<128x128xf32, #tpu.memory_space<vmem_shared>>
        tpu.wait_dma2 semaphore(%run_scoped3A : memref<!tpu.dma_semaphore, #tpu.memory_space<semaphore_mem>>) src(%arg15 : memref<128x128xf32, #tpu.memory_space<vmem>>) dst(%dma_wait3A_58 : memref<128x128xf32, #tpu.memory_space<vmem_shared>>)
        tpu.yield
      }) : () -> ()
      %barrier3A = arith.constant 0 : index
      tpu.barrier barrier_id(%barrier3A)
      %scan3A_41 = arith.constant 0 : i32
      %scan3A_42 = arith.constant 0 : i32
      %scan3A_43 = arith.constant 80 : i32
      %scan3A_44 = arith.addi %scan3A_42, %scan3A_43 : i32
      %scan3A_45 = arith.constant 1 : i32
      scf.for %scan3A_53 = %scan3A_42 to %scan3A_44 step %scan3A_45  : i32 {
        %dma_start3A = arith.constant 0 : i32
        %dma_start3A_54 = tpu.memref_slice %arg13[%scan3A_53, %dma_start3A] : memref<80x128xi32, #tpu.memory_space<vmem>> -> memref<1x128xi32, #tpu.memory_space<vmem>>
        %dma_start3A_55 = tpu.memref_squeeze %dma_start3A_54 : memref<1x128xi32, #tpu.memory_space<vmem>> -> memref<128xi32, #tpu.memory_space<vmem>>
        %dma_start3A_56 = arith.constant 0 : i32
        %dma_start3A_57 = arith.constant 0 : i32
        %dma_start3A_58 = tpu.memref_slice %arg4[%dma_start3A_56, %dma_start3A_57] : memref<10240x128xf32, #tpu.memory_space<hbm>> -> memref<10240x128xf32, #tpu.memory_space<hbm>>
        tpu.enqueue_indirect_dma source(%dma_start3A_58 : memref<10240x128xf32, #tpu.memory_space<hbm>>) target(%arg15 : memref<128x128xf32, #tpu.memory_space<vmem>>) offsets(%dma_start3A_55 : memref<128xi32, #tpu.memory_space<vmem>>) semaphore(%arg16 : memref<!tpu.dma_semaphore, #tpu.memory_space<semaphore_mem>>)
        %dma_wait3A = arith.constant 0 : i32
        %dma_wait3A_59 = tpu.memref_slice %arg13[%scan3A_53, %dma_wait3A] : memref<80x128xi32, #tpu.memory_space<vmem>> -> memref<1x128xi32, #tpu.memory_space<vmem>>
        %dma_wait3A_60 = tpu.memref_squeeze %dma_wait3A_59 : memref<1x128xi32, #tpu.memory_space<vmem>> -> memref<128xi32, #tpu.memory_space<vmem>>
        %dma_wait3A_61 = arith.constant 0 : i32
        %dma_wait3A_62 = arith.constant 0 : i32
        %dma_wait3A_63 = tpu.memref_slice %arg4[%dma_wait3A_61, %dma_wait3A_62] : memref<10240x128xf32, #tpu.memory_space<hbm>> -> memref<10240x128xf32, #tpu.memory_space<hbm>>
        tpu.wait_indirect_dma semaphore(%arg16 : memref<!tpu.dma_semaphore, #tpu.memory_space<semaphore_mem>>) src(%dma_wait3A_63 : memref<10240x128xf32, #tpu.memory_space<hbm>>) dst(%arg15 : memref<128x128xf32, #tpu.memory_space<vmem>>)
        "tpu.region"() ({
          %run_scoped3A = tpu.sem_alloc : memref<!tpu.dma_semaphore, #tpu.memory_space<semaphore_mem>>
          %dma_start3A_64 = arith.constant 0 : i32
          %dma_start3A_65 = tpu.memref_slice %arg14[%scan3A_53, %dma_start3A_64] : memref<80x128xi32, #tpu.memory_space<vmem>> -> memref<1x128xi32, #tpu.memory_space<vmem>>
          %dma_start3A_66 = tpu.memref_squeeze %dma_start3A_65 : memref<1x128xi32, #tpu.memory_space<vmem>> -> memref<128xi32, #tpu.memory_space<vmem>>
          %dma_start3A_67 = arith.constant 0 : i32
          %dma_start3A_68 = arith.constant 0 : i32
          %dma_start3A_69 = tpu.memref_slice %arg12[%dma_start3A_67, %dma_start3A_68] : memref<10240x128xf32, #tpu.memory_space<vmem_shared>> -> memref<10240x128xf32, #tpu.memory_space<vmem_shared>>
          tpu.enqueue_indirect_dma source(%arg15 : memref<128x128xf32, #tpu.memory_space<vmem>>) target(%dma_start3A_69 : memref<10240x128xf32, #tpu.memory_space<vmem_shared>>) offsets(%dma_start3A_66 : memref<128xi32, #tpu.memory_space<vmem>>) semaphore(%run_scoped3A : memref<!tpu.dma_semaphore, #tpu.memory_space<semaphore_mem>>) {add = true}
          %dma_wait3A_70 = arith.constant 0 : i32
          %dma_wait3A_71 = tpu.memref_slice %arg14[%scan3A_53, %dma_wait3A_70] : memref<80x128xi32, #tpu.memory_space<vmem>> -> memref<1x128xi32, #tpu.memory_space<vmem>>
          %dma_wait3A_72 = tpu.memref_squeeze %dma_wait3A_71 : memref<1x128xi32, #tpu.memory_space<vmem>> -> memref<128xi32, #tpu.memory_space<vmem>>
          %dma_wait3A_73 = arith.constant 0 : i32
          %dma_wait3A_74 = arith.constant 0 : i32
          %dma_wait3A_75 = tpu.memref_slice %arg12[%dma_wait3A_73, %dma_wait3A_74] : memref<10240x128xf32, #tpu.memory_space<vmem_shared>> -> memref<10240x128xf32, #tpu.memory_space<vmem_shared>>
          tpu.wait_indirect_dma semaphore(%run_scoped3A : memref<!tpu.dma_semaphore, #tpu.memory_space<semaphore_mem>>) src(%arg15 : memref<128x128xf32, #tpu.memory_space<vmem>>) dst(%dma_wait3A_75 : memref<10240x128xf32, #tpu.memory_space<vmem_shared>>)
          tpu.yield
        }) : () -> ()
      }
      %scan3A_46 = arith.constant 80 : i32
      %barrier3A_47 = arith.constant 0 : index
      tpu.barrier barrier_id(%barrier3A_47)
      %mul3A_48 = arith.constant 640 : i32
      %mul3A_49 = arith.muli %arg1, %mul3A_48 : i32
      %mul3A_50 = arith.constant 640 : i32
      %mul3A_51 = arith.muli %arg1, %mul3A_50 : i32
      "tpu.region"() ({
        %run_scoped3A = tpu.sem_alloc : memref<!tpu.dma_semaphore, #tpu.memory_space<semaphore_mem>>
        %dma_start3A = arith.constant 0 : i32
        %dma_start3A_53 = tpu.memref_slice %arg10[%mul3A_51, %dma_start3A] : memref<10240x128xf32, #tpu.memory_space<hbm>> -> memref<640x128xf32, #tpu.memory_space<hbm>>
        %dma_start3A_54 = arith.constant 0 : i32
        %dma_start3A_55 = tpu.memref_slice %arg12[%mul3A_49, %dma_start3A_54] : memref<10240x128xf32, #tpu.memory_space<vmem_shared>> -> memref<640x128xf32, #tpu.memory_space<vmem_shared>>
        tpu.enqueue_dma source(%dma_start3A_55 : memref<640x128xf32, #tpu.memory_space<vmem_shared>>) target(%dma_start3A_53 : memref<640x128xf32, #tpu.memory_space<hbm>>) target_semaphore(%run_scoped3A : memref<!tpu.dma_semaphore, #tpu.memory_space<semaphore_mem>>)
        %dma_wait3A = arith.constant 0 : i32
        %dma_wait3A_56 = tpu.memref_slice %arg10[%mul3A_51, %dma_wait3A] : memref<10240x128xf32, #tpu.memory_space<hbm>> -> memref<640x128xf32, #tpu.memory_space<hbm>>
        %dma_wait3A_57 = arith.constant 0 : i32
        %dma_wait3A_58 = tpu.memref_slice %arg12[%mul3A_49, %dma_wait3A_57] : memref<10240x128xf32, #tpu.memory_space<vmem_shared>> -> memref<640x128xf32, #tpu.memory_space<vmem_shared>>
        tpu.wait_dma2 semaphore(%run_scoped3A : memref<!tpu.dma_semaphore, #tpu.memory_space<semaphore_mem>>) src(%dma_wait3A_58 : memref<640x128xf32, #tpu.memory_space<vmem_shared>>) dst(%dma_wait3A_56 : memref<640x128xf32, #tpu.memory_space<hbm>>)
        tpu.yield
      }) : () -> ()
      %barrier3A_52 = arith.constant 0 : index
      tpu.barrier barrier_id(%barrier3A_52)
    } else {
    }
    %eq3A_7 = arith.constant 0 : i32
    %eq3A_8 = arith.cmpi eq, %arg0, %eq3A_7 : i32
    %convert_element_type3A_9 = arith.extui %eq3A_8 : i1 to i32
    %cond3A_10 = arith.constant 0 : i32
    %cond3A_11 = arith.cmpi ne, %convert_element_type3A_9, %cond3A_10 : i32
    scf.if %cond3A_11 {
      %broadcast_in_dim3A = arith.constant 0.000000e+00 : f32
      %broadcast_in_dim3A_17 = vector.broadcast %broadcast_in_dim3A : f32 to vector<16xf32>
      %scan3A = arith.constant 0 : i32
      %scan3A_18 = arith.constant 0 : i32
      %scan3A_19 = arith.constant 1024 : i32
      %scan3A_20 = arith.addi %scan3A_18, %scan3A_19 : i32
      %scan3A_21 = arith.constant 1 : i32
      scf.for %scan3A_53 = %scan3A_18 to %scan3A_20 step %scan3A_21  : i32 {
        %jit3A = arith.constant 8 : i32
        %div3A = arith.divsi %scan3A_53, %jit3A : i32
        %sign3A = arith.constant 0 : i32
        %sign3A_54 = arith.cmpi sgt, %scan3A_53, %sign3A : i32
        %sign3A_55 = arith.extui %sign3A_54 : i1 to i32
        %sign3A_56 = arith.constant 0 : i32
        %sign3A_57 = arith.cmpi slt, %scan3A_53, %sign3A_56 : i32
        %sign3A_58 = arith.extui %sign3A_57 : i1 to i32
        %sign3A_59 = arith.subi %sign3A_55, %sign3A_58 : i32
        %sign3A_60 = arith.constant 0 : i32
        %sign3A_61 = arith.cmpi sgt, %jit3A, %sign3A_60 : i32
        %sign3A_62 = arith.extui %sign3A_61 : i1 to i32
        %sign3A_63 = arith.constant 0 : i32
        %sign3A_64 = arith.cmpi slt, %jit3A, %sign3A_63 : i32
        %sign3A_65 = arith.extui %sign3A_64 : i1 to i32
        %sign3A_66 = arith.subi %sign3A_62, %sign3A_65 : i32
        %ne3A = arith.cmpi ne, %sign3A_59, %sign3A_66 : i32
        %rem3A = arith.remsi %scan3A_53, %jit3A : i32
        %ne3A_67 = arith.constant 0 : i32
        %ne3A_68 = arith.cmpi ne, %rem3A, %ne3A_67 : i32
        %and3A = arith.andi %ne3A, %ne3A_68 : i1
        %sub3A = arith.constant 1 : i32
        %sub3A_69 = arith.subi %div3A, %sub3A : i32
        %select_n3A = arith.select %and3A, %sub3A_69, %div3A : i32
        %jit3A_70 = arith.constant 8 : i32
        %eq3A_71 = arith.constant 0 : i32
        %eq3A_72 = arith.cmpi eq, %jit3A_70, %eq3A_71 : i32
        %jit3A_73 = arith.constant 1 : i32
        %select_n3A_74 = arith.select %eq3A_72, %jit3A_73, %jit3A_70 : i32
        %rem3A_75 = arith.remsi %scan3A_53, %select_n3A_74 : i32
        %ne3A_76 = arith.constant 0 : i32
        %ne3A_77 = arith.cmpi ne, %rem3A_75, %ne3A_76 : i32
        %lt3A = arith.constant 0 : i32
        %lt3A_78 = arith.cmpi slt, %rem3A_75, %lt3A : i32
        %lt3A_79 = arith.constant 0 : i32
        %lt3A_80 = arith.cmpi slt, %select_n3A_74, %lt3A_79 : i32
        %ne3A_81 = arith.xori %lt3A_78, %lt3A_80 : i1
        %and3A_82 = arith.andi %ne3A_81, %ne3A_77 : i1
        %add3A_83 = arith.addi %rem3A_75, %select_n3A_74 : i32
        %select_n3A_84 = arith.select %and3A_82, %add3A_83, %rem3A_75 : i32
        %mul3A_85 = arith.constant 16 : i32
        %mul3A_86 = arith.muli %select_n3A_84, %mul3A_85 : i32
        %swap3A = arith.index_cast %select_n3A : i32 to index
        %swap3A_87 = arith.index_cast %mul3A_86 : i32 to index
        %swap3A_88 = tpu.vector_load %arg15[%swap3A, %swap3A_87] {strides = array<i32>} : memref<128x128xf32, #tpu.memory_space<vmem>>, vector<1x16xf32>,
        %swap3A_89 = vector.shape_cast %swap3A_88 : vector<1x16xf32> to vector<16xf32>
        %swap3A_90 = vector.shape_cast %broadcast_in_dim3A_17 : vector<16xf32> to vector<1x16xf32>
        tpu.vector_store %arg15[%swap3A, %swap3A_87], %swap3A_90 {strides = array<i32>} : memref<128x128xf32, #tpu.memory_space<vmem>>, vector<1x16xf32>,
      }
      %scan3A_22 = arith.constant 1024 : i32
      %mul3A = arith.constant 640 : i32
      %mul3A_23 = arith.muli %arg1, %mul3A : i32
      %add3A = arith.constant 0 : i32
      %add3A_24 = arith.addi %mul3A_23, %add3A : i32
      "tpu.region"() ({
        %run_scoped3A = tpu.sem_alloc : memref<!tpu.dma_semaphore, #tpu.memory_space<semaphore_mem>>
        %dma_start3A = arith.constant 0 : i32
        %dma_start3A_53 = tpu.memref_slice %arg12[%add3A_24, %dma_start3A] : memref<10240x128xf32, #tpu.memory_space<vmem_shared>> -> memref<128x128xf32, #tpu.memory_space<vmem_shared>>
        %dma_start3A_54 = arith.constant 0 : i32
        %dma_start3A_55 = tpu.memref_slice %arg12[%add3A_24, %dma_start3A_54] : memref<10240x128xf32, #tpu.memory_space<vmem_shared>> -> memref<128x128xf32, #tpu.memory_space<vmem_shared>>
        tpu.enqueue_dma source(%arg15 : memref<128x128xf32, #tpu.memory_space<vmem>>) target(%dma_start3A_55 : memref<128x128xf32, #tpu.memory_space<vmem_shared>>) target_semaphore(%run_scoped3A : memref<!tpu.dma_semaphore, #tpu.memory_space<semaphore_mem>>)
        %dma_wait3A = arith.constant 0 : i32
        %dma_wait3A_56 = tpu.memref_slice %arg12[%add3A_24, %dma_wait3A] : memref<10240x128xf32, #tpu.memory_space<vmem_shared>> -> memref<128x128xf32, #tpu.memory_space<vmem_shared>>
        %dma_wait3A_57 = arith.constant 0 : i32
        %dma_wait3A_58 = tpu.memref_slice %arg12[%add3A_24, %dma_wait3A_57] : memref<10240x128xf32, #tpu.memory_space<vmem_shared>> -> memref<128x128xf32, #tpu.memory_space<vmem_shared>>
        tpu.wait_dma2 semaphore(%run_scoped3A : memref<!tpu.dma_semaphore, #tpu.memory_space<semaphore_mem>>) src(%arg15 : memref<128x128xf32, #tpu.memory_space<vmem>>) dst(%dma_wait3A_58 : memref<128x128xf32, #tpu.memory_space<vmem_shared>>)
        tpu.yield
      }) : () -> ()
      %mul3A_25 = arith.constant 640 : i32
      %mul3A_26 = arith.muli %arg1, %mul3A_25 : i32
      %add3A_27 = arith.constant 128 : i32
      %add3A_28 = arith.addi %mul3A_26, %add3A_27 : i32
      "tpu.region"() ({
        %run_scoped3A = tpu.sem_alloc : memref<!tpu.dma_semaphore, #tpu.memory_space<semaphore_mem>>
        %dma_start3A = arith.constant 0 : i32
        %dma_start3A_53 = tpu.memref_slice %arg12[%add3A_28, %dma_start3A] : memref<10240x128xf32, #tpu.memory_space<vmem_shared>> -> memref<128x128xf32, #tpu.memory_space<vmem_shared>>
        %dma_start3A_54 = arith.constant 0 : i32
        %dma_start3A_55 = tpu.memref_slice %arg12[%add3A_28, %dma_start3A_54] : memref<10240x128xf32, #tpu.memory_space<vmem_shared>> -> memref<128x128xf32, #tpu.memory_space<vmem_shared>>
        tpu.enqueue_dma source(%arg15 : memref<128x128xf32, #tpu.memory_space<vmem>>) target(%dma_start3A_55 : memref<128x128xf32, #tpu.memory_space<vmem_shared>>) target_semaphore(%run_scoped3A : memref<!tpu.dma_semaphore, #tpu.memory_space<semaphore_mem>>)
        %dma_wait3A = arith.constant 0 : i32
        %dma_wait3A_56 = tpu.memref_slice %arg12[%add3A_28, %dma_wait3A] : memref<10240x128xf32, #tpu.memory_space<vmem_shared>> -> memref<128x128xf32, #tpu.memory_space<vmem_shared>>
        %dma_wait3A_57 = arith.constant 0 : i32
        %dma_wait3A_58 = tpu.memref_slice %arg12[%add3A_28, %dma_wait3A_57] : memref<10240x128xf32, #tpu.memory_space<vmem_shared>> -> memref<128x128xf32, #tpu.memory_space<vmem_shared>>
        tpu.wait_dma2 semaphore(%run_scoped3A : memref<!tpu.dma_semaphore, #tpu.memory_space<semaphore_mem>>) src(%arg15 : memref<128x128xf32, #tpu.memory_space<vmem>>) dst(%dma_wait3A_58 : memref<128x128xf32, #tpu.memory_space<vmem_shared>>)
        tpu.yield
      }) : () -> ()
      %mul3A_29 = arith.constant 640 : i32
      %mul3A_30 = arith.muli %arg1, %mul3A_29 : i32
      %add3A_31 = arith.constant 256 : i32
      %add3A_32 = arith.addi %mul3A_30, %add3A_31 : i32
      "tpu.region"() ({
        %run_scoped3A = tpu.sem_alloc : memref<!tpu.dma_semaphore, #tpu.memory_space<semaphore_mem>>
        %dma_start3A = arith.constant 0 : i32
        %dma_start3A_53 = tpu.memref_slice %arg12[%add3A_32, %dma_start3A] : memref<10240x128xf32, #tpu.memory_space<vmem_shared>> -> memref<128x128xf32, #tpu.memory_space<vmem_shared>>
        %dma_start3A_54 = arith.constant 0 : i32
        %dma_start3A_55 = tpu.memref_slice %arg12[%add3A_32, %dma_start3A_54] : memref<10240x128xf32, #tpu.memory_space<vmem_shared>> -> memref<128x128xf32, #tpu.memory_space<vmem_shared>>
        tpu.enqueue_dma source(%arg15 : memref<128x128xf32, #tpu.memory_space<vmem>>) target(%dma_start3A_55 : memref<128x128xf32, #tpu.memory_space<vmem_shared>>) target_semaphore(%run_scoped3A : memref<!tpu.dma_semaphore, #tpu.memory_space<semaphore_mem>>)
        %dma_wait3A = arith.constant 0 : i32
        %dma_wait3A_56 = tpu.memref_slice %arg12[%add3A_32, %dma_wait3A] : memref<10240x128xf32, #tpu.memory_space<vmem_shared>> -> memref<128x128xf32, #tpu.memory_space<vmem_shared>>
        %dma_wait3A_57 = arith.constant 0 : i32
        %dma_wait3A_58 = tpu.memref_slice %arg12[%add3A_32, %dma_wait3A_57] : memref<10240x128xf32, #tpu.memory_space<vmem_shared>> -> memref<128x128xf32, #tpu.memory_space<vmem_shared>>
        tpu.wait_dma2 semaphore(%run_scoped3A : memref<!tpu.dma_semaphore, #tpu.memory_space<semaphore_mem>>) src(%arg15 : memref<128x128xf32, #tpu.memory_space<vmem>>) dst(%dma_wait3A_58 : memref<128x128xf32, #tpu.memory_space<vmem_shared>>)
        tpu.yield
      }) : () -> ()
      %mul3A_33 = arith.constant 640 : i32
      %mul3A_34 = arith.muli %arg1, %mul3A_33 : i32
      %add3A_35 = arith.constant 384 : i32
      %add3A_36 = arith.addi %mul3A_34, %add3A_35 : i32
      "tpu.region"() ({
        %run_scoped3A = tpu.sem_alloc : memref<!tpu.dma_semaphore, #tpu.memory_space<semaphore_mem>>
        %dma_start3A = arith.constant 0 : i32
        %dma_start3A_53 = tpu.memref_slice %arg12[%add3A_36, %dma_start3A] : memref<10240x128xf32, #tpu.memory_space<vmem_shared>> -> memref<128x128xf32, #tpu.memory_space<vmem_shared>>
        %dma_start3A_54 = arith.constant 0 : i32
        %dma_start3A_55 = tpu.memref_slice %arg12[%add3A_36, %dma_start3A_54] : memref<10240x128xf32, #tpu.memory_space<vmem_shared>> -> memref<128x128xf32, #tpu.memory_space<vmem_shared>>
        tpu.enqueue_dma source(%arg15 : memref<128x128xf32, #tpu.memory_space<vmem>>) target(%dma_start3A_55 : memref<128x128xf32, #tpu.memory_space<vmem_shared>>) target_semaphore(%run_scoped3A : memref<!tpu.dma_semaphore, #tpu.memory_space<semaphore_mem>>)
        %dma_wait3A = arith.constant 0 : i32
        %dma_wait3A_56 = tpu.memref_slice %arg12[%add3A_36, %dma_wait3A] : memref<10240x128xf32, #tpu.memory_space<vmem_shared>> -> memref<128x128xf32, #tpu.memory_space<vmem_shared>>
        %dma_wait3A_57 = arith.constant 0 : i32
        %dma_wait3A_58 = tpu.memref_slice %arg12[%add3A_36, %dma_wait3A_57] : memref<10240x128xf32, #tpu.memory_space<vmem_shared>> -> memref<128x128xf32, #tpu.memory_space<vmem_shared>>
        tpu.wait_dma2 semaphore(%run_scoped3A : memref<!tpu.dma_semaphore, #tpu.memory_space<semaphore_mem>>) src(%arg15 : memref<128x128xf32, #tpu.memory_space<vmem>>) dst(%dma_wait3A_58 : memref<128x128xf32, #tpu.memory_space<vmem_shared>>)
        tpu.yield
      }) : () -> ()
      %mul3A_37 = arith.constant 640 : i32
      %mul3A_38 = arith.muli %arg1, %mul3A_37 : i32
      %add3A_39 = arith.constant 512 : i32
      %add3A_40 = arith.addi %mul3A_38, %add3A_39 : i32
      "tpu.region"() ({
        %run_scoped3A = tpu.sem_alloc : memref<!tpu.dma_semaphore, #tpu.memory_space<semaphore_mem>>
        %dma_start3A = arith.constant 0 : i32
        %dma_start3A_53 = tpu.memref_slice %arg12[%add3A_40, %dma_start3A] : memref<10240x128xf32, #tpu.memory_space<vmem_shared>> -> memref<128x128xf32, #tpu.memory_space<vmem_shared>>
        %dma_start3A_54 = arith.constant 0 : i32
        %dma_start3A_55 = tpu.memref_slice %arg12[%add3A_40, %dma_start3A_54] : memref<10240x128xf32, #tpu.memory_space<vmem_shared>> -> memref<128x128xf32, #tpu.memory_space<vmem_shared>>
        tpu.enqueue_dma source(%arg15 : memref<128x128xf32, #tpu.memory_space<vmem>>) target(%dma_start3A_55 : memref<128x128xf32, #tpu.memory_space<vmem_shared>>) target_semaphore(%run_scoped3A : memref<!tpu.dma_semaphore, #tpu.memory_space<semaphore_mem>>)
        %dma_wait3A = arith.constant 0 : i32
        %dma_wait3A_56 = tpu.memref_slice %arg12[%add3A_40, %dma_wait3A] : memref<10240x128xf32, #tpu.memory_space<vmem_shared>> -> memref<128x128xf32, #tpu.memory_space<vmem_shared>>
        %dma_wait3A_57 = arith.constant 0 : i32
        %dma_wait3A_58 = tpu.memref_slice %arg12[%add3A_40, %dma_wait3A_57] : memref<10240x128xf32, #tpu.memory_space<vmem_shared>> -> memref<128x128xf32, #tpu.memory_space<vmem_shared>>
        tpu.wait_dma2 semaphore(%run_scoped3A : memref<!tpu.dma_semaphore, #tpu.memory_space<semaphore_mem>>) src(%arg15 : memref<128x128xf32, #tpu.memory_space<vmem>>) dst(%dma_wait3A_58 : memref<128x128xf32, #tpu.memory_space<vmem_shared>>)
        tpu.yield
      }) : () -> ()
      %barrier3A = arith.constant 0 : index
      tpu.barrier barrier_id(%barrier3A)
      %scan3A_41 = arith.constant 0 : i32
      %scan3A_42 = arith.constant 0 : i32
      %scan3A_43 = arith.constant 80 : i32
      %scan3A_44 = arith.addi %scan3A_42, %scan3A_43 : i32
      %scan3A_45 = arith.constant 1 : i32
      scf.for %scan3A_53 = %scan3A_42 to %scan3A_44 step %scan3A_45  : i32 {
        %dma_start3A = arith.constant 0 : i32
        %dma_start3A_54 = tpu.memref_slice %arg13[%scan3A_53, %dma_start3A] : memref<80x128xi32, #tpu.memory_space<vmem>> -> memref<1x128xi32, #tpu.memory_space<vmem>>
        %dma_start3A_55 = tpu.memref_squeeze %dma_start3A_54 : memref<1x128xi32, #tpu.memory_space<vmem>> -> memref<128xi32, #tpu.memory_space<vmem>>
        %dma_start3A_56 = arith.constant 0 : i32
        %dma_start3A_57 = arith.constant 0 : i32
        %dma_start3A_58 = tpu.memref_slice %arg3[%dma_start3A_56, %dma_start3A_57] : memref<10240x128xf32, #tpu.memory_space<hbm>> -> memref<10240x128xf32, #tpu.memory_space<hbm>>
        tpu.enqueue_indirect_dma source(%dma_start3A_58 : memref<10240x128xf32, #tpu.memory_space<hbm>>) target(%arg15 : memref<128x128xf32, #tpu.memory_space<vmem>>) offsets(%dma_start3A_55 : memref<128xi32, #tpu.memory_space<vmem>>) semaphore(%arg16 : memref<!tpu.dma_semaphore, #tpu.memory_space<semaphore_mem>>)
        %dma_wait3A = arith.constant 0 : i32
        %dma_wait3A_59 = tpu.memref_slice %arg13[%scan3A_53, %dma_wait3A] : memref<80x128xi32, #tpu.memory_space<vmem>> -> memref<1x128xi32, #tpu.memory_space<vmem>>
        %dma_wait3A_60 = tpu.memref_squeeze %dma_wait3A_59 : memref<1x128xi32, #tpu.memory_space<vmem>> -> memref<128xi32, #tpu.memory_space<vmem>>
        %dma_wait3A_61 = arith.constant 0 : i32
        %dma_wait3A_62 = arith.constant 0 : i32
        %dma_wait3A_63 = tpu.memref_slice %arg3[%dma_wait3A_61, %dma_wait3A_62] : memref<10240x128xf32, #tpu.memory_space<hbm>> -> memref<10240x128xf32, #tpu.memory_space<hbm>>
        tpu.wait_indirect_dma semaphore(%arg16 : memref<!tpu.dma_semaphore, #tpu.memory_space<semaphore_mem>>) src(%dma_wait3A_63 : memref<10240x128xf32, #tpu.memory_space<hbm>>) dst(%arg15 : memref<128x128xf32, #tpu.memory_space<vmem>>)
        "tpu.region"() ({
          %run_scoped3A = tpu.sem_alloc : memref<!tpu.dma_semaphore, #tpu.memory_space<semaphore_mem>>
          %dma_start3A_64 = arith.constant 0 : i32
          %dma_start3A_65 = tpu.memref_slice %arg14[%scan3A_53, %dma_start3A_64] : memref<80x128xi32, #tpu.memory_space<vmem>> -> memref<1x128xi32, #tpu.memory_space<vmem>>
          %dma_start3A_66 = tpu.memref_squeeze %dma_start3A_65 : memref<1x128xi32, #tpu.memory_space<vmem>> -> memref<128xi32, #tpu.memory_space<vmem>>
          %dma_start3A_67 = arith.constant 0 : i32
          %dma_start3A_68 = arith.constant 0 : i32
          %dma_start3A_69 = tpu.memref_slice %arg12[%dma_start3A_67, %dma_start3A_68] : memref<10240x128xf32, #tpu.memory_space<vmem_shared>> -> memref<10240x128xf32, #tpu.memory_space<vmem_shared>>
          tpu.enqueue_indirect_dma source(%arg15 : memref<128x128xf32, #tpu.memory_space<vmem>>) target(%dma_start3A_69 : memref<10240x128xf32, #tpu.memory_space<vmem_shared>>) offsets(%dma_start3A_66 : memref<128xi32, #tpu.memory_space<vmem>>) semaphore(%run_scoped3A : memref<!tpu.dma_semaphore, #tpu.memory_space<semaphore_mem>>) {add = true}
          %dma_wait3A_70 = arith.constant 0 : i32
          %dma_wait3A_71 = tpu.memref_slice %arg14[%scan3A_53, %dma_wait3A_70] : memref<80x128xi32, #tpu.memory_space<vmem>> -> memref<1x128xi32, #tpu.memory_space<vmem>>
          %dma_wait3A_72 = tpu.memref_squeeze %dma_wait3A_71 : memref<1x128xi32, #tpu.memory_space<vmem>> -> memref<128xi32, #tpu.memory_space<vmem>>
          %dma_wait3A_73 = arith.constant 0 : i32
          %dma_wait3A_74 = arith.constant 0 : i32
          %dma_wait3A_75 = tpu.memref_slice %arg12[%dma_wait3A_73, %dma_wait3A_74] : memref<10240x128xf32, #tpu.memory_space<vmem_shared>> -> memref<10240x128xf32, #tpu.memory_space<vmem_shared>>
          tpu.wait_indirect_dma semaphore(%run_scoped3A : memref<!tpu.dma_semaphore, #tpu.memory_space<semaphore_mem>>) src(%arg15 : memref<128x128xf32, #tpu.memory_space<vmem>>) dst(%dma_wait3A_75 : memref<10240x128xf32, #tpu.memory_space<vmem_shared>>)
          tpu.yield
        }) : () -> ()
      }
      %scan3A_46 = arith.constant 80 : i32
      %barrier3A_47 = arith.constant 0 : index
      tpu.barrier barrier_id(%barrier3A_47)
      %mul3A_48 = arith.constant 640 : i32
      %mul3A_49 = arith.muli %arg1, %mul3A_48 : i32
      %mul3A_50 = arith.constant 640 : i32
      %mul3A_51 = arith.muli %arg1, %mul3A_50 : i32
      "tpu.region"() ({
        %run_scoped3A = tpu.sem_alloc : memref<!tpu.dma_semaphore, #tpu.memory_space<semaphore_mem>>
        %dma_start3A = arith.constant 0 : i32
        %dma_start3A_53 = tpu.memref_slice %arg9[%mul3A_51, %dma_start3A] : memref<10240x128xf32, #tpu.memory_space<hbm>> -> memref<640x128xf32, #tpu.memory_space<hbm>>
        %dma_start3A_54 = arith.constant 0 : i32
        %dma_start3A_55 = tpu.memref_slice %arg12[%mul3A_49, %dma_start3A_54] : memref<10240x128xf32, #tpu.memory_space<vmem_shared>> -> memref<640x128xf32, #tpu.memory_space<vmem_shared>>
        tpu.enqueue_dma source(%dma_start3A_55 : memref<640x128xf32, #tpu.memory_space<vmem_shared>>) target(%dma_start3A_53 : memref<640x128xf32, #tpu.memory_space<hbm>>) target_semaphore(%run_scoped3A : memref<!tpu.dma_semaphore, #tpu.memory_space<semaphore_mem>>)
        %dma_wait3A = arith.constant 0 : i32
        %dma_wait3A_56 = tpu.memref_slice %arg9[%mul3A_51, %dma_wait3A] : memref<10240x128xf32, #tpu.memory_space<hbm>> -> memref<640x128xf32, #tpu.memory_space<hbm>>
        %dma_wait3A_57 = arith.constant 0 : i32
        %dma_wait3A_58 = tpu.memref_slice %arg12[%mul3A_49, %dma_wait3A_57] : memref<10240x128xf32, #tpu.memory_space<vmem_shared>> -> memref<640x128xf32, #tpu.memory_space<vmem_shared>>
        tpu.wait_dma2 semaphore(%run_scoped3A : memref<!tpu.dma_semaphore, #tpu.memory_space<semaphore_mem>>) src(%dma_wait3A_58 : memref<640x128xf32, #tpu.memory_space<vmem_shared>>) dst(%dma_wait3A_56 : memref<640x128xf32, #tpu.memory_space<hbm>>)
        tpu.yield
      }) : () -> ()
      %barrier3A_52 = arith.constant 0 : index
      tpu.barrier barrier_id(%barrier3A_52)
    } else {
    }
    %eq3A_12 = arith.constant 1 : i32
    %eq3A_13 = arith.cmpi eq, %arg0, %eq3A_12 : i32
    %convert_element_type3A_14 = arith.extui %eq3A_13 : i1 to i32
    %cond3A_15 = arith.constant 0 : i32
    %cond3A_16 = arith.cmpi ne, %convert_element_type3A_14, %cond3A_15 : i32
    scf.if %cond3A_16 {
      %broadcast_in_dim3A = arith.constant 0.000000e+00 : f32
      %broadcast_in_dim3A_17 = vector.broadcast %broadcast_in_dim3A : f32 to vector<16xf32>
      %scan3A = arith.constant 0 : i32
      %scan3A_18 = arith.constant 0 : i32
      %scan3A_19 = arith.constant 1024 : i32
      %scan3A_20 = arith.addi %scan3A_18, %scan3A_19 : i32
      %scan3A_21 = arith.constant 1 : i32
      scf.for %scan3A_53 = %scan3A_18 to %scan3A_20 step %scan3A_21  : i32 {
        %jit3A = arith.constant 8 : i32
        %div3A = arith.divsi %scan3A_53, %jit3A : i32
        %sign3A = arith.constant 0 : i32
        %sign3A_54 = arith.cmpi sgt, %scan3A_53, %sign3A : i32
        %sign3A_55 = arith.extui %sign3A_54 : i1 to i32
        %sign3A_56 = arith.constant 0 : i32
        %sign3A_57 = arith.cmpi slt, %scan3A_53, %sign3A_56 : i32
        %sign3A_58 = arith.extui %sign3A_57 : i1 to i32
        %sign3A_59 = arith.subi %sign3A_55, %sign3A_58 : i32
        %sign3A_60 = arith.constant 0 : i32
        %sign3A_61 = arith.cmpi sgt, %jit3A, %sign3A_60 : i32
        %sign3A_62 = arith.extui %sign3A_61 : i1 to i32
        %sign3A_63 = arith.constant 0 : i32
        %sign3A_64 = arith.cmpi slt, %jit3A, %sign3A_63 : i32
        %sign3A_65 = arith.extui %sign3A_64 : i1 to i32
        %sign3A_66 = arith.subi %sign3A_62, %sign3A_65 : i32
        %ne3A = arith.cmpi ne, %sign3A_59, %sign3A_66 : i32
        %rem3A = arith.remsi %scan3A_53, %jit3A : i32
        %ne3A_67 = arith.constant 0 : i32
        %ne3A_68 = arith.cmpi ne, %rem3A, %ne3A_67 : i32
        %and3A = arith.andi %ne3A, %ne3A_68 : i1
        %sub3A = arith.constant 1 : i32
        %sub3A_69 = arith.subi %div3A, %sub3A : i32
        %select_n3A = arith.select %and3A, %sub3A_69, %div3A : i32
        %jit3A_70 = arith.constant 8 : i32
        %eq3A_71 = arith.constant 0 : i32
        %eq3A_72 = arith.cmpi eq, %jit3A_70, %eq3A_71 : i32
        %jit3A_73 = arith.constant 1 : i32
        %select_n3A_74 = arith.select %eq3A_72, %jit3A_73, %jit3A_70 : i32
        %rem3A_75 = arith.remsi %scan3A_53, %select_n3A_74 : i32
        %ne3A_76 = arith.constant 0 : i32
        %ne3A_77 = arith.cmpi ne, %rem3A_75, %ne3A_76 : i32
        %lt3A = arith.constant 0 : i32
        %lt3A_78 = arith.cmpi slt, %rem3A_75, %lt3A : i32
        %lt3A_79 = arith.constant 0 : i32
        %lt3A_80 = arith.cmpi slt, %select_n3A_74, %lt3A_79 : i32
        %ne3A_81 = arith.xori %lt3A_78, %lt3A_80 : i1
        %and3A_82 = arith.andi %ne3A_81, %ne3A_77 : i1
        %add3A_83 = arith.addi %rem3A_75, %select_n3A_74 : i32
        %select_n3A_84 = arith.select %and3A_82, %add3A_83, %rem3A_75 : i32
        %mul3A_85 = arith.constant 16 : i32
        %mul3A_86 = arith.muli %select_n3A_84, %mul3A_85 : i32
        %swap3A = arith.index_cast %select_n3A : i32 to index
        %swap3A_87 = arith.index_cast %mul3A_86 : i32 to index
        %swap3A_88 = tpu.vector_load %arg15[%swap3A, %swap3A_87] {strides = array<i32>} : memref<128x128xf32, #tpu.memory_space<vmem>>, vector<1x16xf32>,
        %swap3A_89 = vector.shape_cast %swap3A_88 : vector<1x16xf32> to vector<16xf32>
        %swap3A_90 = vector.shape_cast %broadcast_in_dim3A_17 : vector<16xf32> to vector<1x16xf32>
        tpu.vector_store %arg15[%swap3A, %swap3A_87], %swap3A_90 {strides = array<i32>} : memref<128x128xf32, #tpu.memory_space<vmem>>, vector<1x16xf32>,
      }
      %scan3A_22 = arith.constant 1024 : i32
      %mul3A = arith.constant 640 : i32
      %mul3A_23 = arith.muli %arg1, %mul3A : i32
      %add3A = arith.constant 0 : i32
      %add3A_24 = arith.addi %mul3A_23, %add3A : i32
      "tpu.region"() ({
        %run_scoped3A = tpu.sem_alloc : memref<!tpu.dma_semaphore, #tpu.memory_space<semaphore_mem>>
        %dma_start3A = arith.constant 0 : i32
        %dma_start3A_53 = tpu.memref_slice %arg12[%add3A_24, %dma_start3A] : memref<10240x128xf32, #tpu.memory_space<vmem_shared>> -> memref<128x128xf32, #tpu.memory_space<vmem_shared>>
        %dma_start3A_54 = arith.constant 0 : i32
        %dma_start3A_55 = tpu.memref_slice %arg12[%add3A_24, %dma_start3A_54] : memref<10240x128xf32, #tpu.memory_space<vmem_shared>> -> memref<128x128xf32, #tpu.memory_space<vmem_shared>>
        tpu.enqueue_dma source(%arg15 : memref<128x128xf32, #tpu.memory_space<vmem>>) target(%dma_start3A_55 : memref<128x128xf32, #tpu.memory_space<vmem_shared>>) target_semaphore(%run_scoped3A : memref<!tpu.dma_semaphore, #tpu.memory_space<semaphore_mem>>)
        %dma_wait3A = arith.constant 0 : i32
        %dma_wait3A_56 = tpu.memref_slice %arg12[%add3A_24, %dma_wait3A] : memref<10240x128xf32, #tpu.memory_space<vmem_shared>> -> memref<128x128xf32, #tpu.memory_space<vmem_shared>>
        %dma_wait3A_57 = arith.constant 0 : i32
        %dma_wait3A_58 = tpu.memref_slice %arg12[%add3A_24, %dma_wait3A_57] : memref<10240x128xf32, #tpu.memory_space<vmem_shared>> -> memref<128x128xf32, #tpu.memory_space<vmem_shared>>
        tpu.wait_dma2 semaphore(%run_scoped3A : memref<!tpu.dma_semaphore, #tpu.memory_space<semaphore_mem>>) src(%arg15 : memref<128x128xf32, #tpu.memory_space<vmem>>) dst(%dma_wait3A_58 : memref<128x128xf32, #tpu.memory_space<vmem_shared>>)
        tpu.yield
      }) : () -> ()
      %mul3A_25 = arith.constant 640 : i32
      %mul3A_26 = arith.muli %arg1, %mul3A_25 : i32
      %add3A_27 = arith.constant 128 : i32
      %add3A_28 = arith.addi %mul3A_26, %add3A_27 : i32
      "tpu.region"() ({
        %run_scoped3A = tpu.sem_alloc : memref<!tpu.dma_semaphore, #tpu.memory_space<semaphore_mem>>
        %dma_start3A = arith.constant 0 : i32
        %dma_start3A_53 = tpu.memref_slice %arg12[%add3A_28, %dma_start3A] : memref<10240x128xf32, #tpu.memory_space<vmem_shared>> -> memref<128x128xf32, #tpu.memory_space<vmem_shared>>
        %dma_start3A_54 = arith.constant 0 : i32
        %dma_start3A_55 = tpu.memref_slice %arg12[%add3A_28, %dma_start3A_54] : memref<10240x128xf32, #tpu.memory_space<vmem_shared>> -> memref<128x128xf32, #tpu.memory_space<vmem_shared>>
        tpu.enqueue_dma source(%arg15 : memref<128x128xf32, #tpu.memory_space<vmem>>) target(%dma_start3A_55 : memref<128x128xf32, #tpu.memory_space<vmem_shared>>) target_semaphore(%run_scoped3A : memref<!tpu.dma_semaphore, #tpu.memory_space<semaphore_mem>>)
        %dma_wait3A = arith.constant 0 : i32
        %dma_wait3A_56 = tpu.memref_slice %arg12[%add3A_28, %dma_wait3A] : memref<10240x128xf32, #tpu.memory_space<vmem_shared>> -> memref<128x128xf32, #tpu.memory_space<vmem_shared>>
        %dma_wait3A_57 = arith.constant 0 : i32
        %dma_wait3A_58 = tpu.memref_slice %arg12[%add3A_28, %dma_wait3A_57] : memref<10240x128xf32, #tpu.memory_space<vmem_shared>> -> memref<128x128xf32, #tpu.memory_space<vmem_shared>>
        tpu.wait_dma2 semaphore(%run_scoped3A : memref<!tpu.dma_semaphore, #tpu.memory_space<semaphore_mem>>) src(%arg15 : memref<128x128xf32, #tpu.memory_space<vmem>>) dst(%dma_wait3A_58 : memref<128x128xf32, #tpu.memory_space<vmem_shared>>)
        tpu.yield
      }) : () -> ()
      %mul3A_29 = arith.constant 640 : i32
      %mul3A_30 = arith.muli %arg1, %mul3A_29 : i32
      %add3A_31 = arith.constant 256 : i32
      %add3A_32 = arith.addi %mul3A_30, %add3A_31 : i32
      "tpu.region"() ({
        %run_scoped3A = tpu.sem_alloc : memref<!tpu.dma_semaphore, #tpu.memory_space<semaphore_mem>>
        %dma_start3A = arith.constant 0 : i32
        %dma_start3A_53 = tpu.memref_slice %arg12[%add3A_32, %dma_start3A] : memref<10240x128xf32, #tpu.memory_space<vmem_shared>> -> memref<128x128xf32, #tpu.memory_space<vmem_shared>>
        %dma_start3A_54 = arith.constant 0 : i32
        %dma_start3A_55 = tpu.memref_slice %arg12[%add3A_32, %dma_start3A_54] : memref<10240x128xf32, #tpu.memory_space<vmem_shared>> -> memref<128x128xf32, #tpu.memory_space<vmem_shared>>
        tpu.enqueue_dma source(%arg15 : memref<128x128xf32, #tpu.memory_space<vmem>>) target(%dma_start3A_55 : memref<128x128xf32, #tpu.memory_space<vmem_shared>>) target_semaphore(%run_scoped3A : memref<!tpu.dma_semaphore, #tpu.memory_space<semaphore_mem>>)
        %dma_wait3A = arith.constant 0 : i32
        %dma_wait3A_56 = tpu.memref_slice %arg12[%add3A_32, %dma_wait3A] : memref<10240x128xf32, #tpu.memory_space<vmem_shared>> -> memref<128x128xf32, #tpu.memory_space<vmem_shared>>
        %dma_wait3A_57 = arith.constant 0 : i32
        %dma_wait3A_58 = tpu.memref_slice %arg12[%add3A_32, %dma_wait3A_57] : memref<10240x128xf32, #tpu.memory_space<vmem_shared>> -> memref<128x128xf32, #tpu.memory_space<vmem_shared>>
        tpu.wait_dma2 semaphore(%run_scoped3A : memref<!tpu.dma_semaphore, #tpu.memory_space<semaphore_mem>>) src(%arg15 : memref<128x128xf32, #tpu.memory_space<vmem>>) dst(%dma_wait3A_58 : memref<128x128xf32, #tpu.memory_space<vmem_shared>>)
        tpu.yield
      }) : () -> ()
      %mul3A_33 = arith.constant 640 : i32
      %mul3A_34 = arith.muli %arg1, %mul3A_33 : i32
      %add3A_35 = arith.constant 384 : i32
      %add3A_36 = arith.addi %mul3A_34, %add3A_35 : i32
      "tpu.region"() ({
        %run_scoped3A = tpu.sem_alloc : memref<!tpu.dma_semaphore, #tpu.memory_space<semaphore_mem>>
        %dma_start3A = arith.constant 0 : i32
        %dma_start3A_53 = tpu.memref_slice %arg12[%add3A_36, %dma_start3A] : memref<10240x128xf32, #tpu.memory_space<vmem_shared>> -> memref<128x128xf32, #tpu.memory_space<vmem_shared>>
        %dma_start3A_54 = arith.constant 0 : i32
        %dma_start3A_55 = tpu.memref_slice %arg12[%add3A_36, %dma_start3A_54] : memref<10240x128xf32, #tpu.memory_space<vmem_shared>> -> memref<128x128xf32, #tpu.memory_space<vmem_shared>>
        tpu.enqueue_dma source(%arg15 : memref<128x128xf32, #tpu.memory_space<vmem>>) target(%dma_start3A_55 : memref<128x128xf32, #tpu.memory_space<vmem_shared>>) target_semaphore(%run_scoped3A : memref<!tpu.dma_semaphore, #tpu.memory_space<semaphore_mem>>)
        %dma_wait3A = arith.constant 0 : i32
        %dma_wait3A_56 = tpu.memref_slice %arg12[%add3A_36, %dma_wait3A] : memref<10240x128xf32, #tpu.memory_space<vmem_shared>> -> memref<128x128xf32, #tpu.memory_space<vmem_shared>>
        %dma_wait3A_57 = arith.constant 0 : i32
        %dma_wait3A_58 = tpu.memref_slice %arg12[%add3A_36, %dma_wait3A_57] : memref<10240x128xf32, #tpu.memory_space<vmem_shared>> -> memref<128x128xf32, #tpu.memory_space<vmem_shared>>
        tpu.wait_dma2 semaphore(%run_scoped3A : memref<!tpu.dma_semaphore, #tpu.memory_space<semaphore_mem>>) src(%arg15 : memref<128x128xf32, #tpu.memory_space<vmem>>) dst(%dma_wait3A_58 : memref<128x128xf32, #tpu.memory_space<vmem_shared>>)
        tpu.yield
      }) : () -> ()
      %mul3A_37 = arith.constant 640 : i32
      %mul3A_38 = arith.muli %arg1, %mul3A_37 : i32
      %add3A_39 = arith.constant 512 : i32
      %add3A_40 = arith.addi %mul3A_38, %add3A_39 : i32
      "tpu.region"() ({
        %run_scoped3A = tpu.sem_alloc : memref<!tpu.dma_semaphore, #tpu.memory_space<semaphore_mem>>
        %dma_start3A = arith.constant 0 : i32
        %dma_start3A_53 = tpu.memref_slice %arg12[%add3A_40, %dma_start3A] : memref<10240x128xf32, #tpu.memory_space<vmem_shared>> -> memref<128x128xf32, #tpu.memory_space<vmem_shared>>
        %dma_start3A_54 = arith.constant 0 : i32
        %dma_start3A_55 = tpu.memref_slice %arg12[%add3A_40, %dma_start3A_54] : memref<10240x128xf32, #tpu.memory_space<vmem_shared>> -> memref<128x128xf32, #tpu.memory_space<vmem_shared>>
        tpu.enqueue_dma source(%arg15 : memref<128x128xf32, #tpu.memory_space<vmem>>) target(%dma_start3A_55 : memref<128x128xf32, #tpu.memory_space<vmem_shared>>) target_semaphore(%run_scoped3A : memref<!tpu.dma_semaphore, #tpu.memory_space<semaphore_mem>>)
        %dma_wait3A = arith.constant 0 : i32
        %dma_wait3A_56 = tpu.memref_slice %arg12[%add3A_40, %dma_wait3A] : memref<10240x128xf32, #tpu.memory_space<vmem_shared>> -> memref<128x128xf32, #tpu.memory_space<vmem_shared>>
        %dma_wait3A_57 = arith.constant 0 : i32
        %dma_wait3A_58 = tpu.memref_slice %arg12[%add3A_40, %dma_wait3A_57] : memref<10240x128xf32, #tpu.memory_space<vmem_shared>> -> memref<128x128xf32, #tpu.memory_space<vmem_shared>>
        tpu.wait_dma2 semaphore(%run_scoped3A : memref<!tpu.dma_semaphore, #tpu.memory_space<semaphore_mem>>) src(%arg15 : memref<128x128xf32, #tpu.memory_space<vmem>>) dst(%dma_wait3A_58 : memref<128x128xf32, #tpu.memory_space<vmem_shared>>)
        tpu.yield
      }) : () -> ()
      %barrier3A = arith.constant 0 : index
      tpu.barrier barrier_id(%barrier3A)
      %scan3A_41 = arith.constant 0 : i32
      %scan3A_42 = arith.constant 0 : i32
      %scan3A_43 = arith.constant 80 : i32
      %scan3A_44 = arith.addi %scan3A_42, %scan3A_43 : i32
      %scan3A_45 = arith.constant 1 : i32
      scf.for %scan3A_53 = %scan3A_42 to %scan3A_44 step %scan3A_45  : i32 {
        %dma_start3A = arith.constant 0 : i32
        %dma_start3A_54 = tpu.memref_slice %arg13[%scan3A_53, %dma_start3A] : memref<80x128xi32, #tpu.memory_space<vmem>> -> memref<1x128xi32, #tpu.memory_space<vmem>>
        %dma_start3A_55 = tpu.memref_squeeze %dma_start3A_54 : memref<1x128xi32, #tpu.memory_space<vmem>> -> memref<128xi32, #tpu.memory_space<vmem>>
        %dma_start3A_56 = arith.constant 0 : i32
        %dma_start3A_57 = arith.constant 0 : i32
        %dma_start3A_58 = tpu.memref_slice %arg5[%dma_start3A_56, %dma_start3A_57] : memref<10240x128xf32, #tpu.memory_space<hbm>> -> memref<10240x128xf32, #tpu.memory_space<hbm>>
        tpu.enqueue_indirect_dma source(%dma_start3A_58 : memref<10240x128xf32, #tpu.memory_space<hbm>>) target(%arg15 : memref<128x128xf32, #tpu.memory_space<vmem>>) offsets(%dma_start3A_55 : memref<128xi32, #tpu.memory_space<vmem>>) semaphore(%arg16 : memref<!tpu.dma_semaphore, #tpu.memory_space<semaphore_mem>>)
        %dma_wait3A = arith.constant 0 : i32
        %dma_wait3A_59 = tpu.memref_slice %arg13[%scan3A_53, %dma_wait3A] : memref<80x128xi32, #tpu.memory_space<vmem>> -> memref<1x128xi32, #tpu.memory_space<vmem>>
        %dma_wait3A_60 = tpu.memref_squeeze %dma_wait3A_59 : memref<1x128xi32, #tpu.memory_space<vmem>> -> memref<128xi32, #tpu.memory_space<vmem>>
        %dma_wait3A_61 = arith.constant 0 : i32
        %dma_wait3A_62 = arith.constant 0 : i32
        %dma_wait3A_63 = tpu.memref_slice %arg5[%dma_wait3A_61, %dma_wait3A_62] : memref<10240x128xf32, #tpu.memory_space<hbm>> -> memref<10240x128xf32, #tpu.memory_space<hbm>>
        tpu.wait_indirect_dma semaphore(%arg16 : memref<!tpu.dma_semaphore, #tpu.memory_space<semaphore_mem>>) src(%dma_wait3A_63 : memref<10240x128xf32, #tpu.memory_space<hbm>>) dst(%arg15 : memref<128x128xf32, #tpu.memory_space<vmem>>)
        "tpu.region"() ({
          %run_scoped3A = tpu.sem_alloc : memref<!tpu.dma_semaphore, #tpu.memory_space<semaphore_mem>>
          %dma_start3A_64 = arith.constant 0 : i32
          %dma_start3A_65 = tpu.memref_slice %arg14[%scan3A_53, %dma_start3A_64] : memref<80x128xi32, #tpu.memory_space<vmem>> -> memref<1x128xi32, #tpu.memory_space<vmem>>
          %dma_start3A_66 = tpu.memref_squeeze %dma_start3A_65 : memref<1x128xi32, #tpu.memory_space<vmem>> -> memref<128xi32, #tpu.memory_space<vmem>>
          %dma_start3A_67 = arith.constant 0 : i32
          %dma_start3A_68 = arith.constant 0 : i32
          %dma_start3A_69 = tpu.memref_slice %arg12[%dma_start3A_67, %dma_start3A_68] : memref<10240x128xf32, #tpu.memory_space<vmem_shared>> -> memref<10240x128xf32, #tpu.memory_space<vmem_shared>>
          tpu.enqueue_indirect_dma source(%arg15 : memref<128x128xf32, #tpu.memory_space<vmem>>) target(%dma_start3A_69 : memref<10240x128xf32, #tpu.memory_space<vmem_shared>>) offsets(%dma_start3A_66 : memref<128xi32, #tpu.memory_space<vmem>>) semaphore(%run_scoped3A : memref<!tpu.dma_semaphore, #tpu.memory_space<semaphore_mem>>) {add = true}
          %dma_wait3A_70 = arith.constant 0 : i32
          %dma_wait3A_71 = tpu.memref_slice %arg14[%scan3A_53, %dma_wait3A_70] : memref<80x128xi32, #tpu.memory_space<vmem>> -> memref<1x128xi32, #tpu.memory_space<vmem>>
          %dma_wait3A_72 = tpu.memref_squeeze %dma_wait3A_71 : memref<1x128xi32, #tpu.memory_space<vmem>> -> memref<128xi32, #tpu.memory_space<vmem>>
          %dma_wait3A_73 = arith.constant 0 : i32
          %dma_wait3A_74 = arith.constant 0 : i32
          %dma_wait3A_75 = tpu.memref_slice %arg12[%dma_wait3A_73, %dma_wait3A_74] : memref<10240x128xf32, #tpu.memory_space<vmem_shared>> -> memref<10240x128xf32, #tpu.memory_space<vmem_shared>>
          tpu.wait_indirect_dma semaphore(%run_scoped3A : memref<!tpu.dma_semaphore, #tpu.memory_space<semaphore_mem>>) src(%arg15 : memref<128x128xf32, #tpu.memory_space<vmem>>) dst(%dma_wait3A_75 : memref<10240x128xf32, #tpu.memory_space<vmem_shared>>)
          tpu.yield
        }) : () -> ()
      }
      %scan3A_46 = arith.constant 80 : i32
      %barrier3A_47 = arith.constant 0 : index
      tpu.barrier barrier_id(%barrier3A_47)
      %mul3A_48 = arith.constant 640 : i32
      %mul3A_49 = arith.muli %arg1, %mul3A_48 : i32
      %mul3A_50 = arith.constant 640 : i32
      %mul3A_51 = arith.muli %arg1, %mul3A_50 : i32
      "tpu.region"() ({
        %run_scoped3A = tpu.sem_alloc : memref<!tpu.dma_semaphore, #tpu.memory_space<semaphore_mem>>
        %dma_start3A = arith.constant 0 : i32
        %dma_start3A_53 = tpu.memref_slice %arg11[%mul3A_51, %dma_start3A] : memref<10240x128xf32, #tpu.memory_space<hbm>> -> memref<640x128xf32, #tpu.memory_space<hbm>>
        %dma_start3A_54 = arith.constant 0 : i32
        %dma_start3A_55 = tpu.memref_slice %arg12[%mul3A_49, %dma_start3A_54] : memref<10240x128xf32, #tpu.memory_space<vmem_shared>> -> memref<640x128xf32, #tpu.memory_space<vmem_shared>>
        tpu.enqueue_dma source(%dma_start3A_55 : memref<640x128xf32, #tpu.memory_space<vmem_shared>>) target(%dma_start3A_53 : memref<640x128xf32, #tpu.memory_space<hbm>>) target_semaphore(%run_scoped3A : memref<!tpu.dma_semaphore, #tpu.memory_space<semaphore_mem>>)
        %dma_wait3A = arith.constant 0 : i32
        %dma_wait3A_56 = tpu.memref_slice %arg11[%mul3A_51, %dma_wait3A] : memref<10240x128xf32, #tpu.memory_space<hbm>> -> memref<640x128xf32, #tpu.memory_space<hbm>>
        %dma_wait3A_57 = arith.constant 0 : i32
        %dma_wait3A_58 = tpu.memref_slice %arg12[%mul3A_49, %dma_wait3A_57] : memref<10240x128xf32, #tpu.memory_space<vmem_shared>> -> memref<640x128xf32, #tpu.memory_space<vmem_shared>>
        tpu.wait_dma2 semaphore(%run_scoped3A : memref<!tpu.dma_semaphore, #tpu.memory_space<semaphore_mem>>) src(%dma_wait3A_58 : memref<640x128xf32, #tpu.memory_space<vmem_shared>>) dst(%dma_wait3A_56 : memref<640x128xf32, #tpu.memory_space<hbm>>)
        tpu.yield
      }) : () -> ()
      %barrier3A_52 = arith.constant 0 : index
      tpu.barrier barrier_id(%barrier3A_52)
    } else {
    }
    return
  }
}

module attributes {stable_mosaic.version = 14 : i64} {
  func.func @_t0_body(%arg0: i32, %arg1: memref<1024x128xf32, #tpu.memory_space<vmem>>, %arg2: memref<1024x128xf32, #tpu.memory_space<vmem>>, %arg3: memref<1024x1xf32, #tpu.memory_space<vmem>>, %arg4: memref<1024x128xf32, #tpu.memory_space<vmem>>, %arg5: memref<1024x128xf32, #tpu.memory_space<vmem>>) attributes {dimension_semantics = [#tpu.dimension_semantics<arbitrary>], iteration_bounds = array<i64: 10>, scalar_prefetch = 0 : i64, scratch_operands = 0 : i64, tpu.core_type = #tpu.core_type<tc>, window_params = [{transform_indices = @transform_0, window_bounds = array<i64: 1024, 128>}, {transform_indices = @transform_1, window_bounds = array<i64: 1024, 128>}, {transform_indices = @transform_2, window_bounds = array<i64: 1024, 1>}, {transform_indices = @transform_3, window_bounds = array<i64: 1024, 128>}, {transform_indices = @transform_4, window_bounds = array<i64: 1024, 128>}]} {
    %get3A = arith.constant 0 : index
    %get3A_0 = arith.constant 0 : index
    %get3A_1 = vector.load %arg3[%get3A, %get3A_0] : memref<1024x1xf32, #tpu.memory_space<vmem>>, vector<1024x1xf32>
    %max3A = arith.constant 1.000000e+00 : f32
    %max3A_2 = vector.broadcast %max3A : f32 to vector<1024x1xf32>
    %max3A_3 = arith.maximumf %get3A_1, %max3A_2 : vector<1024x1xf32>
    %div3A = arith.constant 1.000000e+00 : f32
    %div3A_4 = vector.broadcast %div3A : f32 to vector<1024x1xf32>
    %div3A_5 = arith.divf %div3A_4, %max3A_3 : vector<1024x1xf32>
    %get3A_6 = arith.constant 0 : index
    %get3A_7 = arith.constant 0 : index
    %get3A_8 = vector.load %arg1[%get3A_6, %get3A_7] : memref<1024x128xf32, #tpu.memory_space<vmem>>, vector<1024x128xf32>
    %mul3A = vector.broadcast %div3A_5 : vector<1024x1xf32> to vector<1024x128xf32>
    %mul3A_9 = arith.mulf %get3A_8, %mul3A : vector<1024x128xf32>
    %gt3A = arith.constant 1.000000e+00 : f32
    %gt3A_10 = vector.broadcast %gt3A : f32 to vector<1024x128xf32>
    %gt3A_11 = arith.cmpf ogt, %mul3A_9, %gt3A_10 : vector<1024x128xf32>
    %sub3A = arith.constant 1.000000e+00 : f32
    %sub3A_12 = vector.broadcast %sub3A : f32 to vector<1024x128xf32>
    %sub3A_13 = arith.subf %mul3A_9, %sub3A_12 : vector<1024x128xf32>
    %select_n3A = arith.select %gt3A_11, %sub3A_13, %mul3A_9 : vector<1024x128xi1>, vector<1024x128xf32>
    %le3A = arith.constant -1.000000e+00 : f32
    %le3A_14 = vector.broadcast %le3A : f32 to vector<1024x128xf32>
    %le3A_15 = arith.cmpf ole, %select_n3A, %le3A_14 : vector<1024x128xf32>
    %add3A = arith.constant 1.000000e+00 : f32
    %add3A_16 = vector.broadcast %add3A : f32 to vector<1024x128xf32>
    %add3A_17 = arith.addf %select_n3A, %add3A_16 : vector<1024x128xf32>
    %select_n3A_18 = arith.select %le3A_15, %add3A_17, %select_n3A : vector<1024x128xi1>, vector<1024x128xf32>
    %ge3A = arith.constant -1.000000e+00 : f32
    %ge3A_19 = vector.broadcast %ge3A : f32 to vector<1024x128xf32>
    %ge3A_20 = arith.cmpf oge, %select_n3A_18, %ge3A_19 : vector<1024x128xf32>
    %le3A_21 = arith.constant 1.000000e+00 : f32
    %le3A_22 = vector.broadcast %le3A_21 : f32 to vector<1024x128xf32>
    %le3A_23 = arith.cmpf ole, %select_n3A_18, %le3A_22 : vector<1024x128xf32>
    %and3A = arith.andi %ge3A_20, %le3A_23 : vector<1024x128xi1>
    %broadcast_in_dim3A = arith.constant 0.000000e+00 : f32
    %broadcast_in_dim3A_24 = vector.broadcast %broadcast_in_dim3A : f32 to vector<1024x128xf32>
    %select_n3A_25 = arith.select %and3A, %broadcast_in_dim3A_24, %select_n3A_18 : vector<1024x128xi1>, vector<1024x128xf32>
    %swap3A = arith.constant 0 : index
    %swap3A_26 = arith.constant 0 : index
    %swap3A_27 = vector.load %arg4[%swap3A, %swap3A_26] : memref<1024x128xf32, #tpu.memory_space<vmem>>, vector<1024x128xf32>
    tpu.vector_store %arg4[%swap3A, %swap3A_26], %select_n3A_25 {strides = array<i32>} : memref<1024x128xf32, #tpu.memory_space<vmem>>, vector<1024x128xf32>,
    %get3A_28 = arith.constant 0 : index
    %get3A_29 = arith.constant 0 : index
    %get3A_30 = vector.load %arg2[%get3A_28, %get3A_29] : memref<1024x128xf32, #tpu.memory_space<vmem>>, vector<1024x128xf32>
    %mul3A_31 = vector.broadcast %div3A_5 : vector<1024x1xf32> to vector<1024x128xf32>
    %mul3A_32 = arith.mulf %get3A_30, %mul3A_31 : vector<1024x128xf32>
    %gt3A_33 = arith.constant 1.000000e+00 : f32
    %gt3A_34 = vector.broadcast %gt3A_33 : f32 to vector<1024x128xf32>
    %gt3A_35 = arith.cmpf ogt, %mul3A_32, %gt3A_34 : vector<1024x128xf32>
    %sub3A_36 = arith.constant 1.000000e+00 : f32
    %sub3A_37 = vector.broadcast %sub3A_36 : f32 to vector<1024x128xf32>
    %sub3A_38 = arith.subf %mul3A_32, %sub3A_37 : vector<1024x128xf32>
    %select_n3A_39 = arith.select %gt3A_35, %sub3A_38, %mul3A_32 : vector<1024x128xi1>, vector<1024x128xf32>
    %le3A_40 = arith.constant -1.000000e+00 : f32
    %le3A_41 = vector.broadcast %le3A_40 : f32 to vector<1024x128xf32>
    %le3A_42 = arith.cmpf ole, %select_n3A_39, %le3A_41 : vector<1024x128xf32>
    %add3A_43 = arith.constant 1.000000e+00 : f32
    %add3A_44 = vector.broadcast %add3A_43 : f32 to vector<1024x128xf32>
    %add3A_45 = arith.addf %select_n3A_39, %add3A_44 : vector<1024x128xf32>
    %select_n3A_46 = arith.select %le3A_42, %add3A_45, %select_n3A_39 : vector<1024x128xi1>, vector<1024x128xf32>
    %ge3A_47 = arith.constant -1.000000e+00 : f32
    %ge3A_48 = vector.broadcast %ge3A_47 : f32 to vector<1024x128xf32>
    %ge3A_49 = arith.cmpf oge, %select_n3A_46, %ge3A_48 : vector<1024x128xf32>
    %le3A_50 = arith.constant 1.000000e+00 : f32
    %le3A_51 = vector.broadcast %le3A_50 : f32 to vector<1024x128xf32>
    %le3A_52 = arith.cmpf ole, %select_n3A_46, %le3A_51 : vector<1024x128xf32>
    %and3A_53 = arith.andi %ge3A_49, %le3A_52 : vector<1024x128xi1>
    %broadcast_in_dim3A_54 = arith.constant 0.000000e+00 : f32
    %broadcast_in_dim3A_55 = vector.broadcast %broadcast_in_dim3A_54 : f32 to vector<1024x128xf32>
    %select_n3A_56 = arith.select %and3A_53, %broadcast_in_dim3A_55, %select_n3A_46 : vector<1024x128xi1>, vector<1024x128xf32>
    %swap3A_57 = arith.constant 0 : index
    %swap3A_58 = arith.constant 0 : index
    %swap3A_59 = vector.load %arg5[%swap3A_57, %swap3A_58] : memref<1024x128xf32, #tpu.memory_space<vmem>>, vector<1024x128xf32>
    tpu.vector_store %arg5[%swap3A_57, %swap3A_58], %select_n3A_56 {strides = array<i32>} : memref<1024x128xf32, #tpu.memory_space<vmem>>, vector<1024x128xf32>,
    return
  }
  func.func @transform_0(%arg0: i32) -> (i32, i32) {
    %c0_i32 = arith.constant 0 : i32
    %c0_i32_0 = arith.constant 0 : i32
    return %arg0, %c0_i32 : i32, i32
  }
  func.func @transform_1(%arg0: i32) -> (i32, i32) {
    %c0_i32 = arith.constant 0 : i32
    %c0_i32_0 = arith.constant 0 : i32
    return %arg0, %c0_i32 : i32, i32
  }
  func.func @transform_2(%arg0: i32) -> (i32, i32) {
    %c0_i32 = arith.constant 0 : i32
    %c0_i32_0 = arith.constant 0 : i32
    return %arg0, %c0_i32 : i32, i32
  }
  func.func @transform_3(%arg0: i32) -> (i32, i32) {
    %c0_i32 = arith.constant 0 : i32
    %c0_i32_0 = arith.constant 0 : i32
    return %arg0, %c0_i32 : i32, i32
  }
  func.func @transform_4(%arg0: i32) -> (i32, i32) {
    %c0_i32 = arith.constant 0 : i32
    %c0_i32_0 = arith.constant 0 : i32
    return %arg0, %c0_i32 : i32, i32
  }
}

module attributes {stable_mosaic.version = 14 : i64} {
  func.func @_t1_body(%arg0: i32, %arg1: memref<1024x128xf32, #tpu.memory_space<vmem>>, %arg2: memref<1024x128xf32, #tpu.memory_space<vmem>>, %arg3: memref<1024x1xf32, #tpu.memory_space<vmem>>, %arg4: memref<1024x128xf32, #tpu.memory_space<vmem>>, %arg5: memref<1024x128xf32, #tpu.memory_space<vmem>>, %arg6: memref<256x512xf32, #tpu.memory_space<vmem>>, %arg7: memref<256x512xf32, #tpu.memory_space<vmem>>, %arg8: memref<1x512xf32, #tpu.memory_space<vmem>>, %arg9: memref<1024x128xf32, #tpu.memory_space<vmem>>, %arg10: memref<1024x128xf32, #tpu.memory_space<vmem>>, %arg11: memref<1024x128xf32, #tpu.memory_space<vmem>>, %arg12: memref<1024x128xf32, #tpu.memory_space<vmem>>) attributes {dimension_semantics = [#tpu.dimension_semantics<arbitrary>], iteration_bounds = array<i64: 10>, scalar_prefetch = 0 : i64, scratch_operands = 0 : i64, tpu.core_type = #tpu.core_type<tc>, window_params = [{transform_indices = @transform_0, window_bounds = array<i64: 1024, 128>}, {transform_indices = @transform_1, window_bounds = array<i64: 1024, 128>}, {transform_indices = @transform_2, window_bounds = array<i64: 1024, 1>}, {transform_indices = @transform_3, window_bounds = array<i64: 1024, 128>}, {transform_indices = @transform_4, window_bounds = array<i64: 1024, 128>}, {pipeline_mode = #tpu.pipeline_mode<synchronous>, transform_indices = @transform_5, window_bounds = array<i64: 256, 512>}, {pipeline_mode = #tpu.pipeline_mode<synchronous>, transform_indices = @transform_6, window_bounds = array<i64: 256, 512>}, {pipeline_mode = #tpu.pipeline_mode<synchronous>, transform_indices = @transform_7, window_bounds = array<i64: 1, 512>}, {transform_indices = @transform_8, window_bounds = array<i64: 1024, 128>}, {transform_indices = @transform_9, window_bounds = array<i64: 1024, 128>}, {transform_indices = @transform_10, window_bounds = array<i64: 1024, 128>}, {transform_indices = @transform_11, window_bounds = array<i64: 1024, 128>}]} {
    %get3A = arith.constant 0 : index
    %get3A_0 = arith.constant 0 : index
    %get3A_1 = vector.load %arg3[%get3A, %get3A_0] : memref<1024x1xf32, #tpu.memory_space<vmem>>, vector<1024x1xf32>
    %max3A = arith.constant 1.000000e+00 : f32
    %max3A_2 = vector.broadcast %max3A : f32 to vector<1024x1xf32>
    %max3A_3 = arith.maximumf %get3A_1, %max3A_2 : vector<1024x1xf32>
    %div3A = arith.constant 1.000000e+00 : f32
    %div3A_4 = vector.broadcast %div3A : f32 to vector<1024x1xf32>
    %div3A_5 = arith.divf %div3A_4, %max3A_3 : vector<1024x1xf32>
    %get3A_6 = arith.constant 0 : index
    %get3A_7 = arith.constant 0 : index
    %get3A_8 = vector.load %arg6[%get3A_6, %get3A_7] : memref<256x512xf32, #tpu.memory_space<vmem>>, vector<256x512xf32>
    %get3A_9 = arith.constant 0 : index
    %get3A_10 = arith.constant 0 : index
    %get3A_11 = vector.load %arg7[%get3A_9, %get3A_10] : memref<256x512xf32, #tpu.memory_space<vmem>>, vector<256x512xf32>
    %get3A_12 = arith.constant 0 : index
    %get3A_13 = arith.constant 0 : index
    %get3A_14 = vector.load %arg1[%get3A_12, %get3A_13] : memref<1024x128xf32, #tpu.memory_space<vmem>>, vector<1024x128xf32>
    %mul3A = vector.broadcast %div3A_5 : vector<1024x1xf32> to vector<1024x128xf32>
    %mul3A_15 = arith.mulf %get3A_14, %mul3A : vector<1024x128xf32>
    %slice3A = vector.extract_strided_slice %get3A_8 {offsets = [0, 0], sizes = [128, 512], strides = [1, 1]} : vector<256x512xf32> to vector<128x512xf32>
    %dot_general3A = arith.constant dense<0.000000e+00> : vector<1024x512xf32>
    %dot_general3A_16 = tpu.matmul %mul3A_15, %slice3A, %dot_general3A {dimension_numbers = #tpu.dot_dimension_numbers<[1], [0], [0], [1], [0, 0, 1, 1], [], []>, transpose_lhs_hint = false} : vector<1024x128xf32>, vector<128x512xf32>, vector<1024x512xf32> -> vector<1024x512xf32>
    %get3A_17 = arith.constant 0 : index
    %get3A_18 = arith.constant 0 : index
    %get3A_19 = vector.load %arg2[%get3A_17, %get3A_18] : memref<1024x128xf32, #tpu.memory_space<vmem>>, vector<1024x128xf32>
    %mul3A_20 = vector.broadcast %div3A_5 : vector<1024x1xf32> to vector<1024x128xf32>
    %mul3A_21 = arith.mulf %get3A_19, %mul3A_20 : vector<1024x128xf32>
    %slice3A_22 = vector.extract_strided_slice %get3A_8 {offsets = [128, 0], sizes = [128, 512], strides = [1, 1]} : vector<256x512xf32> to vector<128x512xf32>
    %dot_general3A_23 = arith.constant dense<0.000000e+00> : vector<1024x512xf32>
    %dot_general3A_24 = tpu.matmul %mul3A_21, %slice3A_22, %dot_general3A_23 {dimension_numbers = #tpu.dot_dimension_numbers<[1], [0], [0], [1], [0, 0, 1, 1], [], []>, transpose_lhs_hint = false} : vector<1024x128xf32>, vector<128x512xf32>, vector<1024x512xf32> -> vector<1024x512xf32>
    %add3A = arith.addf %dot_general3A_16, %dot_general3A_24 : vector<1024x512xf32>
    %get3A_25 = arith.constant 0 : index
    %get3A_26 = arith.constant 0 : index
    %get3A_27 = vector.load %arg4[%get3A_25, %get3A_26] : memref<1024x128xf32, #tpu.memory_space<vmem>>, vector<1024x128xf32>
    %slice3A_28 = vector.extract_strided_slice %get3A_11 {offsets = [0, 0], sizes = [128, 512], strides = [1, 1]} : vector<256x512xf32> to vector<128x512xf32>
    %dot_general3A_29 = arith.constant dense<0.000000e+00> : vector<1024x512xf32>
    %dot_general3A_30 = tpu.matmul %get3A_27, %slice3A_28, %dot_general3A_29 {dimension_numbers = #tpu.dot_dimension_numbers<[1], [0], [0], [1], [0, 0, 1, 1], [], []>, transpose_lhs_hint = false} : vector<1024x128xf32>, vector<128x512xf32>, vector<1024x512xf32> -> vector<1024x512xf32>
    %add3A_31 = arith.addf %add3A, %dot_general3A_30 : vector<1024x512xf32>
    %get3A_32 = arith.constant 0 : index
    %get3A_33 = arith.constant 0 : index
    %get3A_34 = vector.load %arg5[%get3A_32, %get3A_33] : memref<1024x128xf32, #tpu.memory_space<vmem>>, vector<1024x128xf32>
    %slice3A_35 = vector.extract_strided_slice %get3A_11 {offsets = [128, 0], sizes = [128, 512], strides = [1, 1]} : vector<256x512xf32> to vector<128x512xf32>
    %dot_general3A_36 = arith.constant dense<0.000000e+00> : vector<1024x512xf32>
    %dot_general3A_37 = tpu.matmul %get3A_34, %slice3A_35, %dot_general3A_36 {dimension_numbers = #tpu.dot_dimension_numbers<[1], [0], [0], [1], [0, 0, 1, 1], [], []>, transpose_lhs_hint = false} : vector<1024x128xf32>, vector<128x512xf32>, vector<1024x512xf32> -> vector<1024x512xf32>
    %add3A_38 = arith.addf %add3A_31, %dot_general3A_37 : vector<1024x512xf32>
    %get3A_39 = arith.constant 0 : index
    %get3A_40 = arith.constant 0 : index
    %get3A_41 = vector.load %arg8[%get3A_39, %get3A_40] : memref<1x512xf32, #tpu.memory_space<vmem>>, vector<1x512xf32>
    %add3A_42 = vector.broadcast %get3A_41 : vector<1x512xf32> to vector<1024x512xf32>
    %add3A_43 = arith.addf %add3A_38, %add3A_42 : vector<1024x512xf32>
    %gt3A = arith.constant 0.000000e+00 : f32
    %gt3A_44 = vector.broadcast %gt3A : f32 to vector<1024x512xf32>
    %gt3A_45 = arith.cmpf ogt, %add3A_43, %gt3A_44 : vector<1024x512xf32>
    %exp3A = math.exp %add3A_43 : vector<1024x512xf32>
    %sub3A = arith.constant 1.000000e+00 : f32
    %sub3A_46 = vector.broadcast %sub3A : f32 to vector<1024x512xf32>
    %sub3A_47 = arith.subf %exp3A, %sub3A_46 : vector<1024x512xf32>
    %mul3A_48 = arith.constant 1.67326319 : f32
    %mul3A_49 = vector.broadcast %mul3A_48 : f32 to vector<1024x512xf32>
    %mul3A_50 = arith.mulf %mul3A_49, %sub3A_47 : vector<1024x512xf32>
    %select_n3A = arith.select %gt3A_45, %add3A_43, %mul3A_50 : vector<1024x512xi1>, vector<1024x512xf32>
    %mul3A_51 = arith.constant 1.05070102 : f32
    %mul3A_52 = vector.broadcast %mul3A_51 : f32 to vector<1024x512xf32>
    %mul3A_53 = arith.mulf %mul3A_52, %select_n3A : vector<1024x512xf32>
    %slice3A_54 = vector.extract_strided_slice %mul3A_53 {offsets = [0, 0], sizes = [1024, 128], strides = [1, 1]} : vector<1024x512xf32> to vector<1024x128xf32>
    %swap3A = arith.constant 0 : index
    %swap3A_55 = arith.constant 0 : index
    %swap3A_56 = vector.load %arg9[%swap3A, %swap3A_55] : memref<1024x128xf32, #tpu.memory_space<vmem>>, vector<1024x128xf32>
    tpu.vector_store %arg9[%swap3A, %swap3A_55], %slice3A_54 {strides = array<i32>} : memref<1024x128xf32, #tpu.memory_space<vmem>>, vector<1024x128xf32>,
    %slice3A_57 = vector.extract_strided_slice %mul3A_53 {offsets = [0, 128], sizes = [1024, 128], strides = [1, 1]} : vector<1024x512xf32> to vector<1024x128xf32>
    %swap3A_58 = arith.constant 0 : index
    %swap3A_59 = arith.constant 0 : index
    %swap3A_60 = vector.load %arg10[%swap3A_58, %swap3A_59] : memref<1024x128xf32, #tpu.memory_space<vmem>>, vector<1024x128xf32>
    tpu.vector_store %arg10[%swap3A_58, %swap3A_59], %slice3A_57 {strides = array<i32>} : memref<1024x128xf32, #tpu.memory_space<vmem>>, vector<1024x128xf32>,
    %slice3A_61 = vector.extract_strided_slice %mul3A_53 {offsets = [0, 256], sizes = [1024, 128], strides = [1, 1]} : vector<1024x512xf32> to vector<1024x128xf32>
    %swap3A_62 = arith.constant 0 : index
    %swap3A_63 = arith.constant 0 : index
    %swap3A_64 = vector.load %arg11[%swap3A_62, %swap3A_63] : memref<1024x128xf32, #tpu.memory_space<vmem>>, vector<1024x128xf32>
    tpu.vector_store %arg11[%swap3A_62, %swap3A_63], %slice3A_61 {strides = array<i32>} : memref<1024x128xf32, #tpu.memory_space<vmem>>, vector<1024x128xf32>,
    %slice3A_65 = vector.extract_strided_slice %mul3A_53 {offsets = [0, 384], sizes = [1024, 128], strides = [1, 1]} : vector<1024x512xf32> to vector<1024x128xf32>
    %swap3A_66 = arith.constant 0 : index
    %swap3A_67 = arith.constant 0 : index
    %swap3A_68 = vector.load %arg12[%swap3A_66, %swap3A_67] : memref<1024x128xf32, #tpu.memory_space<vmem>>, vector<1024x128xf32>
    tpu.vector_store %arg12[%swap3A_66, %swap3A_67], %slice3A_65 {strides = array<i32>} : memref<1024x128xf32, #tpu.memory_space<vmem>>, vector<1024x128xf32>,
    return
  }
  func.func @transform_0(%arg0: i32) -> (i32, i32) {
    %c0_i32 = arith.constant 0 : i32
    %c0_i32_0 = arith.constant 0 : i32
    return %arg0, %c0_i32 : i32, i32
  }
  func.func @transform_1(%arg0: i32) -> (i32, i32) {
    %c0_i32 = arith.constant 0 : i32
    %c0_i32_0 = arith.constant 0 : i32
    return %arg0, %c0_i32 : i32, i32
  }
  func.func @transform_2(%arg0: i32) -> (i32, i32) {
    %c0_i32 = arith.constant 0 : i32
    %c0_i32_0 = arith.constant 0 : i32
    return %arg0, %c0_i32 : i32, i32
  }
  func.func @transform_3(%arg0: i32) -> (i32, i32) {
    %c0_i32 = arith.constant 0 : i32
    %c0_i32_0 = arith.constant 0 : i32
    return %arg0, %c0_i32 : i32, i32
  }
  func.func @transform_4(%arg0: i32) -> (i32, i32) {
    %c0_i32 = arith.constant 0 : i32
    %c0_i32_0 = arith.constant 0 : i32
    return %arg0, %c0_i32 : i32, i32
  }
  func.func @transform_5(%arg0: i32) -> (i32, i32) {
    %c0_i32 = arith.constant 0 : i32
    %c0_i32_0 = arith.constant 0 : i32
    %c0_i32_1 = arith.constant 0 : i32
    return %c0_i32, %c0_i32_0 : i32, i32
  }
  func.func @transform_6(%arg0: i32) -> (i32, i32) {
    %c0_i32 = arith.constant 0 : i32
    %c0_i32_0 = arith.constant 0 : i32
    %c0_i32_1 = arith.constant 0 : i32
    return %c0_i32, %c0_i32_0 : i32, i32
  }
  func.func @transform_7(%arg0: i32) -> (i32, i32) {
    %c0_i32 = arith.constant 0 : i32
    %c0_i32_0 = arith.constant 0 : i32
    %c0_i32_1 = arith.constant 0 : i32
    return %c0_i32, %c0_i32_0 : i32, i32
  }
  func.func @transform_8(%arg0: i32) -> (i32, i32) {
    %c0_i32 = arith.constant 0 : i32
    %c0_i32_0 = arith.constant 0 : i32
    return %arg0, %c0_i32 : i32, i32
  }
  func.func @transform_9(%arg0: i32) -> (i32, i32) {
    %c0_i32 = arith.constant 0 : i32
    %c0_i32_0 = arith.constant 0 : i32
    return %arg0, %c0_i32 : i32, i32
  }
  func.func @transform_10(%arg0: i32) -> (i32, i32) {
    %c0_i32 = arith.constant 0 : i32
    %c0_i32_0 = arith.constant 0 : i32
    return %arg0, %c0_i32 : i32, i32
  }
  func.func @transform_11(%arg0: i32) -> (i32, i32) {
    %c0_i32 = arith.constant 0 : i32
    %c0_i32_0 = arith.constant 0 : i32
    return %arg0, %c0_i32 : i32, i32
  }
}

module attributes {stable_mosaic.version = 14 : i64} {
  func.func @_t2_body(%arg0: i32, %arg1: memref<1024x128xf32, #tpu.memory_space<vmem>>, %arg2: memref<1024x128xf32, #tpu.memory_space<vmem>>, %arg3: memref<1024x128xf32, #tpu.memory_space<vmem>>, %arg4: memref<1024x128xf32, #tpu.memory_space<vmem>>, %arg5: memref<1024x1xf32, #tpu.memory_space<vmem>>, %arg6: memref<1024x128xf32, #tpu.memory_space<vmem>>, %arg7: memref<1024x128xf32, #tpu.memory_space<vmem>>, %arg8: memref<1024x128xf32, #tpu.memory_space<vmem>>, %arg9: memref<1024x128xf32, #tpu.memory_space<vmem>>, %arg10: memref<512x64xf32, #tpu.memory_space<vmem>>, %arg11: memref<512x64xf32, #tpu.memory_space<vmem>>, %arg12: memref<1x64xf32, #tpu.memory_space<vmem>>, %arg13: memref<1024x64xf32, #tpu.memory_space<vmem>>) attributes {dimension_semantics = [#tpu.dimension_semantics<arbitrary>], iteration_bounds = array<i64: 10>, scalar_prefetch = 0 : i64, scratch_operands = 0 : i64, tpu.core_type = #tpu.core_type<tc>, window_params = [{transform_indices = @transform_0, window_bounds = array<i64: 1024, 128>}, {transform_indices = @transform_1, window_bounds = array<i64: 1024, 128>}, {transform_indices = @transform_2, window_bounds = array<i64: 1024, 128>}, {transform_indices = @transform_3, window_bounds = array<i64: 1024, 128>}, {transform_indices = @transform_4, window_bounds = array<i64: 1024, 1>}, {transform_indices = @transform_5, window_bounds = array<i64: 1024, 128>}, {transform_indices = @transform_6, window_bounds = array<i64: 1024, 128>}, {transform_indices = @transform_7, window_bounds = array<i64: 1024, 128>}, {transform_indices = @transform_8, window_bounds = array<i64: 1024, 128>}, {pipeline_mode = #tpu.pipeline_mode<synchronous>, transform_indices = @transform_9, window_bounds = array<i64: 512, 64>}, {pipeline_mode = #tpu.pipeline_mode<synchronous>, transform_indices = @transform_10, window_bounds = array<i64: 512, 64>}, {pipeline_mode = #tpu.pipeline_mode<synchronous>, transform_indices = @transform_11, window_bounds = array<i64: 1, 64>}, {transform_indices = @transform_12, window_bounds = array<i64: 1024, 64>}]} {
    %get3A = arith.constant 0 : index
    %get3A_0 = arith.constant 0 : index
    %get3A_1 = vector.load %arg5[%get3A, %get3A_0] : memref<1024x1xf32, #tpu.memory_space<vmem>>, vector<1024x1xf32>
    %max3A = arith.constant 1.000000e+00 : f32
    %max3A_2 = vector.broadcast %max3A : f32 to vector<1024x1xf32>
    %max3A_3 = arith.maximumf %get3A_1, %max3A_2 : vector<1024x1xf32>
    %div3A = arith.constant 1.000000e+00 : f32
    %div3A_4 = vector.broadcast %div3A : f32 to vector<1024x1xf32>
    %div3A_5 = arith.divf %div3A_4, %max3A_3 : vector<1024x1xf32>
    %get3A_6 = arith.constant 0 : index
    %get3A_7 = arith.constant 0 : index
    %get3A_8 = vector.load %arg10[%get3A_6, %get3A_7] : memref<512x64xf32, #tpu.memory_space<vmem>>, vector<512x64xf32>
    %get3A_9 = arith.constant 0 : index
    %get3A_10 = arith.constant 0 : index
    %get3A_11 = vector.load %arg11[%get3A_9, %get3A_10] : memref<512x64xf32, #tpu.memory_space<vmem>>, vector<512x64xf32>
    %broadcast_in_dim3A = arith.constant 0.000000e+00 : f32
    %broadcast_in_dim3A_12 = vector.broadcast %broadcast_in_dim3A : f32 to vector<1024x64xf32>
    %get3A_13 = arith.constant 0 : index
    %get3A_14 = arith.constant 0 : index
    %get3A_15 = vector.load %arg12[%get3A_13, %get3A_14] : memref<1x64xf32, #tpu.memory_space<vmem>>, vector<1x64xf32>
    %add3A = vector.broadcast %get3A_15 : vector<1x64xf32> to vector<1024x64xf32>
    %add3A_16 = arith.addf %broadcast_in_dim3A_12, %add3A : vector<1024x64xf32>
    %get3A_17 = arith.constant 0 : index
    %get3A_18 = arith.constant 0 : index
    %get3A_19 = vector.load %arg1[%get3A_17, %get3A_18] : memref<1024x128xf32, #tpu.memory_space<vmem>>, vector<1024x128xf32>
    %mul3A = vector.broadcast %div3A_5 : vector<1024x1xf32> to vector<1024x128xf32>
    %mul3A_20 = arith.mulf %get3A_19, %mul3A : vector<1024x128xf32>
    %slice3A = vector.extract_strided_slice %get3A_8 {offsets = [0, 0], sizes = [128, 64], strides = [1, 1]} : vector<512x64xf32> to vector<128x64xf32>
    %dot_general3A = arith.constant dense<0.000000e+00> : vector<1024x64xf32>
    %dot_general3A_21 = tpu.matmul %mul3A_20, %slice3A, %dot_general3A {dimension_numbers = #tpu.dot_dimension_numbers<[1], [0], [0], [1], [0, 0, 1, 1], [], []>, transpose_lhs_hint = false} : vector<1024x128xf32>, vector<128x64xf32>, vector<1024x64xf32> -> vector<1024x64xf32>
    %add3A_22 = arith.addf %add3A_16, %dot_general3A_21 : vector<1024x64xf32>
    %get3A_23 = arith.constant 0 : index
    %get3A_24 = arith.constant 0 : index
    %get3A_25 = vector.load %arg6[%get3A_23, %get3A_24] : memref<1024x128xf32, #tpu.memory_space<vmem>>, vector<1024x128xf32>
    %slice3A_26 = vector.extract_strided_slice %get3A_11 {offsets = [0, 0], sizes = [128, 64], strides = [1, 1]} : vector<512x64xf32> to vector<128x64xf32>
    %dot_general3A_27 = arith.constant dense<0.000000e+00> : vector<1024x64xf32>
    %dot_general3A_28 = tpu.matmul %get3A_25, %slice3A_26, %dot_general3A_27 {dimension_numbers = #tpu.dot_dimension_numbers<[1], [0], [0], [1], [0, 0, 1, 1], [], []>, transpose_lhs_hint = false} : vector<1024x128xf32>, vector<128x64xf32>, vector<1024x64xf32> -> vector<1024x64xf32>
    %add3A_29 = arith.addf %add3A_22, %dot_general3A_28 : vector<1024x64xf32>
    %get3A_30 = arith.constant 0 : index
    %get3A_31 = arith.constant 0 : index
    %get3A_32 = vector.load %arg2[%get3A_30, %get3A_31] : memref<1024x128xf32, #tpu.memory_space<vmem>>, vector<1024x128xf32>
    %mul3A_33 = vector.broadcast %div3A_5 : vector<1024x1xf32> to vector<1024x128xf32>
    %mul3A_34 = arith.mulf %get3A_32, %mul3A_33 : vector<1024x128xf32>
    %slice3A_35 = vector.extract_strided_slice %get3A_8 {offsets = [128, 0], sizes = [128, 64], strides = [1, 1]} : vector<512x64xf32> to vector<128x64xf32>
    %dot_general3A_36 = arith.constant dense<0.000000e+00> : vector<1024x64xf32>
    %dot_general3A_37 = tpu.matmul %mul3A_34, %slice3A_35, %dot_general3A_36 {dimension_numbers = #tpu.dot_dimension_numbers<[1], [0], [0], [1], [0, 0, 1, 1], [], []>, transpose_lhs_hint = false} : vector<1024x128xf32>, vector<128x64xf32>, vector<1024x64xf32> -> vector<1024x64xf32>
    %add3A_38 = arith.addf %add3A_29, %dot_general3A_37 : vector<1024x64xf32>
    %get3A_39 = arith.constant 0 : index
    %get3A_40 = arith.constant 0 : index
    %get3A_41 = vector.load %arg7[%get3A_39, %get3A_40] : memref<1024x128xf32, #tpu.memory_space<vmem>>, vector<1024x128xf32>
    %slice3A_42 = vector.extract_strided_slice %get3A_11 {offsets = [128, 0], sizes = [128, 64], strides = [1, 1]} : vector<512x64xf32> to vector<128x64xf32>
    %dot_general3A_43 = arith.constant dense<0.000000e+00> : vector<1024x64xf32>
    %dot_general3A_44 = tpu.matmul %get3A_41, %slice3A_42, %dot_general3A_43 {dimension_numbers = #tpu.dot_dimension_numbers<[1], [0], [0], [1], [0, 0, 1, 1], [], []>, transpose_lhs_hint = false} : vector<1024x128xf32>, vector<128x64xf32>, vector<1024x64xf32> -> vector<1024x64xf32>
    %add3A_45 = arith.addf %add3A_38, %dot_general3A_44 : vector<1024x64xf32>
    %get3A_46 = arith.constant 0 : index
    %get3A_47 = arith.constant 0 : index
    %get3A_48 = vector.load %arg3[%get3A_46, %get3A_47] : memref<1024x128xf32, #tpu.memory_space<vmem>>, vector<1024x128xf32>
    %mul3A_49 = vector.broadcast %div3A_5 : vector<1024x1xf32> to vector<1024x128xf32>
    %mul3A_50 = arith.mulf %get3A_48, %mul3A_49 : vector<1024x128xf32>
    %slice3A_51 = vector.extract_strided_slice %get3A_8 {offsets = [256, 0], sizes = [128, 64], strides = [1, 1]} : vector<512x64xf32> to vector<128x64xf32>
    %dot_general3A_52 = arith.constant dense<0.000000e+00> : vector<1024x64xf32>
    %dot_general3A_53 = tpu.matmul %mul3A_50, %slice3A_51, %dot_general3A_52 {dimension_numbers = #tpu.dot_dimension_numbers<[1], [0], [0], [1], [0, 0, 1, 1], [], []>, transpose_lhs_hint = false} : vector<1024x128xf32>, vector<128x64xf32>, vector<1024x64xf32> -> vector<1024x64xf32>
    %add3A_54 = arith.addf %add3A_45, %dot_general3A_53 : vector<1024x64xf32>
    %get3A_55 = arith.constant 0 : index
    %get3A_56 = arith.constant 0 : index
    %get3A_57 = vector.load %arg8[%get3A_55, %get3A_56] : memref<1024x128xf32, #tpu.memory_space<vmem>>, vector<1024x128xf32>
    %slice3A_58 = vector.extract_strided_slice %get3A_11 {offsets = [256, 0], sizes = [128, 64], strides = [1, 1]} : vector<512x64xf32> to vector<128x64xf32>
    %dot_general3A_59 = arith.constant dense<0.000000e+00> : vector<1024x64xf32>
    %dot_general3A_60 = tpu.matmul %get3A_57, %slice3A_58, %dot_general3A_59 {dimension_numbers = #tpu.dot_dimension_numbers<[1], [0], [0], [1], [0, 0, 1, 1], [], []>, transpose_lhs_hint = false} : vector<1024x128xf32>, vector<128x64xf32>, vector<1024x64xf32> -> vector<1024x64xf32>
    %add3A_61 = arith.addf %add3A_54, %dot_general3A_60 : vector<1024x64xf32>
    %get3A_62 = arith.constant 0 : index
    %get3A_63 = arith.constant 0 : index
    %get3A_64 = vector.load %arg4[%get3A_62, %get3A_63] : memref<1024x128xf32, #tpu.memory_space<vmem>>, vector<1024x128xf32>
    %mul3A_65 = vector.broadcast %div3A_5 : vector<1024x1xf32> to vector<1024x128xf32>
    %mul3A_66 = arith.mulf %get3A_64, %mul3A_65 : vector<1024x128xf32>
    %slice3A_67 = vector.extract_strided_slice %get3A_8 {offsets = [384, 0], sizes = [128, 64], strides = [1, 1]} : vector<512x64xf32> to vector<128x64xf32>
    %dot_general3A_68 = arith.constant dense<0.000000e+00> : vector<1024x64xf32>
    %dot_general3A_69 = tpu.matmul %mul3A_66, %slice3A_67, %dot_general3A_68 {dimension_numbers = #tpu.dot_dimension_numbers<[1], [0], [0], [1], [0, 0, 1, 1], [], []>, transpose_lhs_hint = false} : vector<1024x128xf32>, vector<128x64xf32>, vector<1024x64xf32> -> vector<1024x64xf32>
    %add3A_70 = arith.addf %add3A_61, %dot_general3A_69 : vector<1024x64xf32>
    %get3A_71 = arith.constant 0 : index
    %get3A_72 = arith.constant 0 : index
    %get3A_73 = vector.load %arg9[%get3A_71, %get3A_72] : memref<1024x128xf32, #tpu.memory_space<vmem>>, vector<1024x128xf32>
    %slice3A_74 = vector.extract_strided_slice %get3A_11 {offsets = [384, 0], sizes = [128, 64], strides = [1, 1]} : vector<512x64xf32> to vector<128x64xf32>
    %dot_general3A_75 = arith.constant dense<0.000000e+00> : vector<1024x64xf32>
    %dot_general3A_76 = tpu.matmul %get3A_73, %slice3A_74, %dot_general3A_75 {dimension_numbers = #tpu.dot_dimension_numbers<[1], [0], [0], [1], [0, 0, 1, 1], [], []>, transpose_lhs_hint = false} : vector<1024x128xf32>, vector<128x64xf32>, vector<1024x64xf32> -> vector<1024x64xf32>
    %add3A_77 = arith.addf %add3A_70, %dot_general3A_76 : vector<1024x64xf32>
    %reduce_max3A = arith.constant dense<0xFF800000> : vector<1024xf32>
    %reduce_max3A_78 = vector.multi_reduction <maximumf>, %add3A_77, %reduce_max3A [1] : vector<1024x64xf32> to vector<1024xf32>
    %broadcast_in_dim3A_79 = vector.shape_cast %reduce_max3A_78 : vector<1024xf32> to vector<1024x1xf32>
    %sub3A = vector.broadcast %broadcast_in_dim3A_79 : vector<1024x1xf32> to vector<1024x64xf32>
    %sub3A_80 = arith.subf %add3A_77, %sub3A : vector<1024x64xf32>
    %exp3A = math.exp %sub3A_80 : vector<1024x64xf32>
    %reduce_sum3A = arith.constant dense<0.000000e+00> : vector<1024xf32>
    %reduce_sum3A_81 = vector.multi_reduction <add>, %exp3A, %reduce_sum3A [1] : vector<1024x64xf32> to vector<1024xf32>
    %broadcast_in_dim3A_82 = vector.shape_cast %reduce_sum3A_81 : vector<1024xf32> to vector<1024x1xf32>
    %div3A_83 = vector.broadcast %broadcast_in_dim3A_82 : vector<1024x1xf32> to vector<1024x64xf32>
    %div3A_84 = arith.divf %exp3A, %div3A_83 : vector<1024x64xf32>
    %swap3A = arith.constant 0 : index
    %swap3A_85 = arith.constant 0 : index
    %swap3A_86 = vector.load %arg13[%swap3A, %swap3A_85] : memref<1024x64xf32, #tpu.memory_space<vmem>>, vector<1024x64xf32>
    tpu.vector_store %arg13[%swap3A, %swap3A_85], %div3A_84 {strides = array<i32>} : memref<1024x64xf32, #tpu.memory_space<vmem>>, vector<1024x64xf32>,
    return
  }
  func.func @transform_0(%arg0: i32) -> (i32, i32) {
    %c0_i32 = arith.constant 0 : i32
    %c0_i32_0 = arith.constant 0 : i32
    return %arg0, %c0_i32 : i32, i32
  }
  func.func @transform_1(%arg0: i32) -> (i32, i32) {
    %c0_i32 = arith.constant 0 : i32
    %c0_i32_0 = arith.constant 0 : i32
    return %arg0, %c0_i32 : i32, i32
  }
  func.func @transform_2(%arg0: i32) -> (i32, i32) {
    %c0_i32 = arith.constant 0 : i32
    %c0_i32_0 = arith.constant 0 : i32
    return %arg0, %c0_i32 : i32, i32
  }
  func.func @transform_3(%arg0: i32) -> (i32, i32) {
    %c0_i32 = arith.constant 0 : i32
    %c0_i32_0 = arith.constant 0 : i32
    return %arg0, %c0_i32 : i32, i32
  }
  func.func @transform_4(%arg0: i32) -> (i32, i32) {
    %c0_i32 = arith.constant 0 : i32
    %c0_i32_0 = arith.constant 0 : i32
    return %arg0, %c0_i32 : i32, i32
  }
  func.func @transform_5(%arg0: i32) -> (i32, i32) {
    %c0_i32 = arith.constant 0 : i32
    %c0_i32_0 = arith.constant 0 : i32
    return %arg0, %c0_i32 : i32, i32
  }
  func.func @transform_6(%arg0: i32) -> (i32, i32) {
    %c0_i32 = arith.constant 0 : i32
    %c0_i32_0 = arith.constant 0 : i32
    return %arg0, %c0_i32 : i32, i32
  }
  func.func @transform_7(%arg0: i32) -> (i32, i32) {
    %c0_i32 = arith.constant 0 : i32
    %c0_i32_0 = arith.constant 0 : i32
    return %arg0, %c0_i32 : i32, i32
  }
  func.func @transform_8(%arg0: i32) -> (i32, i32) {
    %c0_i32 = arith.constant 0 : i32
    %c0_i32_0 = arith.constant 0 : i32
    return %arg0, %c0_i32 : i32, i32
  }
  func.func @transform_9(%arg0: i32) -> (i32, i32) {
    %c0_i32 = arith.constant 0 : i32
    %c0_i32_0 = arith.constant 0 : i32
    %c0_i32_1 = arith.constant 0 : i32
    return %c0_i32, %c0_i32_0 : i32, i32
  }
  func.func @transform_10(%arg0: i32) -> (i32, i32) {
    %c0_i32 = arith.constant 0 : i32
    %c0_i32_0 = arith.constant 0 : i32
    %c0_i32_1 = arith.constant 0 : i32
    return %c0_i32, %c0_i32_0 : i32, i32
  }
  func.func @transform_11(%arg0: i32) -> (i32, i32) {
    %c0_i32 = arith.constant 0 : i32
    %c0_i32_0 = arith.constant 0 : i32
    %c0_i32_1 = arith.constant 0 : i32
    return %c0_i32, %c0_i32_0 : i32, i32
  }
  func.func @transform_12(%arg0: i32) -> (i32, i32) {
    %c0_i32 = arith.constant 0 : i32
    %c0_i32_0 = arith.constant 0 : i32
    return %arg0, %c0_i32 : i32, i32
  }
}

</mosaic_0001>

<sc_bundles>
// kernel: kernel.11.cloned.1.call-start
scs
__scs_entry_jumppad:
0x0: {  	(pc) =	sbr.rel $0x88, $3  }
0x1: {  	(tag) =	ssettag $0x0;
	lr =	simm.s32 $0x1  }
0x2: {  	[smem:$0x3F99] =	sst lr;
	_ =	strace $0xD0000000  }
0x3: {  	_ = 	snop  }
0x4: {  	_ = 	snop  }
0x5: {  	_ = 	snop  }
0x6: {  	_ = 	snop  }
0x7: {  	_ = 	snop  }
__scs_overlays_trampoline_lowered:
0x8: {  	[smem:$0x3FA8] =	sst s0  }
0x9: {  	[smem:$0x3FA9] =	sst s1  }
0xa: {  	[smem:$0x3FAA] =	sst s2  }
0xb: {  	[smem:$0x3FAB] =	sst s3  }
0xc: {  	[smem:$0x3FAC] =	sst s4  }
0xd: {  	[smem:$0x3FAD] =	sst s5  }
0xe: {  	[smem:$0x3FAE] =	sst s6  }
0xf: {  	[smem:$0x3FAF] =	sst s7  }
0x10: {  	[smem:$0x3FB0] =	sst s8  }
0x11: {  	[smem:$0x3FB1] =	sst s9;
	s0 =	simm.s32 @!p0 $0x0  }
0x12: {  	s1 =	sld [smem:$0x3F97];
	s0 =	simm.s32 @p0 $0x1  }
0x13: {  	[smem:$0x3FB2] =	sst s0;
	s0 =	simm.s32 @!p1 $0x0  }
0x14: {  	s2 =	sld [smem:$0x3F96];
	s0 =	simm.s32 @p1 $0x1  }
0x15: {  	[smem:$0x3FB3] =	sst s0;
	s0 =	simm.s32 @!p2 $0x0  }
0x16: {  	s3 =	sld [smem:$0x3FDB];
	s0 =	simm.s32 @p2 $0x1  }
0x17: {  	s4 =	simm.s32 $0x1BF5;
	[smem:$0x3FB5] =	sst s0  }
0x18: {  	s0 =	sld [smem:$0x3F98];
	_ =	swait.ge [sflag:s4], $0x0  }
0x19: {  	s7 =	sld [smem:$0x3F99]  }
0x1a: {  	s8 =	sadd.s32 $0xFFFFE003, lr  }
0x1b: {  	s9 =	sadd.s32 $0xFFFFFEF7, lr;
	s5 =	simm.s32 $0xFFFFFFFF;
	p2 =	slt.u32 s8, $0xFFFFF086  }
0x1c: {  	p1 =	slt.u32 s9, $0xF7A;
	s5 =	simm.s32 @!p2 $0x0  }
0x1d: {  	s5 =	simm.s32 @p1 $0x1;
	p0 =	seq.s32 s7, s2  }
0x1e: {  	s7 =	smul.u32 @!p0 $0xF7A, s2;
	p2 =	seq.s32 @!p0 s5, $0x0  }
0x1f: {  	s9 =	smul.u32 $0xF7A, s1;
	s8 =	simm.s32 @!p0 $0x1BF5;
	p2 =	por !p2, p0  }
0x20: {  	[sflag:s8] =	ssyncset.s32 @!p0 $0xFFFFF086;
	s6 =	sadd.s32 @!p0 s3, s7;
	s7 =	simm.s32 @!p0 $0x108  }
0x21: {  	s3 =	sadd.s32 s3, s9;
	s6 =	sadd.s32 @!p0 $0x88, s6;
	s7 =	simm.s32 @p2 $0x1082  }
0x22: {  	[simem:s7], [sflag:s8] =	dma.local @!p0 [hbm:s6], $0xF7A  }
0x23: {  	s9 =	sor.u32 $0xD0000000, s2;
	s6 =	simm.s32 $0x108;
	_ =	swait.ge @!p0 [sflag:s8], $0x0  }
0x24: {  	s3 =	sadd.s32 $0x88, s3;
	s6 =	simm.s32 @!p1 $0x1082;
	[sflag:s4] =	ssyncset.s32 $0xFFFFF086  }
0x25: {  	[simem:s6], [sflag:s4] =	dma.local [hbm:s3], $0xF7A  }
0x26: {  	[smem:$0x3F99] =	sst s1;
	(tag) =	ssettag s2;
	_ =	strace s9  }
0x27: {  	s1 =	sld [smem:$0x3FA9]  }
0x28: {  	s2 =	sld [smem:$0x3FAA]  }
0x29: {  	s4 =	sld [smem:$0x3FAC]  }
0x2a: {  	p0 =	seq.s32 s5, $0x0;
	s5 =	sld [smem:$0x3FAD]  }
0x2b: {  	s6 =	sld [smem:$0x3FAE]  }
0x2c: {  	s7 =	sld [smem:$0x3FAF]  }
0x2d: {  	s3 =	simm.s32 $0x108;
	s8 =	sld [smem:$0x3FB0]  }
0x2e: {  	s3 =	simm.s32 @!p0 $0x1082;
	s9 =	sld [smem:$0x3FB1]  }
0x2f: {  	lr =	sadd.s32 s0, s3;
	s0 =	sld [smem:$0x3FA8]  }
0x30: {  	s3 =	sld [smem:$0x3FAB]  }
0x31: {  	[smem:$0x3FB4] =	sst s10  }
0x32: {  	s10 =	sld [smem:$0x3FB2];
	_ =	sdelay $0x3  }
0x33: {  	p0 =	seq.s32 s10, $0x1;
	s10 =	sld [smem:$0x3FB4];
	_ =	sdelay $0x3  }
0x34: {  	[smem:$0x3FB4] =	sst s10  }
0x35: {  	s10 =	sld [smem:$0x3FB3];
	_ =	sdelay $0x3  }
0x36: {  	p1 =	seq.s32 s10, $0x1;
	s10 =	sld [smem:$0x3FB4];
	_ =	sdelay $0x3  }
0x37: {  	[smem:$0x3FB4] =	sst s10  }
0x38: {  	s10 =	sld [smem:$0x3FB5]  }
0x39: {  	_ = 	snop;
	(pc) =	sbr.ind lr, $3  }
0x3a: {  	_ = 	snop  }
0x3b: {  	_ = 	snop  }
0x3c: {  	p2 =	seq.s32 s10, $0x1;
	s10 =	sld [smem:$0x3FB4]  }
0x3d: {  	_ =	shalt  }
0x3e: {  	_ =	shalt  }
0x3f: {  	_ =	shalt  }
0x40: {  	_ =	shalt  }
0x41: {  	_ =	shalt  }
0x42: {  	_ =	shalt  }
0x43: {  	_ =	shalt  }
0x44: {  	_ =	shalt  }
0x45: {  	_ =	shalt  }
0x46: {  	_ =	shalt  }
0x47: {  	_ =	shalt  }
0x48: {  	_ =	shalt  }
0x49: {  	_ =	shalt  }
0x4a: {  	_ =	shalt  }
0x4b: {  	_ =	shalt  }
0x4c: {  	_ =	shalt  }
0x4d: {  	_ =	shalt  }
0x4e: {  	_ =	shalt  }
0x4f: {  	_ =	shalt  }
0x50: {  	_ =	shalt  }
0x51: {  	_ =	shalt  }
0x52: {  	_ =	shalt  }
0x53: {  	_ =	shalt  }
0x54: {  	_ =	shalt  }
0x55: {  	_ =	shalt  }
0x56: {  	_ =	shalt  }
0x57: {  	_ =	shalt  }
0x58: {  	_ =	shalt  }
0x59: {  	_ =	shalt  }
0x5a: {  	_ =	shalt  }
0x5b: {  	_ =	shalt  }
0x5c: {  	_ =	shalt  }
0x5d: {  	_ =	shalt  }
0x5e: {  	_ =	shalt  }
0x5f: {  	_ =	shalt  }
0x60: {  	_ =	shalt  }
0x61: {  	_ =	shalt  }
0x62: {  	_ =	shalt  }
0x63: {  	_ =	shalt  }
0x64: {  	_ =	shalt  }
0x65: {  	_ =	shalt  }
0x66: {  	_ =	shalt  }
0x67: {  	_ =	shalt  }
0x68: {  	_ =	shalt  }
0x69: {  	_ =	shalt  }
0x6a: {  	_ =	shalt  }
0x6b: {  	_ =	shalt  }
0x6c: {  	_ =	shalt  }
0x6d: {  	_ =	shalt  }
0x6e: {  	_ =	shalt  }
0x6f: {  	_ =	shalt  }
0x70: {  	_ =	shalt  }
0x71: {  	_ =	shalt  }
0x72: {  	_ =	shalt  }
0x73: {  	_ =	shalt  }
0x74: {  	_ =	shalt  }
0x75: {  	_ =	shalt  }
0x76: {  	_ =	shalt  }
0x77: {  	_ =	shalt  }
0x78: {  	_ =	shalt  }
0x79: {  	_ =	shalt  }
0x7a: {  	_ =	shalt  }
0x7b: {  	_ =	shalt  }
0x7c: {  	_ =	shalt  }
0x7d: {  	_ =	shalt  }
0x7e: {  	_ =	shalt  }
0x7f: {  	_ =	shalt  }
0x80: {  	_ =	shalt  }
0x81: {  	_ =	shalt  }
0x82: {  	_ =	shalt  }
0x83: {  	_ =	shalt  }
0x84: {  	_ =	shalt  }
0x85: {  	_ =	shalt  }
0x86: {  	_ =	shalt  }
0x87: {  	_ =	shalt  }
.Lfunc_end0:
.L_simem_size_0:
called_computation.1_lowered:
.L_overlay_start_0:
0x88: {  	s2 =	sld [smem:$0x3FD9]  }
0x89: {  	s3 =	sld [smem:$0x3FFE];
	_ =	sdelay $0x1  }
0x8a: {  	s1 =	srdreg.scid  }
0x8b: {  	s0 =	sand.u32 $0x1, s1  }
0x8c: {  	s17 =	sshll.u32 s0, $0xA;
	s2 =	sadd.s32 s3, s2  }
0x8d: {  	s2 =	sadd.s32 s2, s17  }
0x8e: {  	[smem:$0x3FC0] =	sst s2  }
0x8f: {  	_ = 	snop  }
0x90: {  	s2 =	sld [smem:$0x3FD0];
	(tm) =	ssettm $0x1  }
0x91: {  	s18 =	sld [smem:$0x3FFB];
	_ =	sdelay $0x3  }
0x92: {  	_ =	strace s18  }
0x93: {  	s3 =	sld [smem:$0x3FFC];
	_ =	sdelay $0x3  }
0x94: {  	_ =	strace s3  }
0x95: {  	s3 =	sld [smem:$0x3FFD];
	_ =	sdelay $0x3  }
0x96: {  	_ =	strace s3  }
0x97: {  	_ =	strace $0x8FFFFFFF  }
0x98: {  	s19 =	sld [smem:$0x3FDB];
	_ =	sdelay $0x1  }
0x99: {  	s4 =	simm.s32 $_scs_section_size  }
0x9a: {  	s5 =	simm.s32 $_size__tile_overlayer_lowered;
	s6 =	simm.s32 $_tile_overlayer_lowered  }
0x9b: {  	s22 =	simm.s32 $0x1BFF;
	s21 =	sshll.u32 s6, $0x1;
	s3 =	sadd.s32 s4, s19  }
0x9c: {  	s7 =	simm.s32 $0x0;
	s20 =	sshll.u32 s5, $0x1;
	s5 =	sadd.s32 s21, s3  }
0x9d: {  	[timem:s7], [sflag:s22] =	dma.local [hbm:s5], s20  }
0x9e: {  	_ =	swait.ge [sflag:s22], s20  }
0x9f: {  	s4 =	ssub.s32 $0x0, s20;
	[sflag:s22] =	ssyncset.done $0x0  }
0xa0: {  	[sflag:s22] =	ssyncadd.s32 s4;
	_ =	sdelay $0x1  }
0xa1: {  	s23 =	simm.s32 $0x1B8B  }
0xa2: {  	_ =	swait.ge [sflag:s23], $0x1  }
0xa3: {  	[sflag:s23] =	ssyncset.done $0x0  }
0xa4: {  	s25 =	simm.s32 $0x1B8E;
	s24 =	sld [smem:$0x3FFE];
	[sflag:s23] =	ssyncadd.s32 $0xFFFFFFFF  }
0xa5: {  	s26 =	simm.s32 $execute0_lowered;
	[smem:$0x3FD2] =	sst s25  }
0xa6: {  	s5 =	sshll.u32 s26, $0x1;
	_ =	strace $0x80000049;
	[dreg:$0x1] =	wrdreg $0xFFFFFFFF  }
0xa7: {  	s28 =	simm.s32 $_size_execute0_lowered;
	s3 =	sadd.s32 s3, s5;
	[dreg:$0x0] =	wrdreg $0x0  }
0xa8: {  	s5 =	sshll.u32 s28, $0x1;
	[dreg:$0x2] =	wrdreg s3  }
0xa9: {  	[dreg:$0x3] =	wrdreg s5  }
0xaa: {  	[dreg:$0x4] =	wrdreg $0xC0  }
0xab: {  	_ =	task [dreg:s7], $0x5FFFF  }
0xac: {  	[dreg:$0x1] =	wrdreg $0xFFFFFFFF  }
0xad: {  	[dreg:$0x0] =	wrdreg $0x60  }
0xae: {  	[dreg:$0x2] =	wrdreg s24  }
0xaf: {  	[dreg:$0x3] =	wrdreg s2  }
0xb0: {  	[dreg:$0x4] =	wrdreg $0x0  }
0xb1: {  	[dreg:$0x5] =	wrdreg $0x9  }
0xb2: {  	_ =	task.clear_ibuf [dreg:s7], $0x6FFFF;
	_ =	strace $0x90000049  }
0xb3: {  	s29 =	simm.s32 $0x9;
	_ =	strace $0x8000004B  }
0xb4: {  	_ =	swait.ge [sflag:s29], $0x1  }
0xb5: {  	[sflag:s29] =	ssyncadd.s32 $0xFFFFFFFF  }
0xb6: {  	_ =	strace $0x9000004B  }
0xb7: {  	_ =	sfence  }
0xb8: {  	s30 =	sld [smem:$0x0];
	_ =	sdelay $0x2  }
0xb9: {  	s31 =	sshll.u32 s1, $0xD;
	s1 =	sshrl.u32 s1, $0x2  }
0xba: {  	s3 =	sand.u32 $0x4000, s31;
	s1 =	sadd.s32 s1, s30  }
0xbb: {  	s0 =	sor.u32 s3, s0;
	s1 =	sshll.u32 s1, $0x11  }
0xbc: {  	s0 =	sor.u32 s1, s0  }
0xbd: {  	s0 =	sadd.s32 $0x8F2B, s0  }
0xbe: {  	[sflag:s0] =	ssyncadd.remote.s32 $0x1  }
0xbf: {  	_ =	sfence.sel $0xFFFF  }
0xc0: {  	[dreg:$0x0] =	wrdreg $0xFFFFFFFF;
	(pc) =	sbr.abs _section_cstart, $3  }
0xc1: {  	[dreg:$0x1] =	wrdreg $0xFFFFFFFF  }
0xc2: {  	_ =	task.clear_ibuf [dreg:s7], $0x2FFFF;
	_ =	strace $0x9FFFFFFF  }
0xc3: {  	(tm) =	ssettm $0x7FFFFFFF  }
tec
execute0_lowered:
.L_overlay_start_1:
0x0: {  	(tag) =	ssettag $0x1  }
0x1: {  	s7 =	rddreg [dreg:$0x0]  }
0x2: {  	s8 =	rddreg [dreg:$0x1]  }
0x3: {  	s1 =	rddreg [dreg:$0x2]  }
0x4: {  	s0 =	rddreg [dreg:$0x3];
	s3 =	simm.s32 $0x0;
	s2 =	stileid.u32  }
0x5: {  	s6 =	srdreg.scid;
	s17 =	simm.s32 $0x14000;
	s18 =	simm.s32 $0x2  }
0x6: {  	s19 =	simm.s32 $0x16800;
	s20 =	simm.s32 $0x19000;
	s21 =	simm.s32 $0x80  }
0x7: {  	s22 =	simm.s32 $0x1;
	s23 =	simm.s32 $0x0;
	[smem:$0x7FF] =	sst s3  }
0x8: {  	s4 =	sadd.s32 $0x56C00, s7;
	s9 =	smul.u32 $0x500, s2;
	s5 =	sadd.s32 $0x7EC00, s7  }
0x9: {  	s11 =	sand.u32 $0x1, s6;
	s10 =	smul.u32 $0x50000, s2;
	s6 =	sadd.s32 $0xA6C00, s7  }
0xa: {  	s15 =	smul.u32 $0x2800, s2;
	_ =	strace $0x8000004A;
	s13 =	ssub.s32 $0x2, s11  }
.Ltmp0:
0xb: {  	p0 =	seq.s32 s11, $0x1;
	s12 =	sadd.s32 s9, s7;
	(pc) =	sbr.rel .LBB2_1-.Ltmp0, $4  }
0xc: {  	s7 =	sadd.s32 $0xCEC00, s7;
	s14 =	sshrl.u32 s13, $0x1;
	s10 =	sshrl.u32 s10, $0x2  }
0xd: {  	s8 =	sadd.s32 s8, s9;
	s16 =	ssub.s32 s13, s14;
	s9 =	sadd.s32 s10, s1  }
0xe: {  	s10 =	sadd.s32 $0x51C00, s12;
	s11 =	sadd.s32 $0x4000, s9;
	s12 =	sadd.s32 $0x8000, s9  }
0xf: {  	v0 =	vimm.f32 $0.0e+00;
	s13 =	sadd.s32 $0xC000, s9;
	s14 =	sadd.s32 $0x10000, s9;
	s16 =	smax.u32 s16, $0x1  }
.LBB2_9:
0x10: {  	s25 =	sadd.s32 $0x14000, s24;
	[sflag:s18] =	ssyncadd.s32 $0xFFFFC000  }
0x11: {  	[tilespmem:s20], [sflag:$0x1] =	stream.indirect.gather [hbm4b:s5+s21], $0x80, s25, s21, $0xb8;
	[tilespmem:$0x1D000] =	vst v63  }
0x12: {  	_ =	swait.ge [sflag:s22], $0x4000  }
0x13: {  	[sflag:s22] =	ssyncset.done $0x0  }
0x14: {  	s31 =	sadd.s32 $0x16800, s24;
	[sflag:s22] =	ssyncadd.s32 $0xFFFFC000  }
0x15: {  	[spmem:s1] =	stream.indirect.scatter.add.f32 [tilespmem:s20], [sflag:$0x2], $0x80, s31, s21, $0xb8;
	[tilespmem:$0x1D000] =	vst v63  }
0x16: {  	_ =	swait.ge [sflag:s18], $0x4000  }
0x17: {  	[sflag:s18] =	ssyncset.done $0x0  }
0x18: {  	s24 =	smov.u32 s7;
	[sflag:s18] =	ssyncadd.s32 $0xFFFFC000  }
.LBB2_10:
0x19: {  	s24 =	sadd.s32 s24, s15  }
0x1a: {  	s25 =	sshll.u32 s2, $0x6;
	[bflag:$0x0] =	sbarrier.arrive $0xFFFF;
	s23 =	sadd.s32 $0x1, s23  }
0x1b: {  	s26 =	sshrl.u32 s9, $0x3;
	s25 =	sor.u32 $0x1C02, s25;
	p1 =	sne.s32 s23, s16  }
0x1c: {  	[hbm:s24], [sflag:s25] =	dma.local [spmem:s26], $0x2800  }
.Ltmp1:
0x1d: {  	_ =	swait.ge [sflag:s18], $0x2800;
	(pc) =	sbr.rel @!p1 .LBB2_11-.Ltmp1, $3  }
0x1e: {  	[sflag:s18] =	ssyncset.done $0x0  }
0x1f: {  	[sflag:s18] =	ssyncadd.s32 $0xFFFFD800  }
0x20: {  	[bflag:$0x0] =	sbarrier.arrive $0xFFFF;
	_ =	sdelay $0x1  }
.LBB2_1:
0x21: {  	[tilespmem:s17], [sflag:$0x2] =	stream.linear.gather [hbm4b:s8+s3], $0x2800, $0x38;
	[tilespmem:$0x1D000] =	vst v63  }
0x22: {  	_ =	swait.ge [sflag:s18], $0x2800  }
0x23: {  	[sflag:s18] =	ssyncset.done $0x0  }
.Ltmp2:
0x24: {  	[sflag:s18] =	ssyncadd.s32 $0xFFFFD800;
	(pc) =	sbr.rel @!p0 .LBB2_2-.Ltmp2, $4  }
0x25: {  	[tilespmem:s19], [sflag:$0x2] =	stream.linear.gather [hbm4b:s10+s3], $0x2800, $0x38;
	[tilespmem:$0x1D000] =	vst v63  }
0x26: {  	s24 =	sand.u32 $0xFE00, s3;
	s25 =	sand.u32 $0x70, s3;
	_ =	swait.ge [sflag:s18], $0x2800  }
0x27: {  	s26 =	sshrl.u32 s24, $0x2;
	s24 =	simm.s32 $0x40;
	[sflag:s18] =	ssyncset.done $0x0  }
0x28: {  	s26 =	sor.u32 s25, s26;
	s25 =	simm.s32 $0x0;
	[sflag:s18] =	ssyncadd.s32 $0xFFFFD800  }
.LBB2_6:
0x29: {  	p1 =	sne.s32 s24, $0xFFC0  }
0x2a: {  	[tilespmem:s26+$0x19000] =	vst v0;
	s25 =	sadd.s32 $0x10, s25;
	s26 =	smov.u32 s24;
	s24 =	sadd.s32 $0x40, s24  }
.Ltmp3:
0x2b: {  	(pc) =	sbr.rel @p1 .LBB2_6-.Ltmp3, $4  }
0x2c: {  	_ = 	snop  }
0x2d: {  	s26 =	sand.u32 $0xFE00, s26  }
0x2e: {  	s28 =	sand.u32 $0x70, s25;
	s26 =	sshrl.u32 s26, $0x2  }
0x2f: {  	s26 =	sor.u32 s28, s26  }
0x30: {  	[tilespmem:s26+$0x19000] =	vst v0  }
0x31: {  	[spmem:s9] =	stream.linear.scatter [tilespmem:s20], [sflag:$0x2], $0x4000, $0x38;
	[tilespmem:$0x1D000] =	vst v63  }
0x32: {  	_ =	swait.ge [sflag:s18], $0x4000  }
0x33: {  	[sflag:s18] =	ssyncset.done $0x0  }
0x34: {  	[sflag:s18] =	ssyncadd.s32 $0xFFFFC000  }
0x35: {  	[spmem:s11] =	stream.linear.scatter [tilespmem:s20], [sflag:$0x2], $0x4000, $0x38;
	[tilespmem:$0x1D000] =	vst v63  }
0x36: {  	_ =	swait.ge [sflag:s18], $0x4000  }
0x37: {  	[sflag:s18] =	ssyncset.done $0x0  }
0x38: {  	[sflag:s18] =	ssyncadd.s32 $0xFFFFC000  }
0x39: {  	[spmem:s12] =	stream.linear.scatter [tilespmem:s20], [sflag:$0x2], $0x4000, $0x38;
	[tilespmem:$0x1D000] =	vst v63  }
0x3a: {  	_ =	swait.ge [sflag:s18], $0x4000  }
0x3b: {  	[sflag:s18] =	ssyncset.done $0x0  }
0x3c: {  	[sflag:s18] =	ssyncadd.s32 $0xFFFFC000  }
0x3d: {  	[spmem:s13] =	stream.linear.scatter [tilespmem:s20], [sflag:$0x2], $0x4000, $0x38;
	[tilespmem:$0x1D000] =	vst v63  }
0x3e: {  	_ =	swait.ge [sflag:s18], $0x4000  }
0x3f: {  	[sflag:s18] =	ssyncset.done $0x0  }
0x40: {  	[sflag:s18] =	ssyncadd.s32 $0xFFFFC000  }
0x41: {  	[spmem:s14] =	stream.linear.scatter [tilespmem:s20], [sflag:$0x2], $0x4000, $0x38;
	[tilespmem:$0x1D000] =	vst v63  }
0x42: {  	_ =	swait.ge [sflag:s18], $0x4000  }
0x43: {  	[sflag:s18] =	ssyncset.done $0x0  }
0x44: {  	[sflag:s18] =	ssyncadd.s32 $0xFFFFC000  }
0x45: {  	s24 =	simm.s32 $0x14000;
	[bflag:$0x0] =	sbarrier.arrive $0xFFFF  }
0x46: {  	[tilespmem:s20], [sflag:$0x1] =	stream.indirect.gather [hbm4b:s5+s21], $0x80, s24, s21, $0xb8;
	[tilespmem:$0x1D000] =	vst v63  }
0x47: {  	_ =	swait.ge [sflag:s22], $0x4000  }
0x48: {  	[sflag:s22] =	ssyncset.done $0x0  }
0x49: {  	s31 =	simm.s32 $0x16800;
	[sflag:s22] =	ssyncadd.s32 $0xFFFFC000  }
0x4a: {  	[spmem:s1] =	stream.indirect.scatter.add.f32 [tilespmem:s20], [sflag:$0x2], $0x80, s31, s21, $0xb8;
	[tilespmem:$0x1D000] =	vst v63  }
0x4b: {  	_ =	swait.ge [sflag:s18], $0x4000  }
0x4c: {  	s25 =	simm.s32 $0x400;
	s24 =	simm.s32 $0x80;
	[sflag:s18] =	ssyncset.done $0x0  }
.LBB2_8:
0x4d: {  	s26 =	sadd.s32 $0x14000, s24  }
0x4e: {  	[sflag:s18] =	ssyncadd.s32 $0xFFFFC000;
	s28 =	smov.u32 s25;
	s29 =	sadd.s32 $0x200, s25  }
0x4f: {  	[tilespmem:s20], [sflag:$0x1] =	stream.indirect.gather [hbm4b:s5+s21], $0x80, s26, s21, $0xb8;
	[tilespmem:$0x1D000] =	vst v63  }
0x50: {  	p1 =	sne.s32 s25, $0x9E00;
	_ =	swait.ge [sflag:s22], $0x4000  }
.Ltmp4:
0x51: {  	[sflag:s22] =	ssyncset.done $0x0;
	(pc) =	sbr.rel @p1 .LBB2_8-.Ltmp4, $4  }
0x52: {  	s24 =	sadd.s32 $0x16800, s24;
	[sflag:s22] =	ssyncadd.s32 $0xFFFFC000  }
0x53: {  	[spmem:s1] =	stream.indirect.scatter.add.f32 [tilespmem:s20], [sflag:$0x2], $0x80, s24, s21, $0xb8;
	[tilespmem:$0x1D000] =	vst v63  }
0x54: {  	_ =	swait.ge [sflag:s18], $0x4000  }
0x55: {  	s25 =	smov.u32 s29;
	s24 =	sshra.s32 s28, $0x2;
	[sflag:s18] =	ssyncset.done $0x0  }
.Ltmp5:
0x56: {  	_ = 	snop;
	(pc) =	sbr.rel .LBB2_9-.Ltmp5, $1  }
0x57: {  	_ =	sdelay $0x3  }
.LBB2_2:
0x58: {  	p1 =	sne.s32 s24, $0xFFC0  }
0x59: {  	[tilespmem:s26+$0x19000] =	vst v0;
	s25 =	sadd.s32 $0x10, s25;
	s26 =	smov.u32 s24;
	s24 =	sadd.s32 $0x40, s24  }
.Ltmp6:
0x5a: {  	(pc) =	sbr.rel @p1 .LBB2_2-.Ltmp6, $4  }
0x5b: {  	_ = 	snop  }
0x5c: {  	s26 =	sand.u32 $0xFE00, s26  }
0x5d: {  	s28 =	sand.u32 $0x70, s25;
	s26 =	sshrl.u32 s26, $0x2  }
0x5e: {  	s26 =	sor.u32 s28, s26  }
0x5f: {  	[tilespmem:s26+$0x19000] =	vst v0  }
0x60: {  	[spmem:s9] =	stream.linear.scatter [tilespmem:s20], [sflag:$0x2], $0x4000, $0x38;
	[tilespmem:$0x1D000] =	vst v63  }
0x61: {  	_ =	swait.ge [sflag:s18], $0x4000  }
0x62: {  	[sflag:s18] =	ssyncset.done $0x0  }
0x63: {  	[sflag:s18] =	ssyncadd.s32 $0xFFFFC000  }
0x64: {  	[spmem:s11] =	stream.linear.scatter [tilespmem:s20], [sflag:$0x2], $0x4000, $0x38;
	[tilespmem:$0x1D000] =	vst v63  }
0x65: {  	_ =	swait.ge [sflag:s18], $0x4000  }
0x66: {  	[sflag:s18] =	ssyncset.done $0x0  }
0x67: {  	[sflag:s18] =	ssyncadd.s32 $0xFFFFC000  }
0x68: {  	[spmem:s12] =	stream.linear.scatter [tilespmem:s20], [sflag:$0x2], $0x4000, $0x38;
	[tilespmem:$0x1D000] =	vst v63  }
0x69: {  	_ =	swait.ge [sflag:s18], $0x4000  }
0x6a: {  	[sflag:s18] =	ssyncset.done $0x0  }
0x6b: {  	[sflag:s18] =	ssyncadd.s32 $0xFFFFC000  }
0x6c: {  	[spmem:s13] =	stream.linear.scatter [tilespmem:s20], [sflag:$0x2], $0x4000, $0x38;
	[tilespmem:$0x1D000] =	vst v63  }
0x6d: {  	_ =	swait.ge [sflag:s18], $0x4000  }
0x6e: {  	[sflag:s18] =	ssyncset.done $0x0  }
0x6f: {  	[sflag:s18] =	ssyncadd.s32 $0xFFFFC000  }
0x70: {  	[spmem:s14] =	stream.linear.scatter [tilespmem:s20], [sflag:$0x2], $0x4000, $0x38;
	[tilespmem:$0x1D000] =	vst v63  }
0x71: {  	_ =	swait.ge [sflag:s18], $0x4000  }
0x72: {  	[sflag:s18] =	ssyncset.done $0x0  }
0x73: {  	[sflag:s18] =	ssyncadd.s32 $0xFFFFC000  }
0x74: {  	s24 =	simm.s32 $0x14000;
	[bflag:$0x0] =	sbarrier.arrive $0xFFFF  }
0x75: {  	[tilespmem:s20], [sflag:$0x1] =	stream.indirect.gather [hbm4b:s4+s21], $0x80, s24, s21, $0xb8;
	[tilespmem:$0x1D000] =	vst v63  }
0x76: {  	_ =	swait.ge [sflag:s22], $0x4000  }
0x77: {  	[sflag:s22] =	ssyncset.done $0x0  }
0x78: {  	s31 =	simm.s32 $0x16800;
	[sflag:s22] =	ssyncadd.s32 $0xFFFFC000  }
0x79: {  	[spmem:s1] =	stream.indirect.scatter.add.f32 [tilespmem:s20], [sflag:$0x2], $0x80, s31, s21, $0xb8;
	[tilespmem:$0x1D000] =	vst v63  }
0x7a: {  	_ =	swait.ge [sflag:s18], $0x4000  }
0x7b: {  	s25 =	simm.s32 $0x400;
	s24 =	simm.s32 $0x80;
	[sflag:s18] =	ssyncset.done $0x0  }
.LBB2_4:
0x7c: {  	s26 =	sadd.s32 $0x14000, s24  }
0x7d: {  	[sflag:s18] =	ssyncadd.s32 $0xFFFFC000;
	s28 =	smov.u32 s25;
	s29 =	sadd.s32 $0x200, s25  }
0x7e: {  	[tilespmem:s20], [sflag:$0x1] =	stream.indirect.gather [hbm4b:s4+s21], $0x80, s26, s21, $0xb8;
	[tilespmem:$0x1D000] =	vst v63  }
0x7f: {  	p1 =	seq.s32 s25, $0x9E00;
	_ =	swait.ge [sflag:s22], $0x4000  }
.Ltmp7:
0x80: {  	[sflag:s22] =	ssyncset.done $0x0;
	(pc) =	sbr.rel @!p1 .LBB2_4-.Ltmp7, $4  }
0x81: {  	s24 =	sadd.s32 $0x16800, s24;
	[sflag:s22] =	ssyncadd.s32 $0xFFFFC000  }
0x82: {  	[spmem:s1] =	stream.indirect.scatter.add.f32 [tilespmem:s20], [sflag:$0x2], $0x80, s24, s21, $0xb8;
	[tilespmem:$0x1D000] =	vst v63  }
0x83: {  	_ =	swait.ge [sflag:s18], $0x4000  }
0x84: {  	s25 =	smov.u32 s29;
	s24 =	sshra.s32 s28, $0x2;
	[sflag:s18] =	ssyncset.done $0x0  }
0x85: {  	s25 =	sadd.s32 $0x14000, s24;
	[sflag:s18] =	ssyncadd.s32 $0xFFFFC000  }
0x86: {  	[tilespmem:s20], [sflag:$0x1] =	stream.indirect.gather [hbm4b:s4+s21], $0x80, s25, s21, $0xb8;
	[tilespmem:$0x1D000] =	vst v63  }
0x87: {  	_ =	swait.ge [sflag:s22], $0x4000  }
0x88: {  	[sflag:s22] =	ssyncset.done $0x0  }
.Ltmp8:
0x89: {  	s31 =	sadd.s32 $0x16800, s24;
	[sflag:s22] =	ssyncadd.s32 $0xFFFFC000;
	(pc) =	sbr.rel .LBB2_10-.Ltmp8, $4  }
0x8a: {  	[spmem:s1] =	stream.indirect.scatter.add.f32 [tilespmem:s20], [sflag:$0x2], $0x80, s31, s21, $0xb8;
	[tilespmem:$0x1D000] =	vst v63  }
0x8b: {  	_ =	swait.ge [sflag:s18], $0x4000  }
0x8c: {  	[sflag:s18] =	ssyncset.done $0x0  }
0x8d: {  	s24 =	smov.u32 s6;
	[sflag:s18] =	ssyncadd.s32 $0xFFFFC000  }
.LBB2_11:
0x8e: {  	_ =	sfence.sel $0x180000  }
0x8f: {  	[bflag:$0x0] =	sbarrier.arrive $0xFFFF  }
0x90: {  	p0 =	sne.s32 s2, $0x0;
	_ =	strace $0x9000004A  }
0x91: {  	s0 =	sadd.s32 @!p0 $0x100000, s0;
	[bflag:$0x2] =	sbarrier.arrive $0xFFFF  }
0x92: {  	[sflag:s0] =	ssyncadd.tile.s32 @!p0 $0x1;
	_ =	shalt  }
.Lfunc_end2:
_tile_overlayer_lowered:
.L_overlay_start_2:
0x93: {  	(tag) =	ssettag $0x2  }
0x94: {  	s0 =	rddreg [dreg:$0x0];
	s2 =	stileid.u32  }
0x95: {  	s1 =	rddreg [dreg:$0x1];
	p0 =	sne.s32 s2, $0x0  }
0x96: {  	s3 =	rddreg [dreg:$0x2];
	[bflag:$0x3] =	sbarrier.arrive $0xFFFF;
	s2 =	simm.s32 @!p0 $0x1C02  }
0x97: {  	[timem:s3], [sflag:s2] =	dma.local @!p0 [hbm:s0], s1  }
0x98: {  	s0 =	simm.s32 @!p0 $0x2  }
0x99: {  	_ =	swait.ge @!p0 [sflag:s0], s1  }
0x9a: {  	s1 =	ssub.s32 @!p0 $0x0, s1;
	[sflag:s0] =	ssyncset.done @!p0 $0x0  }
0x9b: {  	[sflag:s0] =	ssyncadd.s32 @!p0 s1  }
0x9c: {  	[bflag:$0x3] =	sbarrier.arrive $0xFFFF  }
0x9d: {  	_ =	shalt  }

// kernel: kernel.14.cloned.1.call-start
scs
__scs_entry_jumppad:
0x0: {  	(pc) =	sbr.rel $0x88, $3  }
0x1: {  	(tag) =	ssettag $0x0;
	lr =	simm.s32 $0x1  }
0x2: {  	[smem:$0x3F99] =	sst lr;
	_ =	strace $0xD0000000  }
0x3: {  	_ = 	snop  }
0x4: {  	_ = 	snop  }
0x5: {  	_ = 	snop  }
0x6: {  	_ = 	snop  }
0x7: {  	_ = 	snop  }
__scs_overlays_trampoline_lowered:
0x8: {  	[smem:$0x3FA8] =	sst s0  }
0x9: {  	[smem:$0x3FA9] =	sst s1  }
0xa: {  	[smem:$0x3FAA] =	sst s2  }
0xb: {  	[smem:$0x3FAB] =	sst s3  }
0xc: {  	[smem:$0x3FAC] =	sst s4  }
0xd: {  	[smem:$0x3FAD] =	sst s5  }
0xe: {  	[smem:$0x3FAE] =	sst s6  }
0xf: {  	[smem:$0x3FAF] =	sst s7  }
0x10: {  	[smem:$0x3FB0] =	sst s8  }
0x11: {  	[smem:$0x3FB1] =	sst s9;
	s0 =	simm.s32 @!p0 $0x0  }
0x12: {  	s1 =	sld [smem:$0x3F97];
	s0 =	simm.s32 @p0 $0x1  }
0x13: {  	[smem:$0x3FB2] =	sst s0;
	s0 =	simm.s32 @!p1 $0x0  }
0x14: {  	s2 =	sld [smem:$0x3F96];
	s0 =	simm.s32 @p1 $0x1  }
0x15: {  	[smem:$0x3FB3] =	sst s0;
	s0 =	simm.s32 @!p2 $0x0  }
0x16: {  	s3 =	sld [smem:$0x3FDB];
	s0 =	simm.s32 @p2 $0x1  }
0x17: {  	s4 =	simm.s32 $0x1BF5;
	[smem:$0x3FB5] =	sst s0  }
0x18: {  	s0 =	sld [smem:$0x3F98];
	_ =	swait.ge [sflag:s4], $0x0  }
0x19: {  	s7 =	sld [smem:$0x3F99]  }
0x1a: {  	s8 =	sadd.s32 $0xFFFFE003, lr  }
0x1b: {  	s9 =	sadd.s32 $0xFFFFFEF7, lr;
	s5 =	simm.s32 $0xFFFFFFFF;
	p2 =	slt.u32 s8, $0xFFFFF086  }
0x1c: {  	p1 =	slt.u32 s9, $0xF7A;
	s5 =	simm.s32 @!p2 $0x0  }
0x1d: {  	s5 =	simm.s32 @p1 $0x1;
	p0 =	seq.s32 s7, s2  }
0x1e: {  	s7 =	smul.u32 @!p0 $0xF7A, s2;
	p2 =	seq.s32 @!p0 s5, $0x0  }
0x1f: {  	s9 =	smul.u32 $0xF7A, s1;
	s8 =	simm.s32 @!p0 $0x1BF5;
	p2 =	por !p2, p0  }
0x20: {  	[sflag:s8] =	ssyncset.s32 @!p0 $0xFFFFF086;
	s6 =	sadd.s32 @!p0 s3, s7;
	s7 =	simm.s32 @!p0 $0x108  }
0x21: {  	s3 =	sadd.s32 s3, s9;
	s6 =	sadd.s32 @!p0 $0x88, s6;
	s7 =	simm.s32 @p2 $0x1082  }
0x22: {  	[simem:s7], [sflag:s8] =	dma.local @!p0 [hbm:s6], $0xF7A  }
0x23: {  	s9 =	sor.u32 $0xD0000000, s2;
	s6 =	simm.s32 $0x108;
	_ =	swait.ge @!p0 [sflag:s8], $0x0  }
0x24: {  	s3 =	sadd.s32 $0x88, s3;
	s6 =	simm.s32 @!p1 $0x1082;
	[sflag:s4] =	ssyncset.s32 $0xFFFFF086  }
0x25: {  	[simem:s6], [sflag:s4] =	dma.local [hbm:s3], $0xF7A  }
0x26: {  	[smem:$0x3F99] =	sst s1;
	(tag) =	ssettag s2;
	_ =	strace s9  }
0x27: {  	s1 =	sld [smem:$0x3FA9]  }
0x28: {  	s2 =	sld [smem:$0x3FAA]  }
0x29: {  	s4 =	sld [smem:$0x3FAC]  }
0x2a: {  	p0 =	seq.s32 s5, $0x0;
	s5 =	sld [smem:$0x3FAD]  }
0x2b: {  	s6 =	sld [smem:$0x3FAE]  }
0x2c: {  	s7 =	sld [smem:$0x3FAF]  }
0x2d: {  	s3 =	simm.s32 $0x108;
	s8 =	sld [smem:$0x3FB0]  }
0x2e: {  	s3 =	simm.s32 @!p0 $0x1082;
	s9 =	sld [smem:$0x3FB1]  }
0x2f: {  	lr =	sadd.s32 s0, s3;
	s0 =	sld [smem:$0x3FA8]  }
0x30: {  	s3 =	sld [smem:$0x3FAB]  }
0x31: {  	[smem:$0x3FB4] =	sst s10  }
0x32: {  	s10 =	sld [smem:$0x3FB2];
	_ =	sdelay $0x3  }
0x33: {  	p0 =	seq.s32 s10, $0x1;
	s10 =	sld [smem:$0x3FB4];
	_ =	sdelay $0x3  }
0x34: {  	[smem:$0x3FB4] =	sst s10  }
0x35: {  	s10 =	sld [smem:$0x3FB3];
	_ =	sdelay $0x3  }
0x36: {  	p1 =	seq.s32 s10, $0x1;
	s10 =	sld [smem:$0x3FB4];
	_ =	sdelay $0x3  }
0x37: {  	[smem:$0x3FB4] =	sst s10  }
0x38: {  	s10 =	sld [smem:$0x3FB5]  }
0x39: {  	_ = 	snop;
	(pc) =	sbr.ind lr, $3  }
0x3a: {  	_ = 	snop  }
0x3b: {  	_ = 	snop  }
0x3c: {  	p2 =	seq.s32 s10, $0x1;
	s10 =	sld [smem:$0x3FB4]  }
0x3d: {  	_ =	shalt  }
0x3e: {  	_ =	shalt  }
0x3f: {  	_ =	shalt  }
0x40: {  	_ =	shalt  }
0x41: {  	_ =	shalt  }
0x42: {  	_ =	shalt  }
0x43: {  	_ =	shalt  }
0x44: {  	_ =	shalt  }
0x45: {  	_ =	shalt  }
0x46: {  	_ =	shalt  }
0x47: {  	_ =	shalt  }
0x48: {  	_ =	shalt  }
0x49: {  	_ =	shalt  }
0x4a: {  	_ =	shalt  }
0x4b: {  	_ =	shalt  }
0x4c: {  	_ =	shalt  }
0x4d: {  	_ =	shalt  }
0x4e: {  	_ =	shalt  }
0x4f: {  	_ =	shalt  }
0x50: {  	_ =	shalt  }
0x51: {  	_ =	shalt  }
0x52: {  	_ =	shalt  }
0x53: {  	_ =	shalt  }
0x54: {  	_ =	shalt  }
0x55: {  	_ =	shalt  }
0x56: {  	_ =	shalt  }
0x57: {  	_ =	shalt  }
0x58: {  	_ =	shalt  }
0x59: {  	_ =	shalt  }
0x5a: {  	_ =	shalt  }
0x5b: {  	_ =	shalt  }
0x5c: {  	_ =	shalt  }
0x5d: {  	_ =	shalt  }
0x5e: {  	_ =	shalt  }
0x5f: {  	_ =	shalt  }
0x60: {  	_ =	shalt  }
0x61: {  	_ =	shalt  }
0x62: {  	_ =	shalt  }
0x63: {  	_ =	shalt  }
0x64: {  	_ =	shalt  }
0x65: {  	_ =	shalt  }
0x66: {  	_ =	shalt  }
0x67: {  	_ =	shalt  }
0x68: {  	_ =	shalt  }
0x69: {  	_ =	shalt  }
0x6a: {  	_ =	shalt  }
0x6b: {  	_ =	shalt  }
0x6c: {  	_ =	shalt  }
0x6d: {  	_ =	shalt  }
0x6e: {  	_ =	shalt  }
0x6f: {  	_ =	shalt  }
0x70: {  	_ =	shalt  }
0x71: {  	_ =	shalt  }
0x72: {  	_ =	shalt  }
0x73: {  	_ =	shalt  }
0x74: {  	_ =	shalt  }
0x75: {  	_ =	shalt  }
0x76: {  	_ =	shalt  }
0x77: {  	_ =	shalt  }
0x78: {  	_ =	shalt  }
0x79: {  	_ =	shalt  }
0x7a: {  	_ =	shalt  }
0x7b: {  	_ =	shalt  }
0x7c: {  	_ =	shalt  }
0x7d: {  	_ =	shalt  }
0x7e: {  	_ =	shalt  }
0x7f: {  	_ =	shalt  }
0x80: {  	_ =	shalt  }
0x81: {  	_ =	shalt  }
0x82: {  	_ =	shalt  }
0x83: {  	_ =	shalt  }
0x84: {  	_ =	shalt  }
0x85: {  	_ =	shalt  }
0x86: {  	_ =	shalt  }
0x87: {  	_ =	shalt  }
.Lfunc_end0:
.L_simem_size_0:
called_computation.2_lowered:
.L_overlay_start_0:
0x88: {  	s2 =	sld [smem:$0x3FD9]  }
0x89: {  	s3 =	sld [smem:$0x3FFE];
	_ =	sdelay $0x1  }
0x8a: {  	s1 =	srdreg.scid  }
0x8b: {  	s0 =	sand.u32 $0x1, s1  }
0x8c: {  	s17 =	sshll.u32 s0, $0xA;
	s2 =	sadd.s32 s3, s2  }
0x8d: {  	s2 =	sadd.s32 s2, s17  }
0x8e: {  	[smem:$0x3FC0] =	sst s2  }
0x8f: {  	_ = 	snop  }
0x90: {  	s2 =	sld [smem:$0x3FD0];
	(tm) =	ssettm $0x1  }
0x91: {  	s18 =	sld [smem:$0x3FFB];
	_ =	sdelay $0x3  }
0x92: {  	_ =	strace s18  }
0x93: {  	s3 =	sld [smem:$0x3FFC];
	_ =	sdelay $0x3  }
0x94: {  	_ =	strace s3  }
0x95: {  	s3 =	sld [smem:$0x3FFD];
	_ =	sdelay $0x3  }
0x96: {  	_ =	strace s3  }
0x97: {  	_ =	strace $0x8FFFFFFF  }
0x98: {  	s19 =	sld [smem:$0x3FDB];
	_ =	sdelay $0x1  }
0x99: {  	s4 =	simm.s32 $_scs_section_size  }
0x9a: {  	s5 =	simm.s32 $_size__tile_overlayer_lowered;
	s6 =	simm.s32 $_tile_overlayer_lowered  }
0x9b: {  	s22 =	simm.s32 $0x1BFF;
	s21 =	sshll.u32 s6, $0x1;
	s3 =	sadd.s32 s4, s19  }
0x9c: {  	s7 =	simm.s32 $0x0;
	s20 =	sshll.u32 s5, $0x1;
	s5 =	sadd.s32 s21, s3  }
0x9d: {  	[timem:s7], [sflag:s22] =	dma.local [hbm:s5], s20  }
0x9e: {  	_ =	swait.ge [sflag:s22], s20  }
0x9f: {  	s4 =	ssub.s32 $0x0, s20;
	[sflag:s22] =	ssyncset.done $0x0  }
0xa0: {  	[sflag:s22] =	ssyncadd.s32 s4;
	_ =	sdelay $0x1  }
0xa1: {  	s23 =	simm.s32 $0x1B8B  }
0xa2: {  	_ =	swait.ge [sflag:s23], $0x1  }
0xa3: {  	[sflag:s23] =	ssyncset.done $0x0  }
0xa4: {  	s25 =	simm.s32 $0x1B8E;
	s24 =	sld [smem:$0x3FFE];
	[sflag:s23] =	ssyncadd.s32 $0xFFFFFFFF  }
0xa5: {  	s26 =	simm.s32 $execute0_lowered;
	[smem:$0x3FD2] =	sst s25  }
0xa6: {  	s5 =	sshll.u32 s26, $0x1;
	_ =	strace $0x8000004C;
	[dreg:$0x1] =	wrdreg $0xFFFFFFFF  }
0xa7: {  	s28 =	simm.s32 $_size_execute0_lowered;
	s3 =	sadd.s32 s3, s5;
	[dreg:$0x0] =	wrdreg $0x0  }
0xa8: {  	s5 =	sshll.u32 s28, $0x1;
	[dreg:$0x2] =	wrdreg s3  }
0xa9: {  	[dreg:$0x3] =	wrdreg s5  }
0xaa: {  	[dreg:$0x4] =	wrdreg $0xC0  }
0xab: {  	_ =	task [dreg:s7], $0x5FFFF  }
0xac: {  	[dreg:$0x1] =	wrdreg $0xFFFFFFFF  }
0xad: {  	[dreg:$0x0] =	wrdreg $0x60  }
0xae: {  	[dreg:$0x2] =	wrdreg s24  }
0xaf: {  	[dreg:$0x3] =	wrdreg s2  }
0xb0: {  	[dreg:$0x4] =	wrdreg $0x0  }
0xb1: {  	[dreg:$0x5] =	wrdreg $0x9  }
0xb2: {  	_ =	task.clear_ibuf [dreg:s7], $0x6FFFF;
	_ =	strace $0x9000004C  }
0xb3: {  	s29 =	simm.s32 $0x9;
	_ =	strace $0x8000004E  }
0xb4: {  	_ =	swait.ge [sflag:s29], $0x1  }
0xb5: {  	[sflag:s29] =	ssyncadd.s32 $0xFFFFFFFF  }
0xb6: {  	_ =	strace $0x9000004E  }
0xb7: {  	_ =	sfence  }
0xb8: {  	s30 =	sld [smem:$0x0];
	_ =	sdelay $0x2  }
0xb9: {  	s31 =	sshll.u32 s1, $0xD;
	s1 =	sshrl.u32 s1, $0x2  }
0xba: {  	s3 =	sand.u32 $0x4000, s31;
	s1 =	sadd.s32 s1, s30  }
0xbb: {  	s0 =	sor.u32 s3, s0;
	s1 =	sshll.u32 s1, $0x11  }
0xbc: {  	s0 =	sor.u32 s1, s0  }
0xbd: {  	s0 =	sadd.s32 $0x8F2B, s0  }
0xbe: {  	[sflag:s0] =	ssyncadd.remote.s32 $0x1  }
0xbf: {  	_ =	sfence.sel $0xFFFF  }
0xc0: {  	[dreg:$0x0] =	wrdreg $0xFFFFFFFF;
	(pc) =	sbr.abs _section_cstart, $3  }
0xc1: {  	[dreg:$0x1] =	wrdreg $0xFFFFFFFF  }
0xc2: {  	_ =	task.clear_ibuf [dreg:s7], $0x2FFFF;
	_ =	strace $0x9FFFFFFF  }
0xc3: {  	(tm) =	ssettm $0x7FFFFFFF  }
tec
execute0_lowered:
.L_overlay_start_1:
0x0: {  	(tag) =	ssettag $0x1  }
0x1: {  	s0 =	rddreg [dreg:$0x0]  }
0x2: {  	s16 =	rddreg [dreg:$0x1]  }
0x3: {  	s2 =	rddreg [dreg:$0x2];
	s3 =	simm.s32 $0x0;
	s1 =	stileid.u32  }
0x4: {  	s7 =	srdreg.scid;
	s21 =	simm.s32 $0x2;
	s23 =	simm.s32 $0x19000  }
0x5: {  	s24 =	simm.s32 $0x80;
	s25 =	simm.s32 $0x1;
	s26 =	simm.s32 $0x0  }
0x6: {  	[smem:$0x7FF] =	sst s3;
	s4 =	sadd.s32 $0x56C00, s0;
	s17 =	smul.u32 $0x500, s1  }
0x7: {  	s5 =	sadd.s32 $0x7EC00, s0;
	s8 =	smul.u32 $0x2800, s1;
	s6 =	sadd.s32 $0xA6C00, s0  }
0x8: {  	s20 =	sand.u32 $0x1, s7;
	s9 =	smul.u32 $0x50000, s1;
	s7 =	sadd.s32 $0xCEC00, s0  }
0x9: {  	_ =	strace $0x8000004D;
	s11 =	ssub.s32 $0x2, s20;
	p0 =	sne.s32 s20, $0x0  }
0xa: {  	s10 =	sadd.s32 s17, s0;
	s0 =	sadd.s32 s8, s0;
	s31 =	sshrl.u32 s11, $0x1  }
.Ltmp0:
0xb: {  	s9 =	sshrl.u32 s9, $0x2;
	s16 =	sadd.s32 s16, s17;
	(pc) =	sbr.rel .LBB2_1-.Ltmp0, $4  }
0xc: {  	s19 =	ssub.s32 s11, s31;
	s8 =	sadd.s32 $0x51C00, s10;
	s14 =	sadd.s32 $0x146C00, s0  }
0xd: {  	s9 =	sadd.s32 s9, s2;
	s15 =	sadd.s32 $0xF6C00, s0;
	s17 =	sadd.s32 $0x11EC00, s0  }
0xe: {  	s18 =	sadd.s32 $0x16EC00, s0;
	s10 =	sadd.s32 $0x4000, s9;
	s11 =	sadd.s32 $0x8000, s9  }
0xf: {  	v0 =	vimm.f32 $0.0e+00;
	s12 =	sadd.s32 $0xC000, s9;
	s13 =	sadd.s32 $0x10000, s9;
	s19 =	smax.u32 s19, $0x1  }
.LBB2_17:
0x10: {  	s0 =	sadd.s32 $0x14000, s30;
	[sflag:s21] =	ssyncadd.s32 $0xFFFFC000  }
0x11: {  	[tilespmem:s23], [sflag:$0x1] =	stream.indirect.gather [hbm4b:s7+s24], $0x80, s0, s24, $0xb8;
	[tilespmem:$0x1D000] =	vst v63  }
0x12: {  	_ =	swait.ge [sflag:s25], $0x4000  }
0x13: {  	[sflag:s25] =	ssyncset.done $0x0  }
0x14: {  	s31 =	sadd.s32 $0x16800, s30;
	[sflag:s25] =	ssyncadd.s32 $0xFFFFC000  }
0x15: {  	[spmem:s2] =	stream.indirect.scatter.add.f32 [tilespmem:s23], [sflag:$0x2], $0x80, s31, s24, $0xb8;
	[tilespmem:$0x1D000] =	vst v63  }
0x16: {  	_ =	swait.ge [sflag:s21], $0x4000  }
0x17: {  	[sflag:s21] =	ssyncset.done $0x0  }
0x18: {  	[sflag:s21] =	ssyncadd.s32 $0xFFFFC000  }
0x19: {  	[bflag:$0x0] =	sbarrier.arrive $0xFFFF  }
0x1a: {  	[hbm:s18], [sflag:s28] =	dma.local [spmem:s29], $0x2800  }
.LBB2_18:
0x1b: {  	s26 =	sadd.s32 $0x1, s26  }
0x1c: {  	p1 =	sne.s32 s26, s19  }
.Ltmp1:
0x1d: {  	_ =	swait.ge [sflag:s21], $0x2800;
	(pc) =	sbr.rel @!p1 .LBB2_19-.Ltmp1, $3  }
0x1e: {  	[sflag:s21] =	ssyncset.done $0x0  }
0x1f: {  	[sflag:s21] =	ssyncadd.s32 $0xFFFFD800  }
0x20: {  	[bflag:$0x0] =	sbarrier.arrive $0xFFFF;
	_ =	sdelay $0x1  }
.LBB2_1:
0x21: {  	s0 =	simm.s32 $0x14000  }
0x22: {  	[tilespmem:s0], [sflag:$0x2] =	stream.linear.gather [hbm4b:s16+s3], $0x2800, $0x38;
	[tilespmem:$0x1D000] =	vst v63  }
0x23: {  	_ =	swait.ge [sflag:s21], $0x2800  }
0x24: {  	[sflag:s21] =	ssyncset.done $0x0  }
.Ltmp2:
0x25: {  	s22 =	simm.s32 $0x16800;
	[sflag:s21] =	ssyncadd.s32 $0xFFFFD800;
	(pc) =	sbr.rel @p0 .LBB2_10-.Ltmp2, $4  }
0x26: {  	[tilespmem:s22], [sflag:$0x2] =	stream.linear.gather [hbm4b:s8+s3], $0x2800, $0x38;
	[tilespmem:$0x1D000] =	vst v63  }
0x27: {  	s31 =	sand.u32 $0xFE00, s3;
	s29 =	sand.u32 $0x70, s3;
	_ =	swait.ge [sflag:s21], $0x2800  }
0x28: {  	s28 =	simm.s32 $0x40;
	s0 =	sshrl.u32 s31, $0x2;
	[sflag:s21] =	ssyncset.done $0x0  }
0x29: {  	s30 =	sor.u32 s29, s0;
	s29 =	simm.s32 $0x0;
	[sflag:s21] =	ssyncadd.s32 $0xFFFFD800  }
.LBB2_2:
0x2a: {  	p1 =	sne.s32 s28, $0xFFC0  }
0x2b: {  	[tilespmem:s30+$0x19000] =	vst v0;
	s29 =	sadd.s32 $0x10, s29;
	s0 =	smov.u32 s28;
	s28 =	sadd.s32 $0x40, s28  }
.Ltmp3:
0x2c: {  	(pc) =	sbr.rel @p1 .LBB2_2-.Ltmp3, $4  }
0x2d: {  	_ = 	snop  }
0x2e: {  	s0 =	sand.u32 $0xFE00, s0  }
0x2f: {  	s30 =	sand.u32 $0x70, s29;
	s0 =	sshrl.u32 s0, $0x2  }
0x30: {  	s30 =	sor.u32 s30, s0  }
0x31: {  	[tilespmem:s30+$0x19000] =	vst v0  }
0x32: {  	[spmem:s9] =	stream.linear.scatter [tilespmem:s23], [sflag:$0x2], $0x4000, $0x38;
	[tilespmem:$0x1D000] =	vst v63  }
0x33: {  	_ =	swait.ge [sflag:s21], $0x4000  }
0x34: {  	[sflag:s21] =	ssyncset.done $0x0  }
0x35: {  	[sflag:s21] =	ssyncadd.s32 $0xFFFFC000  }
0x36: {  	[spmem:s10] =	stream.linear.scatter [tilespmem:s23], [sflag:$0x2], $0x4000, $0x38;
	[tilespmem:$0x1D000] =	vst v63  }
0x37: {  	_ =	swait.ge [sflag:s21], $0x4000  }
0x38: {  	[sflag:s21] =	ssyncset.done $0x0  }
0x39: {  	[sflag:s21] =	ssyncadd.s32 $0xFFFFC000  }
0x3a: {  	[spmem:s11] =	stream.linear.scatter [tilespmem:s23], [sflag:$0x2], $0x4000, $0x38;
	[tilespmem:$0x1D000] =	vst v63  }
0x3b: {  	_ =	swait.ge [sflag:s21], $0x4000  }
0x3c: {  	[sflag:s21] =	ssyncset.done $0x0  }
0x3d: {  	[sflag:s21] =	ssyncadd.s32 $0xFFFFC000  }
0x3e: {  	[spmem:s12] =	stream.linear.scatter [tilespmem:s23], [sflag:$0x2], $0x4000, $0x38;
	[tilespmem:$0x1D000] =	vst v63  }
0x3f: {  	_ =	swait.ge [sflag:s21], $0x4000  }
0x40: {  	[sflag:s21] =	ssyncset.done $0x0  }
0x41: {  	[sflag:s21] =	ssyncadd.s32 $0xFFFFC000  }
0x42: {  	[spmem:s13] =	stream.linear.scatter [tilespmem:s23], [sflag:$0x2], $0x4000, $0x38;
	[tilespmem:$0x1D000] =	vst v63  }
0x43: {  	_ =	swait.ge [sflag:s21], $0x4000  }
0x44: {  	[sflag:s21] =	ssyncset.done $0x0  }
0x45: {  	[sflag:s21] =	ssyncadd.s32 $0xFFFFC000  }
0x46: {  	s0 =	simm.s32 $0x14000;
	[bflag:$0x0] =	sbarrier.arrive $0xFFFF  }
0x47: {  	[tilespmem:s23], [sflag:$0x1] =	stream.indirect.gather [hbm4b:s4+s24], $0x80, s0, s24, $0xb8;
	[tilespmem:$0x1D000] =	vst v63  }
0x48: {  	_ =	swait.ge [sflag:s25], $0x4000  }
0x49: {  	[sflag:s25] =	ssyncset.done $0x0  }
0x4a: {  	s31 =	simm.s32 $0x16800;
	[sflag:s25] =	ssyncadd.s32 $0xFFFFC000  }
0x4b: {  	[spmem:s2] =	stream.indirect.scatter.add.f32 [tilespmem:s23], [sflag:$0x2], $0x80, s31, s24, $0xb8;
	[tilespmem:$0x1D000] =	vst v63  }
0x4c: {  	_ =	swait.ge [sflag:s21], $0x4000  }
0x4d: {  	s29 =	simm.s32 $0x400;
	s28 =	simm.s32 $0x80;
	[sflag:s21] =	ssyncset.done $0x0  }
.LBB2_4:
0x4e: {  	s0 =	sadd.s32 $0x14000, s28  }
0x4f: {  	[sflag:s21] =	ssyncadd.s32 $0xFFFFC000;
	s30 =	smov.u32 s29;
	s31 =	sadd.s32 $0x200, s29  }
0x50: {  	[tilespmem:s23], [sflag:$0x1] =	stream.indirect.gather [hbm4b:s4+s24], $0x80, s0, s24, $0xb8;
	[tilespmem:$0x1D000] =	vst v63  }
0x51: {  	p1 =	sne.s32 s29, $0x9E00;
	_ =	swait.ge [sflag:s25], $0x4000  }
.Ltmp4:
0x52: {  	[sflag:s25] =	ssyncset.done $0x0;
	(pc) =	sbr.rel @p1 .LBB2_4-.Ltmp4, $4  }
0x53: {  	s0 =	sadd.s32 $0x16800, s28;
	[sflag:s25] =	ssyncadd.s32 $0xFFFFC000  }
0x54: {  	[spmem:s2] =	stream.indirect.scatter.add.f32 [tilespmem:s23], [sflag:$0x2], $0x80, s0, s24, $0xb8;
	[tilespmem:$0x1D000] =	vst v63  }
0x55: {  	_ =	swait.ge [sflag:s21], $0x4000  }
0x56: {  	s28 =	sshra.s32 s30, $0x2;
	s29 =	smov.u32 s31;
	[sflag:s21] =	ssyncset.done $0x0  }
0x57: {  	s0 =	sadd.s32 $0x14000, s28;
	[sflag:s21] =	ssyncadd.s32 $0xFFFFC000  }
0x58: {  	[tilespmem:s23], [sflag:$0x1] =	stream.indirect.gather [hbm4b:s4+s24], $0x80, s0, s24, $0xb8;
	[tilespmem:$0x1D000] =	vst v63  }
0x59: {  	_ =	swait.ge [sflag:s25], $0x4000  }
0x5a: {  	[sflag:s25] =	ssyncset.done $0x0  }
0x5b: {  	s22 =	sadd.s32 $0x16800, s28;
	[sflag:s25] =	ssyncadd.s32 $0xFFFFC000  }
0x5c: {  	[spmem:s2] =	stream.indirect.scatter.add.f32 [tilespmem:s23], [sflag:$0x2], $0x80, s22, s24, $0xb8;
	[tilespmem:$0x1D000] =	vst v63  }
0x5d: {  	_ =	swait.ge [sflag:s21], $0x4000  }
0x5e: {  	[sflag:s21] =	ssyncset.done $0x0  }
0x5f: {  	s20 =	sshll.u32 s1, $0x6;
	[sflag:s21] =	ssyncadd.s32 $0xFFFFC000  }
0x60: {  	s29 =	sshrl.u32 s9, $0x3;
	s28 =	sor.u32 $0x1C02, s20;
	[bflag:$0x0] =	sbarrier.arrive $0xFFFF  }
0x61: {  	[hbm:s15], [sflag:s28] =	dma.local [spmem:s29], $0x2800  }
0x62: {  	s30 =	simm.s32 $0x0;
	_ =	swait.ge [sflag:s21], $0x2800  }
0x63: {  	s22 =	sand.u32 $0xFE00, s30;
	[sflag:s21] =	ssyncset.done $0x0  }
0x64: {  	s20 =	sand.u32 $0x70, s30;
	s0 =	sshrl.u32 s22, $0x2;
	[sflag:s21] =	ssyncadd.s32 $0xFFFFD800  }
0x65: {  	s31 =	simm.s32 $0x40;
	s0 =	sor.u32 s20, s0;
	[bflag:$0x0] =	sbarrier.arrive $0xFFFF  }
.LBB2_6:
0x66: {  	p1 =	sne.s32 s31, $0xFFC0  }
0x67: {  	[tilespmem:s0+$0x19000] =	vst v0;
	s30 =	sadd.s32 $0x10, s30;
	s0 =	smov.u32 s31;
	s31 =	sadd.s32 $0x40, s31  }
.Ltmp5:
0x68: {  	(pc) =	sbr.rel @p1 .LBB2_6-.Ltmp5, $4  }
0x69: {  	_ = 	snop  }
0x6a: {  	s0 =	sand.u32 $0xFE00, s0  }
0x6b: {  	s20 =	sand.u32 $0x70, s30;
	s0 =	sshrl.u32 s0, $0x2  }
0x6c: {  	s0 =	sor.u32 s20, s0  }
0x6d: {  	[tilespmem:s0+$0x19000] =	vst v0  }
0x6e: {  	[spmem:s9] =	stream.linear.scatter [tilespmem:s23], [sflag:$0x2], $0x4000, $0x38;
	[tilespmem:$0x1D000] =	vst v63  }
0x6f: {  	_ =	swait.ge [sflag:s21], $0x4000  }
0x70: {  	[sflag:s21] =	ssyncset.done $0x0  }
0x71: {  	[sflag:s21] =	ssyncadd.s32 $0xFFFFC000  }
0x72: {  	[spmem:s10] =	stream.linear.scatter [tilespmem:s23], [sflag:$0x2], $0x4000, $0x38;
	[tilespmem:$0x1D000] =	vst v63  }
0x73: {  	_ =	swait.ge [sflag:s21], $0x4000  }
0x74: {  	[sflag:s21] =	ssyncset.done $0x0  }
0x75: {  	[sflag:s21] =	ssyncadd.s32 $0xFFFFC000  }
0x76: {  	[spmem:s11] =	stream.linear.scatter [tilespmem:s23], [sflag:$0x2], $0x4000, $0x38;
	[tilespmem:$0x1D000] =	vst v63  }
0x77: {  	_ =	swait.ge [sflag:s21], $0x4000  }
0x78: {  	[sflag:s21] =	ssyncset.done $0x0  }
0x79: {  	[sflag:s21] =	ssyncadd.s32 $0xFFFFC000  }
0x7a: {  	[spmem:s12] =	stream.linear.scatter [tilespmem:s23], [sflag:$0x2], $0x4000, $0x38;
	[tilespmem:$0x1D000] =	vst v63  }
0x7b: {  	_ =	swait.ge [sflag:s21], $0x4000  }
0x7c: {  	[sflag:s21] =	ssyncset.done $0x0  }
0x7d: {  	[sflag:s21] =	ssyncadd.s32 $0xFFFFC000  }
0x7e: {  	[spmem:s13] =	stream.linear.scatter [tilespmem:s23], [sflag:$0x2], $0x4000, $0x38;
	[tilespmem:$0x1D000] =	vst v63  }
0x7f: {  	_ =	swait.ge [sflag:s21], $0x4000  }
0x80: {  	[sflag:s21] =	ssyncset.done $0x0  }
0x81: {  	[sflag:s21] =	ssyncadd.s32 $0xFFFFC000  }
0x82: {  	s20 =	simm.s32 $0x14000;
	[bflag:$0x0] =	sbarrier.arrive $0xFFFF  }
0x83: {  	[tilespmem:s23], [sflag:$0x1] =	stream.indirect.gather [hbm4b:s5+s24], $0x80, s20, s24, $0xb8;
	[tilespmem:$0x1D000] =	vst v63  }
0x84: {  	_ =	swait.ge [sflag:s25], $0x4000  }
0x85: {  	[sflag:s25] =	ssyncset.done $0x0  }
0x86: {  	s22 =	simm.s32 $0x16800;
	[sflag:s25] =	ssyncadd.s32 $0xFFFFC000  }
0x87: {  	[spmem:s2] =	stream.indirect.scatter.add.f32 [tilespmem:s23], [sflag:$0x2], $0x80, s22, s24, $0xb8;
	[tilespmem:$0x1D000] =	vst v63  }
0x88: {  	_ =	swait.ge [sflag:s21], $0x4000  }
0x89: {  	s31 =	simm.s32 $0x400;
	s30 =	simm.s32 $0x80;
	[sflag:s21] =	ssyncset.done $0x0  }
.LBB2_8:
0x8a: {  	s0 =	sadd.s32 $0x14000, s30  }
0x8b: {  	[sflag:s21] =	ssyncadd.s32 $0xFFFFC000;
	s20 =	smov.u32 s31;
	s22 =	sadd.s32 $0x200, s31  }
0x8c: {  	[tilespmem:s23], [sflag:$0x1] =	stream.indirect.gather [hbm4b:s5+s24], $0x80, s0, s24, $0xb8;
	[tilespmem:$0x1D000] =	vst v63  }
0x8d: {  	p1 =	sne.s32 s31, $0x9E00;
	_ =	swait.ge [sflag:s25], $0x4000  }
.Ltmp6:
0x8e: {  	[sflag:s25] =	ssyncset.done $0x0;
	(pc) =	sbr.rel @p1 .LBB2_8-.Ltmp6, $4  }
0x8f: {  	s0 =	sadd.s32 $0x16800, s30;
	[sflag:s25] =	ssyncadd.s32 $0xFFFFC000  }
0x90: {  	[spmem:s2] =	stream.indirect.scatter.add.f32 [tilespmem:s23], [sflag:$0x2], $0x80, s0, s24, $0xb8;
	[tilespmem:$0x1D000] =	vst v63  }
0x91: {  	_ =	swait.ge [sflag:s21], $0x4000  }
0x92: {  	s30 =	sshra.s32 s20, $0x2;
	s31 =	smov.u32 s22;
	[sflag:s21] =	ssyncset.done $0x0  }
0x93: {  	s0 =	sadd.s32 $0x14000, s30;
	[sflag:s21] =	ssyncadd.s32 $0xFFFFC000  }
0x94: {  	[tilespmem:s23], [sflag:$0x1] =	stream.indirect.gather [hbm4b:s5+s24], $0x80, s0, s24, $0xb8;
	[tilespmem:$0x1D000] =	vst v63  }
0x95: {  	_ =	swait.ge [sflag:s25], $0x4000  }
0x96: {  	[sflag:s25] =	ssyncset.done $0x0  }
0x97: {  	s31 =	sadd.s32 $0x16800, s30;
	[sflag:s25] =	ssyncadd.s32 $0xFFFFC000  }
0x98: {  	[spmem:s2] =	stream.indirect.scatter.add.f32 [tilespmem:s23], [sflag:$0x2], $0x80, s31, s24, $0xb8;
	[tilespmem:$0x1D000] =	vst v63  }
.Ltmp7:
0x99: {  	_ =	swait.ge [sflag:s21], $0x4000;
	(pc) =	sbr.rel .LBB2_18-.Ltmp7, $4  }
0x9a: {  	[sflag:s21] =	ssyncset.done $0x0  }
0x9b: {  	[sflag:s21] =	ssyncadd.s32 $0xFFFFC000  }
0x9c: {  	[bflag:$0x0] =	sbarrier.arrive $0xFFFF  }
0x9d: {  	[hbm:s17], [sflag:s28] =	dma.local [spmem:s29], $0x2800  }
.LBB2_10:
0x9e: {  	p1 =	sne.s32 s28, $0xFFC0  }
0x9f: {  	[tilespmem:s30+$0x19000] =	vst v0;
	s29 =	sadd.s32 $0x10, s29;
	s0 =	smov.u32 s28;
	s28 =	sadd.s32 $0x40, s28  }
.Ltmp8:
0xa0: {  	(pc) =	sbr.rel @p1 .LBB2_10-.Ltmp8, $4  }
0xa1: {  	_ = 	snop  }
0xa2: {  	s0 =	sand.u32 $0xFE00, s0  }
0xa3: {  	s30 =	sand.u32 $0x70, s29;
	s0 =	sshrl.u32 s0, $0x2  }
0xa4: {  	s30 =	sor.u32 s30, s0  }
0xa5: {  	[tilespmem:s30+$0x19000] =	vst v0  }
0xa6: {  	[spmem:s9] =	stream.linear.scatter [tilespmem:s23], [sflag:$0x2], $0x4000, $0x38;
	[tilespmem:$0x1D000] =	vst v63  }
0xa7: {  	_ =	swait.ge [sflag:s21], $0x4000  }
0xa8: {  	[sflag:s21] =	ssyncset.done $0x0  }
0xa9: {  	[sflag:s21] =	ssyncadd.s32 $0xFFFFC000  }
0xaa: {  	[spmem:s10] =	stream.linear.scatter [tilespmem:s23], [sflag:$0x2], $0x4000, $0x38;
	[tilespmem:$0x1D000] =	vst v63  }
0xab: {  	_ =	swait.ge [sflag:s21], $0x4000  }
0xac: {  	[sflag:s21] =	ssyncset.done $0x0  }
0xad: {  	[sflag:s21] =	ssyncadd.s32 $0xFFFFC000  }
0xae: {  	[spmem:s11] =	stream.linear.scatter [tilespmem:s23], [sflag:$0x2], $0x4000, $0x38;
	[tilespmem:$0x1D000] =	vst v63  }
0xaf: {  	_ =	swait.ge [sflag:s21], $0x4000  }
0xb0: {  	[sflag:s21] =	ssyncset.done $0x0  }
0xb1: {  	[sflag:s21] =	ssyncadd.s32 $0xFFFFC000  }
0xb2: {  	[spmem:s12] =	stream.linear.scatter [tilespmem:s23], [sflag:$0x2], $0x4000, $0x38;
	[tilespmem:$0x1D000] =	vst v63  }
0xb3: {  	_ =	swait.ge [sflag:s21], $0x4000  }
0xb4: {  	[sflag:s21] =	ssyncset.done $0x0  }
0xb5: {  	[sflag:s21] =	ssyncadd.s32 $0xFFFFC000  }
0xb6: {  	[spmem:s13] =	stream.linear.scatter [tilespmem:s23], [sflag:$0x2], $0x4000, $0x38;
	[tilespmem:$0x1D000] =	vst v63  }
0xb7: {  	_ =	swait.ge [sflag:s21], $0x4000  }
0xb8: {  	[sflag:s21] =	ssyncset.done $0x0  }
0xb9: {  	[sflag:s21] =	ssyncadd.s32 $0xFFFFC000  }
0xba: {  	s0 =	simm.s32 $0x14000;
	[bflag:$0x0] =	sbarrier.arrive $0xFFFF  }
0xbb: {  	[tilespmem:s23], [sflag:$0x1] =	stream.indirect.gather [hbm4b:s6+s24], $0x80, s0, s24, $0xb8;
	[tilespmem:$0x1D000] =	vst v63  }
0xbc: {  	_ =	swait.ge [sflag:s25], $0x4000  }
0xbd: {  	[sflag:s25] =	ssyncset.done $0x0  }
0xbe: {  	s31 =	simm.s32 $0x16800;
	[sflag:s25] =	ssyncadd.s32 $0xFFFFC000  }
0xbf: {  	[spmem:s2] =	stream.indirect.scatter.add.f32 [tilespmem:s23], [sflag:$0x2], $0x80, s31, s24, $0xb8;
	[tilespmem:$0x1D000] =	vst v63  }
0xc0: {  	_ =	swait.ge [sflag:s21], $0x4000  }
0xc1: {  	s29 =	simm.s32 $0x400;
	s28 =	simm.s32 $0x80;
	[sflag:s21] =	ssyncset.done $0x0  }
.LBB2_12:
0xc2: {  	s0 =	sadd.s32 $0x14000, s28  }
0xc3: {  	[sflag:s21] =	ssyncadd.s32 $0xFFFFC000;
	s30 =	smov.u32 s29;
	s31 =	sadd.s32 $0x200, s29  }
0xc4: {  	[tilespmem:s23], [sflag:$0x1] =	stream.indirect.gather [hbm4b:s6+s24], $0x80, s0, s24, $0xb8;
	[tilespmem:$0x1D000] =	vst v63  }
0xc5: {  	p1 =	seq.s32 s29, $0x9E00;
	_ =	swait.ge [sflag:s25], $0x4000  }
.Ltmp9:
0xc6: {  	[sflag:s25] =	ssyncset.done $0x0;
	(pc) =	sbr.rel @!p1 .LBB2_12-.Ltmp9, $4  }
0xc7: {  	s0 =	sadd.s32 $0x16800, s28;
	[sflag:s25] =	ssyncadd.s32 $0xFFFFC000  }
0xc8: {  	[spmem:s2] =	stream.indirect.scatter.add.f32 [tilespmem:s23], [sflag:$0x2], $0x80, s0, s24, $0xb8;
	[tilespmem:$0x1D000] =	vst v63  }
0xc9: {  	_ =	swait.ge [sflag:s21], $0x4000  }
0xca: {  	s28 =	sshra.s32 s30, $0x2;
	s29 =	smov.u32 s31;
	[sflag:s21] =	ssyncset.done $0x0  }
0xcb: {  	s0 =	sadd.s32 $0x14000, s28;
	[sflag:s21] =	ssyncadd.s32 $0xFFFFC000  }
0xcc: {  	[tilespmem:s23], [sflag:$0x1] =	stream.indirect.gather [hbm4b:s6+s24], $0x80, s0, s24, $0xb8;
	[tilespmem:$0x1D000] =	vst v63  }
0xcd: {  	_ =	swait.ge [sflag:s25], $0x4000  }
0xce: {  	[sflag:s25] =	ssyncset.done $0x0  }
0xcf: {  	s22 =	sadd.s32 $0x16800, s28;
	[sflag:s25] =	ssyncadd.s32 $0xFFFFC000  }
0xd0: {  	[spmem:s2] =	stream.indirect.scatter.add.f32 [tilespmem:s23], [sflag:$0x2], $0x80, s22, s24, $0xb8;
	[tilespmem:$0x1D000] =	vst v63  }
0xd1: {  	_ =	swait.ge [sflag:s21], $0x4000  }
0xd2: {  	[sflag:s21] =	ssyncset.done $0x0  }
0xd3: {  	s20 =	sshll.u32 s1, $0x6;
	[sflag:s21] =	ssyncadd.s32 $0xFFFFC000  }
0xd4: {  	s29 =	sshrl.u32 s9, $0x3;
	s28 =	sor.u32 $0x1C02, s20;
	[bflag:$0x0] =	sbarrier.arrive $0xFFFF  }
0xd5: {  	[hbm:s14], [sflag:s28] =	dma.local [spmem:s29], $0x2800  }
0xd6: {  	s30 =	simm.s32 $0x0;
	_ =	swait.ge [sflag:s21], $0x2800  }
0xd7: {  	s22 =	sand.u32 $0xFE00, s30;
	[sflag:s21] =	ssyncset.done $0x0  }
0xd8: {  	s20 =	sand.u32 $0x70, s30;
	s0 =	sshrl.u32 s22, $0x2;
	[sflag:s21] =	ssyncadd.s32 $0xFFFFD800  }
0xd9: {  	s31 =	simm.s32 $0x40;
	s0 =	sor.u32 s20, s0;
	[bflag:$0x0] =	sbarrier.arrive $0xFFFF  }
.LBB2_14:
0xda: {  	p1 =	sne.s32 s31, $0xFFC0  }
0xdb: {  	[tilespmem:s0+$0x19000] =	vst v0;
	s30 =	sadd.s32 $0x10, s30;
	s0 =	smov.u32 s31;
	s31 =	sadd.s32 $0x40, s31  }
.Ltmp10:
0xdc: {  	(pc) =	sbr.rel @p1 .LBB2_14-.Ltmp10, $4  }
0xdd: {  	_ = 	snop  }
0xde: {  	s0 =	sand.u32 $0xFE00, s0  }
0xdf: {  	s20 =	sand.u32 $0x70, s30;
	s0 =	sshrl.u32 s0, $0x2  }
0xe0: {  	s0 =	sor.u32 s20, s0  }
0xe1: {  	[tilespmem:s0+$0x19000] =	vst v0  }
0xe2: {  	[spmem:s9] =	stream.linear.scatter [tilespmem:s23], [sflag:$0x2], $0x4000, $0x38;
	[tilespmem:$0x1D000] =	vst v63  }
0xe3: {  	_ =	swait.ge [sflag:s21], $0x4000  }
0xe4: {  	[sflag:s21] =	ssyncset.done $0x0  }
0xe5: {  	[sflag:s21] =	ssyncadd.s32 $0xFFFFC000  }
0xe6: {  	[spmem:s10] =	stream.linear.scatter [tilespmem:s23], [sflag:$0x2], $0x4000, $0x38;
	[tilespmem:$0x1D000] =	vst v63  }
0xe7: {  	_ =	swait.ge [sflag:s21], $0x4000  }
0xe8: {  	[sflag:s21] =	ssyncset.done $0x0  }
0xe9: {  	[sflag:s21] =	ssyncadd.s32 $0xFFFFC000  }
0xea: {  	[spmem:s11] =	stream.linear.scatter [tilespmem:s23], [sflag:$0x2], $0x4000, $0x38;
	[tilespmem:$0x1D000] =	vst v63  }
0xeb: {  	_ =	swait.ge [sflag:s21], $0x4000  }
0xec: {  	[sflag:s21] =	ssyncset.done $0x0  }
0xed: {  	[sflag:s21] =	ssyncadd.s32 $0xFFFFC000  }
0xee: {  	[spmem:s12] =	stream.linear.scatter [tilespmem:s23], [sflag:$0x2], $0x4000, $0x38;
	[tilespmem:$0x1D000] =	vst v63  }
0xef: {  	_ =	swait.ge [sflag:s21], $0x4000  }
0xf0: {  	[sflag:s21] =	ssyncset.done $0x0  }
0xf1: {  	[sflag:s21] =	ssyncadd.s32 $0xFFFFC000  }
0xf2: {  	[spmem:s13] =	stream.linear.scatter [tilespmem:s23], [sflag:$0x2], $0x4000, $0x38;
	[tilespmem:$0x1D000] =	vst v63  }
0xf3: {  	_ =	swait.ge [sflag:s21], $0x4000  }
0xf4: {  	[sflag:s21] =	ssyncset.done $0x0  }
0xf5: {  	[sflag:s21] =	ssyncadd.s32 $0xFFFFC000  }
0xf6: {  	s20 =	simm.s32 $0x14000;
	[bflag:$0x0] =	sbarrier.arrive $0xFFFF  }
0xf7: {  	[tilespmem:s23], [sflag:$0x1] =	stream.indirect.gather [hbm4b:s7+s24], $0x80, s20, s24, $0xb8;
	[tilespmem:$0x1D000] =	vst v63  }
0xf8: {  	_ =	swait.ge [sflag:s25], $0x4000  }
0xf9: {  	[sflag:s25] =	ssyncset.done $0x0  }
0xfa: {  	s22 =	simm.s32 $0x16800;
	[sflag:s25] =	ssyncadd.s32 $0xFFFFC000  }
0xfb: {  	[spmem:s2] =	stream.indirect.scatter.add.f32 [tilespmem:s23], [sflag:$0x2], $0x80, s22, s24, $0xb8;
	[tilespmem:$0x1D000] =	vst v63  }
0xfc: {  	_ =	swait.ge [sflag:s21], $0x4000  }
0xfd: {  	s31 =	simm.s32 $0x400;
	s30 =	simm.s32 $0x80;
	[sflag:s21] =	ssyncset.done $0x0  }
.LBB2_16:
0xfe: {  	s0 =	sadd.s32 $0x14000, s30  }
0xff: {  	[sflag:s21] =	ssyncadd.s32 $0xFFFFC000;
	s20 =	smov.u32 s31;
	s22 =	sadd.s32 $0x200, s31  }
0x100: {  	[tilespmem:s23], [sflag:$0x1] =	stream.indirect.gather [hbm4b:s7+s24], $0x80, s0, s24, $0xb8;
	[tilespmem:$0x1D000] =	vst v63  }
0x101: {  	p1 =	sne.s32 s31, $0x9E00;
	_ =	swait.ge [sflag:s25], $0x4000  }
.Ltmp11:
0x102: {  	[sflag:s25] =	ssyncset.done $0x0;
	(pc) =	sbr.rel @p1 .LBB2_16-.Ltmp11, $4  }
0x103: {  	s0 =	sadd.s32 $0x16800, s30;
	[sflag:s25] =	ssyncadd.s32 $0xFFFFC000  }
0x104: {  	[spmem:s2] =	stream.indirect.scatter.add.f32 [tilespmem:s23], [sflag:$0x2], $0x80, s0, s24, $0xb8;
	[tilespmem:$0x1D000] =	vst v63  }
0x105: {  	_ =	swait.ge [sflag:s21], $0x4000  }
0x106: {  	s30 =	sshra.s32 s20, $0x2;
	s31 =	smov.u32 s22;
	[sflag:s21] =	ssyncset.done $0x0  }
.Ltmp12:
0x107: {  	_ = 	snop;
	(pc) =	sbr.rel .LBB2_17-.Ltmp12, $1  }
0x108: {  	_ =	sdelay $0x3  }
.LBB2_19:
0x109: {  	_ =	sfence.sel $0x180000  }
0x10a: {  	[bflag:$0x0] =	sbarrier.arrive $0xFFFF  }
0x10b: {  	_ =	strace $0x9000004D  }
0x10c: {  	[bflag:$0x2] =	sbarrier.arrive $0xFFFF  }
0x10d: {  	p0 =	sne.s32 s1, $0x0;
	s0 =	rddreg [dreg:$0x3]  }
0x10e: {  	s0 =	sadd.s32 @!p0 $0x100000, s0  }
0x10f: {  	[sflag:s0] =	ssyncadd.tile.s32 @!p0 $0x1;
	_ =	shalt  }
.Lfunc_end2:
_tile_overlayer_lowered:
.L_overlay_start_2:
0x110: {  	(tag) =	ssettag $0x2  }
0x111: {  	s0 =	rddreg [dreg:$0x0];
	s2 =	stileid.u32  }
0x112: {  	s1 =	rddreg [dreg:$0x1];
	p0 =	sne.s32 s2, $0x0  }
0x113: {  	s3 =	rddreg [dreg:$0x2];
	[bflag:$0x3] =	sbarrier.arrive $0xFFFF;
	s2 =	simm.s32 @!p0 $0x1C02  }
0x114: {  	[timem:s3], [sflag:s2] =	dma.local @!p0 [hbm:s0], s1  }
0x115: {  	s0 =	simm.s32 @!p0 $0x2  }
0x116: {  	_ =	swait.ge @!p0 [sflag:s0], s1  }
0x117: {  	s1 =	ssub.s32 @!p0 $0x0, s1;
	[sflag:s0] =	ssyncset.done @!p0 $0x0  }
0x118: {  	[sflag:s0] =	ssyncadd.s32 @!p0 s1  }
0x119: {  	[bflag:$0x3] =	sbarrier.arrive $0xFFFF  }
0x11a: {  	_ =	shalt  }

// kernel: kernel.8.cloned.1.call-start
scs
__scs_entry_jumppad:
0x0: {  	(pc) =	sbr.rel $0x88, $3  }
0x1: {  	(tag) =	ssettag $0x0;
	lr =	simm.s32 $0x1  }
0x2: {  	[smem:$0x3F99] =	sst lr;
	_ =	strace $0xD0000000  }
0x3: {  	_ = 	snop  }
0x4: {  	_ = 	snop  }
0x5: {  	_ = 	snop  }
0x6: {  	_ = 	snop  }
0x7: {  	_ = 	snop  }
__scs_overlays_trampoline_lowered:
0x8: {  	[smem:$0x3FA8] =	sst s0  }
0x9: {  	[smem:$0x3FA9] =	sst s1  }
0xa: {  	[smem:$0x3FAA] =	sst s2  }
0xb: {  	[smem:$0x3FAB] =	sst s3  }
0xc: {  	[smem:$0x3FAC] =	sst s4  }
0xd: {  	[smem:$0x3FAD] =	sst s5  }
0xe: {  	[smem:$0x3FAE] =	sst s6  }
0xf: {  	[smem:$0x3FAF] =	sst s7  }
0x10: {  	[smem:$0x3FB0] =	sst s8  }
0x11: {  	[smem:$0x3FB1] =	sst s9;
	s0 =	simm.s32 @!p0 $0x0  }
0x12: {  	s1 =	sld [smem:$0x3F97];
	s0 =	simm.s32 @p0 $0x1  }
0x13: {  	[smem:$0x3FB2] =	sst s0;
	s0 =	simm.s32 @!p1 $0x0  }
0x14: {  	s2 =	sld [smem:$0x3F96];
	s0 =	simm.s32 @p1 $0x1  }
0x15: {  	[smem:$0x3FB3] =	sst s0;
	s0 =	simm.s32 @!p2 $0x0  }
0x16: {  	s3 =	sld [smem:$0x3FDB];
	s0 =	simm.s32 @p2 $0x1  }
0x17: {  	s4 =	simm.s32 $0x1BF5;
	[smem:$0x3FB5] =	sst s0  }
0x18: {  	s0 =	sld [smem:$0x3F98];
	_ =	swait.ge [sflag:s4], $0x0  }
0x19: {  	s7 =	sld [smem:$0x3F99]  }
0x1a: {  	s8 =	sadd.s32 $0xFFFFE003, lr  }
0x1b: {  	s9 =	sadd.s32 $0xFFFFFEF7, lr;
	s5 =	simm.s32 $0xFFFFFFFF;
	p2 =	slt.u32 s8, $0xFFFFF086  }
0x1c: {  	p1 =	slt.u32 s9, $0xF7A;
	s5 =	simm.s32 @!p2 $0x0  }
0x1d: {  	s5 =	simm.s32 @p1 $0x1;
	p0 =	seq.s32 s7, s2  }
0x1e: {  	s7 =	smul.u32 @!p0 $0xF7A, s2;
	p2 =	seq.s32 @!p0 s5, $0x0  }
0x1f: {  	s9 =	smul.u32 $0xF7A, s1;
	s8 =	simm.s32 @!p0 $0x1BF5;
	p2 =	por !p2, p0  }
0x20: {  	[sflag:s8] =	ssyncset.s32 @!p0 $0xFFFFF086;
	s6 =	sadd.s32 @!p0 s3, s7;
	s7 =	simm.s32 @!p0 $0x108  }
0x21: {  	s3 =	sadd.s32 s3, s9;
	s6 =	sadd.s32 @!p0 $0x88, s6;
	s7 =	simm.s32 @p2 $0x1082  }
0x22: {  	[simem:s7], [sflag:s8] =	dma.local @!p0 [hbm:s6], $0xF7A  }
0x23: {  	s9 =	sor.u32 $0xD0000000, s2;
	s6 =	simm.s32 $0x108;
	_ =	swait.ge @!p0 [sflag:s8], $0x0  }
0x24: {  	s3 =	sadd.s32 $0x88, s3;
	s6 =	simm.s32 @!p1 $0x1082;
	[sflag:s4] =	ssyncset.s32 $0xFFFFF086  }
0x25: {  	[simem:s6], [sflag:s4] =	dma.local [hbm:s3], $0xF7A  }
0x26: {  	[smem:$0x3F99] =	sst s1;
	(tag) =	ssettag s2;
	_ =	strace s9  }
0x27: {  	s1 =	sld [smem:$0x3FA9]  }
0x28: {  	s2 =	sld [smem:$0x3FAA]  }
0x29: {  	s4 =	sld [smem:$0x3FAC]  }
0x2a: {  	p0 =	seq.s32 s5, $0x0;
	s5 =	sld [smem:$0x3FAD]  }
0x2b: {  	s6 =	sld [smem:$0x3FAE]  }
0x2c: {  	s7 =	sld [smem:$0x3FAF]  }
0x2d: {  	s3 =	simm.s32 $0x108;
	s8 =	sld [smem:$0x3FB0]  }
0x2e: {  	s3 =	simm.s32 @!p0 $0x1082;
	s9 =	sld [smem:$0x3FB1]  }
0x2f: {  	lr =	sadd.s32 s0, s3;
	s0 =	sld [smem:$0x3FA8]  }
0x30: {  	s3 =	sld [smem:$0x3FAB]  }
0x31: {  	[smem:$0x3FB4] =	sst s10  }
0x32: {  	s10 =	sld [smem:$0x3FB2];
	_ =	sdelay $0x3  }
0x33: {  	p0 =	seq.s32 s10, $0x1;
	s10 =	sld [smem:$0x3FB4];
	_ =	sdelay $0x3  }
0x34: {  	[smem:$0x3FB4] =	sst s10  }
0x35: {  	s10 =	sld [smem:$0x3FB3];
	_ =	sdelay $0x3  }
0x36: {  	p1 =	seq.s32 s10, $0x1;
	s10 =	sld [smem:$0x3FB4];
	_ =	sdelay $0x3  }
0x37: {  	[smem:$0x3FB4] =	sst s10  }
0x38: {  	s10 =	sld [smem:$0x3FB5]  }
0x39: {  	_ = 	snop;
	(pc) =	sbr.ind lr, $3  }
0x3a: {  	_ = 	snop  }
0x3b: {  	_ = 	snop  }
0x3c: {  	p2 =	seq.s32 s10, $0x1;
	s10 =	sld [smem:$0x3FB4]  }
0x3d: {  	_ =	shalt  }
0x3e: {  	_ =	shalt  }
0x3f: {  	_ =	shalt  }
0x40: {  	_ =	shalt  }
0x41: {  	_ =	shalt  }
0x42: {  	_ =	shalt  }
0x43: {  	_ =	shalt  }
0x44: {  	_ =	shalt  }
0x45: {  	_ =	shalt  }
0x46: {  	_ =	shalt  }
0x47: {  	_ =	shalt  }
0x48: {  	_ =	shalt  }
0x49: {  	_ =	shalt  }
0x4a: {  	_ =	shalt  }
0x4b: {  	_ =	shalt  }
0x4c: {  	_ =	shalt  }
0x4d: {  	_ =	shalt  }
0x4e: {  	_ =	shalt  }
0x4f: {  	_ =	shalt  }
0x50: {  	_ =	shalt  }
0x51: {  	_ =	shalt  }
0x52: {  	_ =	shalt  }
0x53: {  	_ =	shalt  }
0x54: {  	_ =	shalt  }
0x55: {  	_ =	shalt  }
0x56: {  	_ =	shalt  }
0x57: {  	_ =	shalt  }
0x58: {  	_ =	shalt  }
0x59: {  	_ =	shalt  }
0x5a: {  	_ =	shalt  }
0x5b: {  	_ =	shalt  }
0x5c: {  	_ =	shalt  }
0x5d: {  	_ =	shalt  }
0x5e: {  	_ =	shalt  }
0x5f: {  	_ =	shalt  }
0x60: {  	_ =	shalt  }
0x61: {  	_ =	shalt  }
0x62: {  	_ =	shalt  }
0x63: {  	_ =	shalt  }
0x64: {  	_ =	shalt  }
0x65: {  	_ =	shalt  }
0x66: {  	_ =	shalt  }
0x67: {  	_ =	shalt  }
0x68: {  	_ =	shalt  }
0x69: {  	_ =	shalt  }
0x6a: {  	_ =	shalt  }
0x6b: {  	_ =	shalt  }
0x6c: {  	_ =	shalt  }
0x6d: {  	_ =	shalt  }
0x6e: {  	_ =	shalt  }
0x6f: {  	_ =	shalt  }
0x70: {  	_ =	shalt  }
0x71: {  	_ =	shalt  }
0x72: {  	_ =	shalt  }
0x73: {  	_ =	shalt  }
0x74: {  	_ =	shalt  }
0x75: {  	_ =	shalt  }
0x76: {  	_ =	shalt  }
0x77: {  	_ =	shalt  }
0x78: {  	_ =	shalt  }
0x79: {  	_ =	shalt  }
0x7a: {  	_ =	shalt  }
0x7b: {  	_ =	shalt  }
0x7c: {  	_ =	shalt  }
0x7d: {  	_ =	shalt  }
0x7e: {  	_ =	shalt  }
0x7f: {  	_ =	shalt  }
0x80: {  	_ =	shalt  }
0x81: {  	_ =	shalt  }
0x82: {  	_ =	shalt  }
0x83: {  	_ =	shalt  }
0x84: {  	_ =	shalt  }
0x85: {  	_ =	shalt  }
0x86: {  	_ =	shalt  }
0x87: {  	_ =	shalt  }
.Lfunc_end0:
.L_simem_size_0:
called_computation_lowered:
.L_overlay_start_0:
0x88: {  	s2 =	sld [smem:$0x3FD9]  }
0x89: {  	s3 =	sld [smem:$0x3FFE];
	_ =	sdelay $0x1  }
0x8a: {  	s1 =	srdreg.scid  }
0x8b: {  	s0 =	sand.u32 $0x1, s1  }
0x8c: {  	s17 =	sshll.u32 s0, $0xA;
	s2 =	sadd.s32 s3, s2  }
0x8d: {  	s2 =	sadd.s32 s2, s17  }
0x8e: {  	[smem:$0x3FC0] =	sst s2  }
0x8f: {  	_ = 	snop  }
0x90: {  	s2 =	sld [smem:$0x3FD0];
	(tm) =	ssettm $0x1  }
0x91: {  	s18 =	sld [smem:$0x3FFB];
	_ =	sdelay $0x3  }
0x92: {  	_ =	strace s18  }
0x93: {  	s3 =	sld [smem:$0x3FFC];
	_ =	sdelay $0x3  }
0x94: {  	_ =	strace s3  }
0x95: {  	s3 =	sld [smem:$0x3FFD];
	_ =	sdelay $0x3  }
0x96: {  	_ =	strace s3  }
0x97: {  	_ =	strace $0x8FFFFFFF  }
0x98: {  	s19 =	sld [smem:$0x3FDB];
	_ =	sdelay $0x1  }
0x99: {  	s4 =	simm.s32 $_scs_section_size  }
0x9a: {  	s5 =	simm.s32 $_size__tile_overlayer_lowered;
	s6 =	simm.s32 $_tile_overlayer_lowered  }
0x9b: {  	s22 =	simm.s32 $0x1BFF;
	s21 =	sshll.u32 s6, $0x1;
	s3 =	sadd.s32 s4, s19  }
0x9c: {  	s7 =	simm.s32 $0x0;
	s20 =	sshll.u32 s5, $0x1;
	s5 =	sadd.s32 s21, s3  }
0x9d: {  	[timem:s7], [sflag:s22] =	dma.local [hbm:s5], s20  }
0x9e: {  	_ =	swait.ge [sflag:s22], s20  }
0x9f: {  	s4 =	ssub.s32 $0x0, s20;
	[sflag:s22] =	ssyncset.done $0x0  }
0xa0: {  	[sflag:s22] =	ssyncadd.s32 s4;
	_ =	sdelay $0x1  }
0xa1: {  	s23 =	simm.s32 $0x1B8B  }
0xa2: {  	_ =	swait.ge [sflag:s23], $0x1  }
0xa3: {  	[sflag:s23] =	ssyncset.done $0x0  }
0xa4: {  	s25 =	simm.s32 $0x1B8E;
	s24 =	sld [smem:$0x3FFE];
	[sflag:s23] =	ssyncadd.s32 $0xFFFFFFFF  }
0xa5: {  	s26 =	simm.s32 $execute0_lowered;
	[smem:$0x3FD2] =	sst s25  }
0xa6: {  	s5 =	sshll.u32 s26, $0x1;
	_ =	strace $0x80000046;
	[dreg:$0x1] =	wrdreg $0xFFFFFFFF  }
0xa7: {  	s28 =	simm.s32 $_size_execute0_lowered;
	s3 =	sadd.s32 s3, s5;
	[dreg:$0x0] =	wrdreg $0x0  }
0xa8: {  	s5 =	sshll.u32 s28, $0x1;
	[dreg:$0x2] =	wrdreg s3  }
0xa9: {  	[dreg:$0x3] =	wrdreg s5  }
0xaa: {  	[dreg:$0x4] =	wrdreg $0xC0  }
0xab: {  	_ =	task [dreg:s7], $0x5FFFF  }
0xac: {  	[dreg:$0x1] =	wrdreg $0xFFFFFFFF  }
0xad: {  	[dreg:$0x0] =	wrdreg $0x60  }
0xae: {  	[dreg:$0x2] =	wrdreg s24  }
0xaf: {  	[dreg:$0x3] =	wrdreg s2  }
0xb0: {  	[dreg:$0x4] =	wrdreg $0x0  }
0xb1: {  	[dreg:$0x5] =	wrdreg $0x1D0000  }
0xb2: {  	[dreg:$0x6] =	wrdreg $0x9  }
0xb3: {  	_ =	task.clear_ibuf [dreg:s7], $0x7FFFF;
	_ =	strace $0x90000046  }
0xb4: {  	s29 =	simm.s32 $0x9;
	_ =	strace $0x80000048  }
0xb5: {  	_ =	swait.ge [sflag:s29], $0x1  }
0xb6: {  	[sflag:s29] =	ssyncadd.s32 $0xFFFFFFFF  }
0xb7: {  	_ =	strace $0x90000048  }
0xb8: {  	_ =	sfence  }
0xb9: {  	s30 =	sld [smem:$0x0];
	_ =	sdelay $0x2  }
0xba: {  	s31 =	sshll.u32 s1, $0xD;
	s1 =	sshrl.u32 s1, $0x2  }
0xbb: {  	s3 =	sand.u32 $0x4000, s31;
	s1 =	sadd.s32 s1, s30  }
0xbc: {  	s0 =	sor.u32 s3, s0;
	s1 =	sshll.u32 s1, $0x11  }
0xbd: {  	s0 =	sor.u32 s1, s0  }
0xbe: {  	s0 =	sadd.s32 $0x8F2B, s0  }
0xbf: {  	[sflag:s0] =	ssyncadd.remote.s32 $0x1  }
0xc0: {  	_ =	sfence.sel $0xFFFF  }
0xc1: {  	[dreg:$0x0] =	wrdreg $0xFFFFFFFF;
	(pc) =	sbr.abs _section_cstart, $3  }
0xc2: {  	[dreg:$0x1] =	wrdreg $0xFFFFFFFF  }
0xc3: {  	_ =	task.clear_ibuf [dreg:s7], $0x2FFFF;
	_ =	strace $0x9FFFFFFF  }
0xc4: {  	(tm) =	ssettm $0x7FFFFFFF  }
0xc5: {  	_ =	shalt  }
tec
execute0_lowered:
.L_overlay_start_1:
0x0: {  	(tag) =	ssettag $0x1  }
0x1: {  	s7 =	rddreg [dreg:$0x0]  }
0x2: {  	s8 =	rddreg [dreg:$0x1]  }
0x3: {  	s1 =	rddreg [dreg:$0x2]  }
0x4: {  	s3 =	rddreg [dreg:$0x3]  }
0x5: {  	s4 =	simm.s32 $0x0;
	s2 =	stileid.u32;
	s10 =	srdreg.scid  }
0x6: {  	s20 =	simm.s32 $0x2;
	s21 =	simm.s32 $0x16800;
	s22 =	simm.s32 $0x19000  }
0x7: {  	s23 =	simm.s32 $0x80;
	s24 =	simm.s32 $0x1;
	s9 =	smul.u32 $0x500, s2  }
0x8: {  	s26 =	simm.s32 $0x1D500;
	s28 =	simm.s32 $0x0;
	s14 =	smul.u32 $0x280, s2  }
0x9: {  	[smem:$0x7FF] =	sst s4;
	s5 =	sadd.s32 $0x2AA00, s7;
	s12 =	smul.u32 $0x2800, s2  }
0xa: {  	s6 =	sadd.s32 $0x3800, s7;
	s10 =	sand.u32 $0x1, s10;
	s16 =	smul.u32 $0x50000, s2  }
0xb: {  	_ =	strace $0x80000047;
	s15 =	ssub.s32 $0x2, s10;
	p0 =	seq.s32 s10, $0x1  }
0xc: {  	s11 =	sadd.s32 s9, s7;
	s13 =	sshrl.u32 s14, $0x3;
	s17 =	sadd.s32 s12, s7  }
0xd: {  	s30 =	sshrl.u32 s15, $0x1;
	s31 =	sshrl.u32 s16, $0x2;
	s14 =	sadd.s32 s14, s3  }
.Ltmp0:
0xe: {  	s18 =	sadd.s32 s13, s7;
	s19 =	ssub.s32 s15, s30;
	(pc) =	sbr.rel .LBB2_1-.Ltmp0, $4  }
0xf: {  	s7 =	sadd.s32 s8, s9;
	s8 =	sadd.s32 $0x51C00, s11;
	s9 =	sadd.s32 s31, s1  }
0x10: {  	s15 =	sadd.s32 $0x57200, s17;
	s17 =	sadd.s32 $0x7F200, s17;
	s10 =	sadd.s32 $0x4000, s9  }
0x11: {  	s11 =	sadd.s32 $0x8000, s9;
	s12 =	sadd.s32 $0xC000, s9;
	s13 =	sadd.s32 $0x10000, s9  }
0x12: {  	v0 =	vimm.f32 $0.0e+00;
	v1 =	vimm.f32 $1.000000000e+00;
	s16 =	sadd.s32 $0x56C00, s18;
	s18 =	smax.u32 s19, $0x1;
	s19 =	simm.s32 $0x14000  }
.LBB2_11:
0x13: {  	s0 =	sadd.s32 $0x14000, s29;
	[sflag:s20] =	ssyncadd.s32 $0xFFFFC000  }
0x14: {  	[tilespmem:s22], [sflag:$0x1] =	stream.indirect.gather [hbm4b:s6+s23], $0x80, s0, s23, $0xb8;
	[tilespmem:$0x1D580] =	vst v63  }
0x15: {  	_ =	swait.ge [sflag:s24], $0x4000  }
0x16: {  	[sflag:s24] =	ssyncset.done $0x0  }
0x17: {  	s30 =	sadd.s32 $0x16800, s29;
	[sflag:s24] =	ssyncadd.s32 $0xFFFFC000  }
0x18: {  	[spmem:s1] =	stream.indirect.scatter.add.f32 [tilespmem:s22], [sflag:$0x2], $0x80, s30, s23, $0xb8;
	[tilespmem:$0x1D580] =	vst v63  }
0x19: {  	_ =	swait.ge [sflag:s20], $0x4000  }
0x1a: {  	[sflag:s20] =	ssyncset.done $0x0  }
0x1b: {  	s31 =	sshll.u32 s2, $0x6;
	[sflag:s20] =	ssyncadd.s32 $0xFFFFC000  }
0x1c: {  	s25 =	sshrl.u32 s9, $0x3;
	s0 =	sor.u32 $0x1C02, s31;
	[bflag:$0x0] =	sbarrier.arrive $0xFFFF  }
0x1d: {  	[hbm:s17], [sflag:s0] =	dma.local [spmem:s25], $0x2800  }
0x1e: {  	_ =	swait.ge [sflag:s20], $0x2800  }
0x1f: {  	[sflag:s20] =	ssyncset.done $0x0  }
0x20: {  	[sflag:s20] =	ssyncadd.s32 $0xFFFFD800  }
.LBB2_12:
0x21: {  	s28 =	sadd.s32 $0x1, s28  }
0x22: {  	p1 =	sne.s32 s28, s18  }
.Ltmp1:
0x23: {  	_ = 	snop;
	(pc) =	sbr.rel @!p1 .LBB2_13-.Ltmp1, $2  }
0x24: {  	_ =	sdelay $0x1  }
0x25: {  	[bflag:$0x0] =	sbarrier.arrive $0xFFFF;
	_ =	sdelay $0x1  }
.LBB2_1:
0x26: {  	[tilespmem:s19], [sflag:$0x2] =	stream.linear.gather [hbm4b:s7+s4], $0x2800, $0x38;
	[tilespmem:$0x1D580] =	vst v63  }
0x27: {  	_ =	swait.ge [sflag:s20], $0x2800  }
0x28: {  	[sflag:s20] =	ssyncset.done $0x0  }
0x29: {  	[sflag:s20] =	ssyncadd.s32 $0xFFFFD800  }
0x2a: {  	[tilespmem:s21], [sflag:$0x2] =	stream.linear.gather [hbm4b:s8+s4], $0x2800, $0x38;
	[tilespmem:$0x1D580] =	vst v63  }
0x2b: {  	_ =	swait.ge [sflag:s20], $0x2800  }
0x2c: {  	[sflag:s20] =	ssyncset.done $0x0  }
0x2d: {  	[sflag:s20] =	ssyncadd.s32 $0xFFFFD800  }
0x2e: {  	[tilespmem:$0x1D280] =	vst v0  }
0x2f: {  	[tilespmem:$0x1D290] =	vst v0  }
0x30: {  	[tilespmem:$0x1D2A0] =	vst v0  }
0x31: {  	[tilespmem:$0x1D2B0] =	vst v0  }
0x32: {  	[tilespmem:$0x1D2C0] =	vst v0  }
0x33: {  	[tilespmem:$0x1D2D0] =	vst v0  }
0x34: {  	[tilespmem:$0x1D2E0] =	vst v0  }
0x35: {  	[tilespmem:$0x1D2F0] =	vst v0  }
0x36: {  	[tilespmem:$0x1D300] =	vst v0  }
0x37: {  	[tilespmem:$0x1D310] =	vst v0  }
0x38: {  	[tilespmem:$0x1D320] =	vst v0  }
0x39: {  	[tilespmem:$0x1D330] =	vst v0  }
0x3a: {  	[tilespmem:$0x1D340] =	vst v0  }
0x3b: {  	[tilespmem:$0x1D350] =	vst v0  }
0x3c: {  	[tilespmem:$0x1D360] =	vst v0  }
0x3d: {  	[tilespmem:$0x1D370] =	vst v0  }
0x3e: {  	[tilespmem:$0x1D380] =	vst v0  }
0x3f: {  	[tilespmem:$0x1D390] =	vst v0  }
0x40: {  	[tilespmem:$0x1D3A0] =	vst v0  }
0x41: {  	[tilespmem:$0x1D3B0] =	vst v0  }
0x42: {  	[tilespmem:$0x1D3C0] =	vst v0  }
0x43: {  	[tilespmem:$0x1D3D0] =	vst v0  }
0x44: {  	[tilespmem:$0x1D3E0] =	vst v0  }
0x45: {  	[tilespmem:$0x1D3F0] =	vst v0  }
0x46: {  	[tilespmem:$0x1D400] =	vst v0  }
0x47: {  	[tilespmem:$0x1D410] =	vst v0  }
0x48: {  	[tilespmem:$0x1D420] =	vst v0  }
0x49: {  	[tilespmem:$0x1D430] =	vst v0  }
0x4a: {  	[tilespmem:$0x1D440] =	vst v0  }
0x4b: {  	[tilespmem:$0x1D450] =	vst v0  }
0x4c: {  	[tilespmem:$0x1D460] =	vst v0  }
0x4d: {  	[tilespmem:$0x1D470] =	vst v0  }
0x4e: {  	[tilespmem:$0x1D480] =	vst v0  }
0x4f: {  	[tilespmem:$0x1D490] =	vst v0  }
0x50: {  	[tilespmem:$0x1D4A0] =	vst v0  }
0x51: {  	[tilespmem:$0x1D4B0] =	vst v0  }
0x52: {  	[tilespmem:$0x1D4C0] =	vst v0  }
0x53: {  	[tilespmem:$0x1D4D0] =	vst v0  }
0x54: {  	[tilespmem:$0x1D4E0] =	vst v0  }
0x55: {  	[tilespmem:$0x1D4F0] =	vst v0  }
0x56: {  	[tilespmem:$0x1D500] =	vst v1  }
0x57: {  	[tilespmem:$0x1D510] =	vst v1  }
0x58: {  	[tilespmem:$0x1D520] =	vst v1  }
.Ltmp2:
0x59: {  	[tilespmem:$0x1D530] =	vst v1;
	(pc) =	sbr.rel @!p0 .LBB2_2-.Ltmp2, $4  }
0x5a: {  	[tilespmem:$0x1D540] =	vst v1  }
0x5b: {  	[tilespmem:$0x1D550] =	vst v1  }
0x5c: {  	[tilespmem:$0x1D560] =	vst v1  }
0x5d: {  	[tilespmem:$0x1D570] =	vst v1  }
0x5e: {  	s0 =	sand.u32 $0xFE00, s4  }
0x5f: {  	s25 =	sand.u32 $0x70, s4;
	s0 =	sshrl.u32 s0, $0x2  }
0x60: {  	s29 =	simm.s32 $0x40;
	s30 =	simm.s32 $0x0;
	s31 =	sor.u32 s25, s0  }
.LBB2_8:
0x61: {  	p1 =	sne.s32 s29, $0xFFC0  }
0x62: {  	[tilespmem:s31+$0x19000] =	vst v0;
	s30 =	sadd.s32 $0x10, s30;
	s0 =	smov.u32 s29;
	s29 =	sadd.s32 $0x40, s29  }
.Ltmp3:
0x63: {  	(pc) =	sbr.rel @p1 .LBB2_8-.Ltmp3, $4  }
0x64: {  	_ = 	snop  }
0x65: {  	s0 =	sand.u32 $0xFE00, s0  }
0x66: {  	s25 =	sand.u32 $0x70, s30;
	s0 =	sshrl.u32 s0, $0x2  }
0x67: {  	s31 =	sor.u32 s25, s0  }
0x68: {  	[tilespmem:s31+$0x19000] =	vst v0  }
0x69: {  	[spmem:s9] =	stream.linear.scatter [tilespmem:s22], [sflag:$0x2], $0x4000, $0x38;
	[tilespmem:$0x1D580] =	vst v63  }
0x6a: {  	_ =	swait.ge [sflag:s20], $0x4000  }
0x6b: {  	[sflag:s20] =	ssyncset.done $0x0  }
0x6c: {  	[sflag:s20] =	ssyncadd.s32 $0xFFFFC000  }
0x6d: {  	[spmem:s10] =	stream.linear.scatter [tilespmem:s22], [sflag:$0x2], $0x4000, $0x38;
	[tilespmem:$0x1D580] =	vst v63  }
0x6e: {  	_ =	swait.ge [sflag:s20], $0x4000  }
0x6f: {  	[sflag:s20] =	ssyncset.done $0x0  }
0x70: {  	[sflag:s20] =	ssyncadd.s32 $0xFFFFC000  }
0x71: {  	[spmem:s11] =	stream.linear.scatter [tilespmem:s22], [sflag:$0x2], $0x4000, $0x38;
	[tilespmem:$0x1D580] =	vst v63  }
0x72: {  	_ =	swait.ge [sflag:s20], $0x4000  }
0x73: {  	[sflag:s20] =	ssyncset.done $0x0  }
0x74: {  	[sflag:s20] =	ssyncadd.s32 $0xFFFFC000  }
0x75: {  	[spmem:s12] =	stream.linear.scatter [tilespmem:s22], [sflag:$0x2], $0x4000, $0x38;
	[tilespmem:$0x1D580] =	vst v63  }
0x76: {  	_ =	swait.ge [sflag:s20], $0x4000  }
0x77: {  	[sflag:s20] =	ssyncset.done $0x0  }
0x78: {  	[sflag:s20] =	ssyncadd.s32 $0xFFFFC000  }
0x79: {  	[spmem:s13] =	stream.linear.scatter [tilespmem:s22], [sflag:$0x2], $0x4000, $0x38;
	[tilespmem:$0x1D580] =	vst v63  }
0x7a: {  	_ =	swait.ge [sflag:s20], $0x4000  }
0x7b: {  	[sflag:s20] =	ssyncset.done $0x0  }
0x7c: {  	[sflag:s20] =	ssyncadd.s32 $0xFFFFC000  }
0x7d: {  	s0 =	simm.s32 $0x14000;
	[bflag:$0x0] =	sbarrier.arrive $0xFFFF  }
0x7e: {  	[tilespmem:s22], [sflag:$0x1] =	stream.indirect.gather [hbm4b:s6+s23], $0x80, s0, s23, $0xb8;
	[tilespmem:$0x1D580] =	vst v63  }
0x7f: {  	_ =	swait.ge [sflag:s24], $0x4000  }
0x80: {  	[sflag:s24] =	ssyncset.done $0x0  }
0x81: {  	s31 =	simm.s32 $0x16800;
	[sflag:s24] =	ssyncadd.s32 $0xFFFFC000  }
0x82: {  	[spmem:s1] =	stream.indirect.scatter.add.f32 [tilespmem:s22], [sflag:$0x2], $0x80, s31, s23, $0xb8;
	[tilespmem:$0x1D580] =	vst v63  }
0x83: {  	_ =	swait.ge [sflag:s20], $0x4000  }
0x84: {  	s30 =	simm.s32 $0x400;
	s29 =	simm.s32 $0x80;
	[sflag:s20] =	ssyncset.done $0x0  }
.LBB2_10:
0x85: {  	s0 =	sadd.s32 $0x14000, s29  }
0x86: {  	[sflag:s20] =	ssyncadd.s32 $0xFFFFC000;
	s25 =	smov.u32 s30;
	s31 =	sadd.s32 $0x200, s30  }
0x87: {  	[tilespmem:s22], [sflag:$0x1] =	stream.indirect.gather [hbm4b:s6+s23], $0x80, s0, s23, $0xb8;
	[tilespmem:$0x1D580] =	vst v63  }
0x88: {  	p1 =	sne.s32 s30, $0x9E00;
	_ =	swait.ge [sflag:s24], $0x4000  }
.Ltmp4:
0x89: {  	[sflag:s24] =	ssyncset.done $0x0;
	(pc) =	sbr.rel @p1 .LBB2_10-.Ltmp4, $4  }
0x8a: {  	s0 =	sadd.s32 $0x16800, s29;
	[sflag:s24] =	ssyncadd.s32 $0xFFFFC000  }
0x8b: {  	[spmem:s1] =	stream.indirect.scatter.add.f32 [tilespmem:s22], [sflag:$0x2], $0x80, s0, s23, $0xb8;
	[tilespmem:$0x1D580] =	vst v63  }
0x8c: {  	_ =	swait.ge [sflag:s20], $0x4000  }
0x8d: {  	s29 =	sshra.s32 s25, $0x2;
	s30 =	smov.u32 s31;
	[sflag:s20] =	ssyncset.done $0x0  }
.Ltmp5:
0x8e: {  	_ = 	snop;
	(pc) =	sbr.rel .LBB2_11-.Ltmp5, $1  }
0x8f: {  	_ =	sdelay $0x3  }
.LBB2_2:
0x90: {  	s29 =	sand.u32 $0xFE00, s4  }
0x91: {  	s30 =	sand.u32 $0x70, s4;
	s31 =	sshrl.u32 s29, $0x2  }
0x92: {  	s29 =	simm.s32 $0x40;
	s31 =	sor.u32 s30, s31;
	s30 =	simm.s32 $0x0  }
.LBB2_3:
0x93: {  	p1 =	sne.s32 s29, $0xFFC0  }
0x94: {  	[tilespmem:s31+$0x19000] =	vst v0;
	s30 =	sadd.s32 $0x10, s30;
	s31 =	smov.u32 s29;
	s29 =	sadd.s32 $0x40, s29  }
.Ltmp6:
0x95: {  	(pc) =	sbr.rel @p1 .LBB2_3-.Ltmp6, $4  }
0x96: {  	_ = 	snop  }
0x97: {  	s31 =	sand.u32 $0xFE00, s31  }
0x98: {  	s0 =	sand.u32 $0x70, s30;
	s31 =	sshrl.u32 s31, $0x2  }
0x99: {  	s31 =	sor.u32 s0, s31  }
0x9a: {  	[tilespmem:s31+$0x19000] =	vst v0  }
0x9b: {  	[spmem:s9] =	stream.linear.scatter [tilespmem:s22], [sflag:$0x2], $0x4000, $0x38;
	[tilespmem:$0x1D580] =	vst v63  }
0x9c: {  	_ =	swait.ge [sflag:s20], $0x4000  }
0x9d: {  	[sflag:s20] =	ssyncset.done $0x0  }
0x9e: {  	[sflag:s20] =	ssyncadd.s32 $0xFFFFC000  }
0x9f: {  	[spmem:s10] =	stream.linear.scatter [tilespmem:s22], [sflag:$0x2], $0x4000, $0x38;
	[tilespmem:$0x1D580] =	vst v63  }
0xa0: {  	_ =	swait.ge [sflag:s20], $0x4000  }
0xa1: {  	[sflag:s20] =	ssyncset.done $0x0  }
0xa2: {  	[sflag:s20] =	ssyncadd.s32 $0xFFFFC000  }
0xa3: {  	[spmem:s11] =	stream.linear.scatter [tilespmem:s22], [sflag:$0x2], $0x4000, $0x38;
	[tilespmem:$0x1D580] =	vst v63  }
0xa4: {  	_ =	swait.ge [sflag:s20], $0x4000  }
0xa5: {  	[sflag:s20] =	ssyncset.done $0x0  }
0xa6: {  	[sflag:s20] =	ssyncadd.s32 $0xFFFFC000  }
0xa7: {  	[spmem:s12] =	stream.linear.scatter [tilespmem:s22], [sflag:$0x2], $0x4000, $0x38;
	[tilespmem:$0x1D580] =	vst v63  }
0xa8: {  	_ =	swait.ge [sflag:s20], $0x4000  }
0xa9: {  	[sflag:s20] =	ssyncset.done $0x0  }
0xaa: {  	[sflag:s20] =	ssyncadd.s32 $0xFFFFC000  }
0xab: {  	[spmem:s13] =	stream.linear.scatter [tilespmem:s22], [sflag:$0x2], $0x4000, $0x38;
	[tilespmem:$0x1D580] =	vst v63  }
0xac: {  	_ =	swait.ge [sflag:s20], $0x4000  }
0xad: {  	[sflag:s20] =	ssyncset.done $0x0  }
0xae: {  	s0 =	simm.s32 $0x1D280;
	[sflag:s20] =	ssyncadd.s32 $0xFFFFC000  }
0xaf: {  	[spmem:s14] =	stream.linear.scatter [tilespmem:s0], [sflag:$0x2], $0x280, $0x38;
	[tilespmem:$0x1D580] =	vst v63  }
0xb0: {  	_ =	swait.ge [sflag:s20], $0x280  }
0xb1: {  	[sflag:s20] =	ssyncset.done $0x0  }
0xb2: {  	[sflag:s20] =	ssyncadd.s32 $0xFFFFFD80  }
0xb3: {  	s25 =	simm.s32 $0x14000;
	[bflag:$0x0] =	sbarrier.arrive $0xFFFF  }
0xb4: {  	[tilespmem:s22], [sflag:$0x1] =	stream.indirect.gather [hbm4b:s5+s23], $0x80, s25, s23, $0xb8;
	[tilespmem:$0x1D580] =	vst v63  }
0xb5: {  	_ =	swait.ge [sflag:s24], $0x4000  }
0xb6: {  	[sflag:s24] =	ssyncset.done $0x0  }
0xb7: {  	s31 =	simm.s32 $0x16800;
	[sflag:s24] =	ssyncadd.s32 $0xFFFFC000  }
0xb8: {  	[spmem:s1] =	stream.indirect.scatter.add.f32 [tilespmem:s22], [sflag:$0x2], $0x80, s31, s23, $0xb8;
	[tilespmem:$0x1D580] =	vst v63  }
0xb9: {  	_ =	swait.ge [sflag:s20], $0x4000  }
0xba: {  	[sflag:s20] =	ssyncset.done $0x0  }
0xbb: {  	[sflag:s20] =	ssyncadd.s32 $0xFFFFC000  }
0xbc: {  	[spmem:s3] =	stream.indirect.scatter.add.f32 [tilespmem:s26], [sflag:$0x2], $0x1, s31, s23, $0xb8;
	[tilespmem:$0x1D580] =	vst v63  }
0xbd: {  	_ =	swait.ge [sflag:s20], $0x80  }
0xbe: {  	s30 =	simm.s32 $0x400;
	s29 =	simm.s32 $0x80;
	[sflag:s20] =	ssyncset.done $0x0  }
.LBB2_5:
0xbf: {  	s0 =	sadd.s32 $0x14000, s29  }
0xc0: {  	[sflag:s20] =	ssyncadd.s32 $0xFFFFFF80;
	s31 =	smov.u32 s30;
	s25 =	sadd.s32 $0x200, s30  }
0xc1: {  	[tilespmem:s22], [sflag:$0x1] =	stream.indirect.gather [hbm4b:s5+s23], $0x80, s0, s23, $0xb8;
	[tilespmem:$0x1D580] =	vst v63  }
0xc2: {  	p1 =	sne.s32 s30, $0x9E00;
	_ =	swait.ge [sflag:s24], $0x4000  }
0xc3: {  	[sflag:s24] =	ssyncset.done $0x0  }
0xc4: {  	s0 =	sadd.s32 $0x16800, s29;
	[sflag:s24] =	ssyncadd.s32 $0xFFFFC000  }
0xc5: {  	[spmem:s1] =	stream.indirect.scatter.add.f32 [tilespmem:s22], [sflag:$0x2], $0x80, s0, s23, $0xb8;
	[tilespmem:$0x1D580] =	vst v63  }
0xc6: {  	_ =	swait.ge [sflag:s20], $0x4000  }
.Ltmp7:
0xc7: {  	[sflag:s20] =	ssyncset.done $0x0;
	(pc) =	sbr.rel @p1 .LBB2_5-.Ltmp7, $4  }
0xc8: {  	[sflag:s20] =	ssyncadd.s32 $0xFFFFC000  }
0xc9: {  	[spmem:s3] =	stream.indirect.scatter.add.f32 [tilespmem:s26], [sflag:$0x2], $0x1, s0, s23, $0xb8;
	[tilespmem:$0x1D580] =	vst v63  }
0xca: {  	_ =	swait.ge [sflag:s20], $0x80  }
0xcb: {  	s29 =	sshra.s32 s31, $0x2;
	s30 =	smov.u32 s25;
	[sflag:s20] =	ssyncset.done $0x0  }
0xcc: {  	s0 =	sadd.s32 $0x14000, s29;
	[sflag:s20] =	ssyncadd.s32 $0xFFFFFF80  }
0xcd: {  	[tilespmem:s22], [sflag:$0x1] =	stream.indirect.gather [hbm4b:s5+s23], $0x80, s0, s23, $0xb8;
	[tilespmem:$0x1D580] =	vst v63  }
0xce: {  	_ =	swait.ge [sflag:s24], $0x4000  }
0xcf: {  	[sflag:s24] =	ssyncset.done $0x0  }
0xd0: {  	s29 =	sadd.s32 $0x16800, s29;
	[sflag:s24] =	ssyncadd.s32 $0xFFFFC000  }
0xd1: {  	[spmem:s1] =	stream.indirect.scatter.add.f32 [tilespmem:s22], [sflag:$0x2], $0x80, s29, s23, $0xb8;
	[tilespmem:$0x1D580] =	vst v63  }
0xd2: {  	_ =	swait.ge [sflag:s20], $0x4000  }
0xd3: {  	[sflag:s20] =	ssyncset.done $0x0  }
0xd4: {  	[sflag:s20] =	ssyncadd.s32 $0xFFFFC000  }
0xd5: {  	[spmem:s3] =	stream.indirect.scatter.add.f32 [tilespmem:s26], [sflag:$0x2], $0x1, s29, s23, $0xb8;
	[tilespmem:$0x1D580] =	vst v63  }
0xd6: {  	_ =	swait.ge [sflag:s20], $0x80  }
0xd7: {  	[sflag:s20] =	ssyncset.done $0x0  }
0xd8: {  	s30 =	sshll.u32 s2, $0x6;
	[sflag:s20] =	ssyncadd.s32 $0xFFFFFF80  }
0xd9: {  	s25 =	sshrl.u32 s9, $0x3;
	s0 =	sor.u32 $0x1C02, s30;
	[bflag:$0x0] =	sbarrier.arrive $0xFFFF  }
0xda: {  	[hbm:s15], [sflag:s0] =	dma.local [spmem:s25], $0x2800  }
0xdb: {  	_ =	swait.ge [sflag:s20], $0x2800  }
0xdc: {  	[sflag:s20] =	ssyncset.done $0x0  }
.Ltmp8:
0xdd: {  	s31 =	sshrl.u32 s14, $0x3;
	[sflag:s20] =	ssyncadd.s32 $0xFFFFD800;
	(pc) =	sbr.rel .LBB2_12-.Ltmp8, $4  }
0xde: {  	[hbm:s16], [sflag:s0] =	dma.local [spmem:s31], $0x50  }
0xdf: {  	_ =	swait.ge [sflag:s20], $0x50  }
0xe0: {  	[sflag:s20] =	ssyncset.done $0x0  }
0xe1: {  	[sflag:s20] =	ssyncadd.s32 $0xFFFFFFB0  }
.LBB2_13:
0xe2: {  	_ =	sfence.sel $0x180000  }
0xe3: {  	[bflag:$0x0] =	sbarrier.arrive $0xFFFF  }
0xe4: {  	_ =	strace $0x90000047  }
0xe5: {  	[bflag:$0x2] =	sbarrier.arrive $0xFFFF  }
0xe6: {  	p0 =	sne.s32 s2, $0x0;
	s0 =	rddreg [dreg:$0x4]  }
0xe7: {  	s0 =	sadd.s32 @!p0 $0x100000, s0  }
0xe8: {  	[sflag:s0] =	ssyncadd.tile.s32 @!p0 $0x1;
	_ =	shalt  }
.Lfunc_end2:
_tile_overlayer_lowered:
.L_overlay_start_2:
0xe9: {  	(tag) =	ssettag $0x2  }
0xea: {  	s0 =	rddreg [dreg:$0x0];
	s2 =	stileid.u32  }
0xeb: {  	s1 =	rddreg [dreg:$0x1];
	p0 =	sne.s32 s2, $0x0  }
0xec: {  	s3 =	rddreg [dreg:$0x2];
	[bflag:$0x3] =	sbarrier.arrive $0xFFFF;
	s2 =	simm.s32 @!p0 $0x1C02  }
0xed: {  	[timem:s3], [sflag:s2] =	dma.local @!p0 [hbm:s0], s1  }
0xee: {  	s0 =	simm.s32 @!p0 $0x2  }
0xef: {  	_ =	swait.ge @!p0 [sflag:s0], s1  }
0xf0: {  	s1 =	ssub.s32 @!p0 $0x0, s1;
	[sflag:s0] =	ssyncset.done @!p0 $0x0  }
0xf1: {  	[sflag:s0] =	ssyncadd.s32 @!p0 s1  }
0xf2: {  	[bflag:$0x3] =	sbarrier.arrive $0xFFFF  }
0xf3: {  	_ =	shalt  }

</sc_bundles>
